<compile_context>
chip_gen: v7x
topology: tpu7x:2x2x1
jax: 0.10.2.dev20260603
libtpu: 0.0.44.dev20260713+nightly
codegen_flags: <defaults>
</compile_context>

<pallas_src>
import jax
import jax.numpy as jnp
from jax import lax
from jax.experimental import pallas as pl
from jax.experimental.pallas import tpu as pltpu
from jax.experimental.pallas import tpu_sc as plsc

V = 8192
D = 8192
N = 8192
LANES = 16
NC, NS = 2, 16
NW = NC * NS
RPW = N // NW
K = 2
NBUF = 4
PF = 3
NCHUNK = RPW // K


def _sc_main(emb, idx_pad, tgt, out, sums, tvals,
             idxp_v, tgt_v, tvals_v, sums_v, rows_v,
             gsem0, gsem1, gsem2, gsem3, wsem0, wsem1, wsem2, wsem3):
    wid = lax.axis_index("s") * NC + lax.axis_index("c")
    base = wid * RPW

    pltpu.sync_copy(idx_pad.at[pl.ds(wid * (8 * NCHUNK), 8 * NCHUNK)], idxp_v)
    pltpu.sync_copy(tgt.at[pl.ds(base, RPW)], tgt_v.at[pl.ds(0, RPW)])

    gsems = (gsem0, gsem1, gsem2, gsem3)
    wsems = (wsem0, wsem1, wsem2, wsem3)

    def gather(g, b):
        return pltpu.make_async_copy(
            emb.at[idxp_v.at[pl.ds(g * 8, K)]], rows_v.at[b], gsems[b])

    def writeout(g, b):
        return pltpu.make_async_copy(
            rows_v.at[b], out.at[pl.ds(base + g * K, K)], wsems[b])

    for p in range(PF):
        gather(p, p).start()

    def chunk_body(go, tacc):
        for b in range(NBUF):
            g = go * NBUF + b
            gather(g, b).wait()
            writeout(g, b).start()
            for r in range(K):
                def inner(i, acc):
                    a = acc
                    for u in range(8):
                        sl = pl.ds(i * (8 * LANES) + u * LANES, LANES)
                        a = a + jnp.exp(rows_v[b, r, sl])
                    return a
                acc = lax.fori_loop(0, D // (8 * LANES), inner,
                                    jnp.zeros((LANES,), jnp.float32))
                sums_v[g * K + r, :] = acc
                t = tgt_v[pl.ds(g * K + r, LANES)][0]
                col = (t // LANES) * LANES
                v = rows_v[b, r, pl.ds(col, LANES)]
                lv = lax.broadcasted_iota(jnp.int32, (LANES,), 0)
                tacc = tacc + jnp.where(lv == t - col, v, 0.0)
            b3 = (b + PF) % NBUF

            @pl.when(g + PF < NCHUNK)
            def _():
                @pl.when(g + PF - NBUF >= 0)
                def _():
                    writeout(g + PF - NBUF, b3).wait()
                gather(g + PF, b3).start()
        return tacc
    tacc = lax.fori_loop(0, NCHUNK // NBUF, chunk_body,
                         jnp.zeros((LANES,), jnp.float32))
    for c in range(NCHUNK - NBUF, NCHUNK):
        writeout(c, c % NBUF).wait()
    tvals_v[0, :] = tacc
    pltpu.sync_copy(tvals_v, tvals.at[pl.ds(wid, 1)])
    pltpu.sync_copy(sums_v, sums.at[pl.ds(base, RPW)])


def _finalize_body(sums_ref, tvals_ref, loss_ref):
    rowsum = jnp.sum(sums_ref[...], axis=1, keepdims=True)
    loss_ref[0, 0] = (jnp.sum(jnp.log(rowsum)) - jnp.sum(tvals_ref[...])) / N


def kernel(emb, idx, targets):
    idx_flat = idx.reshape(-1).astype(jnp.int32)
    idx_pad = jnp.pad(idx_flat.reshape(-1, K), ((0, 0), (0, 8 - K))).reshape(-1)
    tgt_flat = targets.reshape(-1).astype(jnp.int32)

    mesh = plsc.VectorSubcoreMesh(core_axis_name="c", subcore_axis_name="s")
    out, sums, tvals = pl.kernel(
        _sc_main,
        mesh=mesh,
        out_type=[
            jax.ShapeDtypeStruct((N, D), jnp.float32),
            jax.ShapeDtypeStruct((N, LANES), jnp.float32),
            jax.ShapeDtypeStruct((NW, LANES), jnp.float32),
        ],
        scratch_types=[
            pltpu.VMEM((8 * NCHUNK,), jnp.int32),
            pltpu.VMEM((RPW + LANES,), jnp.int32),
            pltpu.VMEM((1, LANES), jnp.float32),
            pltpu.VMEM((RPW, LANES), jnp.float32),
            pltpu.VMEM((NBUF, K, D), jnp.float32),
        ] + [pltpu.SemaphoreType.DMA] * (2 * NBUF),
    )(emb, idx_pad, tgt_flat)

    loss2d = pl.pallas_call(
        _finalize_body,
        out_shape=jax.ShapeDtypeStruct((1, 1), jnp.float32),
        out_specs=pl.BlockSpec(memory_space=pltpu.SMEM),
    )(sums, tvals)
    return out, loss2d[0, 0]

# --- scband reference (transcript-rebuilt; emitter-appended) ---
"""Pipeline reference for scband-bigram-model-7447473291476 (READ-ONLY COPY).

The authoritative reference and input builder live on the scoring server;
editing this copy changes nothing except your own understanding.
"""

import jax, jax.numpy as jnp
import numpy as np

VOCAB = 8192
B, T = 4, 2048


def setup_inputs(seed: int = 0) -> dict:
    key = jax.random.key(seed)
    k1, k2, k3 = jax.random.split(key, 3)
    idx = jax.random.randint(k1, (B, T), 0, VOCAB)
    targets = jax.random.randint(k2, (B, T), 0, VOCAB)
    # nn.Embedding(vocab, vocab) weight, N(0,1) init in torch; use small scale for numerical sanity
    emb = jax.random.normal(k3, (VOCAB, VOCAB), dtype=jnp.float32) * 0.02
    return {"emb": emb, "idx": idx, "targets": targets}


def reference(emb, idx, targets):
    # logits = self.emb(idx) -> gather rows
    logits = jnp.take(emb, idx, axis=0)  # [B, T, VOCAB]
    Bv, Tv, C = logits.shape
    logits_flat = logits.reshape(Bv * Tv, C)
    t = targets.reshape(Bv * Tv)
    # F.cross_entropy with mean reduction
    logz = jax.nn.log_softmax(logits_flat, axis=-1)
    nll = -jnp.take_along_axis(logz, t[:, None], axis=1)[:, 0]
    loss = jnp.mean(nll)
    return (logits_flat, loss)

if __name__ == "__main__":
    import jax
    _d = setup_inputs()
    print(jax.jit(kernel)(*tuple(_d.values())))

</pallas_src>

<mosaic_0001>
#map = affine_map<(d0, d1) -> (0, 0)>
#map1 = affine_map<(d0, d1) -> (0)>
module attributes {stable_mosaic.version = 14 : i64} {
  func.func @_sc_main(%arg0: i32, %arg1: i32, %arg2: memref<8192x8192xf32, #tpu.memory_space<hbm>>, %arg3: memref<32768xi32, #tpu.memory_space<hbm>>, %arg4: memref<8192xi32, #tpu.memory_space<hbm>>, %arg5: memref<8192x8192xf32, #tpu.memory_space<hbm>>, %arg6: memref<8192x16xf32, #tpu.memory_space<hbm>>, %arg7: memref<32x16xf32, #tpu.memory_space<hbm>>, %arg8: memref<1024xi32, #tpu.memory_space<vmem>>, %arg9: memref<272xi32, #tpu.memory_space<vmem>>, %arg10: memref<1x16xf32, #tpu.memory_space<vmem>>, %arg11: memref<256x16xf32, #tpu.memory_space<vmem>>, %arg12: memref<4x2x8192xf32, #tpu.memory_space<vmem>>, %arg13: memref<!tpu.dma_semaphore, #tpu.memory_space<semaphore_mem>>, %arg14: memref<!tpu.dma_semaphore, #tpu.memory_space<semaphore_mem>>, %arg15: memref<!tpu.dma_semaphore, #tpu.memory_space<semaphore_mem>>, %arg16: memref<!tpu.dma_semaphore, #tpu.memory_space<semaphore_mem>>, %arg17: memref<!tpu.dma_semaphore, #tpu.memory_space<semaphore_mem>>, %arg18: memref<!tpu.dma_semaphore, #tpu.memory_space<semaphore_mem>>, %arg19: memref<!tpu.dma_semaphore, #tpu.memory_space<semaphore_mem>>, %arg20: memref<!tpu.dma_semaphore, #tpu.memory_space<semaphore_mem>>) attributes {dimension_semantics = [#tpu.dimension_semantics<core_parallel>, #tpu.dimension_semantics<subcore_parallel>], iteration_bounds = array<i64: 2, 16>, scalar_prefetch = 0 : i64, scratch_operands = 13 : i64, tpu.core_type = #tpu.core_type<sc_vector_subcore>, window_params = [{transform_indices = #map}, {transform_indices = #map1}, {transform_indices = #map1}, {transform_indices = #map}, {transform_indices = #map}, {transform_indices = #map}]} {
    %mul3A = arith.constant 2 : i32
    %mul3A_0 = arith.muli %arg1, %mul3A : i32
    %add3A = arith.addi %mul3A_0, %arg0 : i32
    %mul3A_1 = arith.constant 256 : i32
    %mul3A_2 = arith.muli %add3A, %mul3A_1 : i32
    %mul3A_3 = arith.constant 1024 : i32
    %mul3A_4 = arith.muli %add3A, %mul3A_3 : i32
    "tpu.region"() ({
      %run_scoped3A = tpu.sem_alloc : memref<!tpu.dma_semaphore, #tpu.memory_space<semaphore_mem>>
      %dma_start3A_104 = tpu.memref_slice %arg3[%mul3A_4] : memref<32768xi32, #tpu.memory_space<hbm>> -> memref<1024xi32, #tpu.memory_space<hbm>>
      %dma_start3A_105 = tpu.memref_slice %arg3[%mul3A_4] : memref<32768xi32, #tpu.memory_space<hbm>> -> memref<1024xi32, #tpu.memory_space<hbm>>
      tpu.enqueue_dma source(%dma_start3A_105 : memref<1024xi32, #tpu.memory_space<hbm>>) target(%arg8 : memref<1024xi32, #tpu.memory_space<vmem>>) target_semaphore(%run_scoped3A : memref<!tpu.dma_semaphore, #tpu.memory_space<semaphore_mem>>)
      %dma_wait3A_106 = tpu.memref_slice %arg3[%mul3A_4] : memref<32768xi32, #tpu.memory_space<hbm>> -> memref<1024xi32, #tpu.memory_space<hbm>>
      %dma_wait3A_107 = tpu.memref_slice %arg3[%mul3A_4] : memref<32768xi32, #tpu.memory_space<hbm>> -> memref<1024xi32, #tpu.memory_space<hbm>>
      tpu.wait_dma2 semaphore(%run_scoped3A : memref<!tpu.dma_semaphore, #tpu.memory_space<semaphore_mem>>) src(%dma_wait3A_107 : memref<1024xi32, #tpu.memory_space<hbm>>) dst(%arg8 : memref<1024xi32, #tpu.memory_space<vmem>>)
      tpu.yield
    }) : () -> ()
    "tpu.region"() ({
      %run_scoped3A = tpu.sem_alloc : memref<!tpu.dma_semaphore, #tpu.memory_space<semaphore_mem>>
      %dma_start3A_104 = arith.constant 0 : i32
      %dma_start3A_105 = tpu.memref_slice %arg9[%dma_start3A_104] : memref<272xi32, #tpu.memory_space<vmem>> -> memref<256xi32, #tpu.memory_space<vmem>>
      %dma_start3A_106 = tpu.memref_slice %arg4[%mul3A_2] : memref<8192xi32, #tpu.memory_space<hbm>> -> memref<256xi32, #tpu.memory_space<hbm>>
      %dma_start3A_107 = arith.constant 0 : i32
      %dma_start3A_108 = tpu.memref_slice %arg9[%dma_start3A_107] : memref<272xi32, #tpu.memory_space<vmem>> -> memref<256xi32, #tpu.memory_space<vmem>>
      %dma_start3A_109 = tpu.memref_slice %arg4[%mul3A_2] : memref<8192xi32, #tpu.memory_space<hbm>> -> memref<256xi32, #tpu.memory_space<hbm>>
      tpu.enqueue_dma source(%dma_start3A_109 : memref<256xi32, #tpu.memory_space<hbm>>) target(%dma_start3A_108 : memref<256xi32, #tpu.memory_space<vmem>>) target_semaphore(%run_scoped3A : memref<!tpu.dma_semaphore, #tpu.memory_space<semaphore_mem>>)
      %dma_wait3A_110 = arith.constant 0 : i32
      %dma_wait3A_111 = tpu.memref_slice %arg9[%dma_wait3A_110] : memref<272xi32, #tpu.memory_space<vmem>> -> memref<256xi32, #tpu.memory_space<vmem>>
      %dma_wait3A_112 = tpu.memref_slice %arg4[%mul3A_2] : memref<8192xi32, #tpu.memory_space<hbm>> -> memref<256xi32, #tpu.memory_space<hbm>>
      %dma_wait3A_113 = arith.constant 0 : i32
      %dma_wait3A_114 = tpu.memref_slice %arg9[%dma_wait3A_113] : memref<272xi32, #tpu.memory_space<vmem>> -> memref<256xi32, #tpu.memory_space<vmem>>
      %dma_wait3A_115 = tpu.memref_slice %arg4[%mul3A_2] : memref<8192xi32, #tpu.memory_space<hbm>> -> memref<256xi32, #tpu.memory_space<hbm>>
      tpu.wait_dma2 semaphore(%run_scoped3A : memref<!tpu.dma_semaphore, #tpu.memory_space<semaphore_mem>>) src(%dma_wait3A_115 : memref<256xi32, #tpu.memory_space<hbm>>) dst(%dma_wait3A_114 : memref<256xi32, #tpu.memory_space<vmem>>)
      tpu.yield
    }) : () -> ()
    %dma_start3A = arith.constant 0 : i32
    %dma_start3A_5 = arith.constant 0 : i32
    %dma_start3A_6 = arith.constant 0 : i32
    %dma_start3A_7 = tpu.memref_slice %arg12[%dma_start3A, %dma_start3A_5, %dma_start3A_6] : memref<4x2x8192xf32, #tpu.memory_space<vmem>> -> memref<1x2x8192xf32, #tpu.memory_space<vmem>>
    %dma_start3A_8 = tpu.memref_squeeze %dma_start3A_7 : memref<1x2x8192xf32, #tpu.memory_space<vmem>> -> memref<2x8192xf32, #tpu.memory_space<vmem>>
    %dma_start3A_9 = arith.constant 0 : i32
    %dma_start3A_10 = tpu.memref_slice %arg8[%dma_start3A_9] : memref<1024xi32, #tpu.memory_space<vmem>> -> memref<2xi32, #tpu.memory_space<vmem>>
    %dma_start3A_11 = arith.constant 0 : i32
    %dma_start3A_12 = arith.constant 0 : i32
    %dma_start3A_13 = tpu.memref_slice %arg2[%dma_start3A_11, %dma_start3A_12] : memref<8192x8192xf32, #tpu.memory_space<hbm>> -> memref<8192x8192xf32, #tpu.memory_space<hbm>>
    tpu.enqueue_indirect_dma source(%dma_start3A_13 : memref<8192x8192xf32, #tpu.memory_space<hbm>>) target(%dma_start3A_8 : memref<2x8192xf32, #tpu.memory_space<vmem>>) offsets(%dma_start3A_10 : memref<2xi32, #tpu.memory_space<vmem>>) semaphore(%arg13 : memref<!tpu.dma_semaphore, #tpu.memory_space<semaphore_mem>>)
    %dma_start3A_14 = arith.constant 1 : i32
    %dma_start3A_15 = arith.constant 0 : i32
    %dma_start3A_16 = arith.constant 0 : i32
    %dma_start3A_17 = tpu.memref_slice %arg12[%dma_start3A_14, %dma_start3A_15, %dma_start3A_16] : memref<4x2x8192xf32, #tpu.memory_space<vmem>> -> memref<1x2x8192xf32, #tpu.memory_space<vmem>>
    %dma_start3A_18 = tpu.memref_squeeze %dma_start3A_17 : memref<1x2x8192xf32, #tpu.memory_space<vmem>> -> memref<2x8192xf32, #tpu.memory_space<vmem>>
    %dma_start3A_19 = arith.constant 8 : i32
    %dma_start3A_20 = tpu.memref_slice %arg8[%dma_start3A_19] : memref<1024xi32, #tpu.memory_space<vmem>> -> memref<2xi32, #tpu.memory_space<vmem>>
    %dma_start3A_21 = arith.constant 0 : i32
    %dma_start3A_22 = arith.constant 0 : i32
    %dma_start3A_23 = tpu.memref_slice %arg2[%dma_start3A_21, %dma_start3A_22] : memref<8192x8192xf32, #tpu.memory_space<hbm>> -> memref<8192x8192xf32, #tpu.memory_space<hbm>>
    tpu.enqueue_indirect_dma source(%dma_start3A_23 : memref<8192x8192xf32, #tpu.memory_space<hbm>>) target(%dma_start3A_18 : memref<2x8192xf32, #tpu.memory_space<vmem>>) offsets(%dma_start3A_20 : memref<2xi32, #tpu.memory_space<vmem>>) semaphore(%arg14 : memref<!tpu.dma_semaphore, #tpu.memory_space<semaphore_mem>>)
    %dma_start3A_24 = arith.constant 2 : i32
    %dma_start3A_25 = arith.constant 0 : i32
    %dma_start3A_26 = arith.constant 0 : i32
    %dma_start3A_27 = tpu.memref_slice %arg12[%dma_start3A_24, %dma_start3A_25, %dma_start3A_26] : memref<4x2x8192xf32, #tpu.memory_space<vmem>> -> memref<1x2x8192xf32, #tpu.memory_space<vmem>>
    %dma_start3A_28 = tpu.memref_squeeze %dma_start3A_27 : memref<1x2x8192xf32, #tpu.memory_space<vmem>> -> memref<2x8192xf32, #tpu.memory_space<vmem>>
    %dma_start3A_29 = arith.constant 16 : i32
    %dma_start3A_30 = tpu.memref_slice %arg8[%dma_start3A_29] : memref<1024xi32, #tpu.memory_space<vmem>> -> memref<2xi32, #tpu.memory_space<vmem>>
    %dma_start3A_31 = arith.constant 0 : i32
    %dma_start3A_32 = arith.constant 0 : i32
    %dma_start3A_33 = tpu.memref_slice %arg2[%dma_start3A_31, %dma_start3A_32] : memref<8192x8192xf32, #tpu.memory_space<hbm>> -> memref<8192x8192xf32, #tpu.memory_space<hbm>>
    tpu.enqueue_indirect_dma source(%dma_start3A_33 : memref<8192x8192xf32, #tpu.memory_space<hbm>>) target(%dma_start3A_28 : memref<2x8192xf32, #tpu.memory_space<vmem>>) offsets(%dma_start3A_30 : memref<2xi32, #tpu.memory_space<vmem>>) semaphore(%arg15 : memref<!tpu.dma_semaphore, #tpu.memory_space<semaphore_mem>>)
    %broadcast_in_dim3A = arith.constant 0.000000e+00 : f32
    %broadcast_in_dim3A_34 = vector.broadcast %broadcast_in_dim3A : f32 to vector<16xf32>
    %scan3A = arith.constant 0 : i32
    %scan3A_35 = arith.constant 32 : i32
    %scan3A_36 = arith.addi %scan3A, %scan3A_35 : i32
    %scan3A_37 = arith.constant 1 : i32
    %scan3A_38 = scf.for %scan3A_104 = %scan3A to %scan3A_36 step %scan3A_37 iter_args(%scan3A_105 = %broadcast_in_dim3A_34) -> (vector<16xf32>)  : i32 {
      %mul3A_106 = arith.constant 4 : i32
      %mul3A_107 = arith.muli %scan3A_104, %mul3A_106 : i32
      %add3A_108 = arith.constant 0 : i32
      %add3A_109 = arith.addi %mul3A_107, %add3A_108 : i32
      %mul3A_110 = arith.constant 8 : i32
      %mul3A_111 = arith.muli %add3A_109, %mul3A_110 : i32
      %dma_wait3A_112 = arith.constant 0 : i32
      %dma_wait3A_113 = arith.constant 0 : i32
      %dma_wait3A_114 = arith.constant 0 : i32
      %dma_wait3A_115 = tpu.memref_slice %arg12[%dma_wait3A_112, %dma_wait3A_113, %dma_wait3A_114] : memref<4x2x8192xf32, #tpu.memory_space<vmem>> -> memref<1x2x8192xf32, #tpu.memory_space<vmem>>
      %dma_wait3A_116 = tpu.memref_squeeze %dma_wait3A_115 : memref<1x2x8192xf32, #tpu.memory_space<vmem>> -> memref<2x8192xf32, #tpu.memory_space<vmem>>
      %dma_wait3A_117 = tpu.memref_slice %arg8[%mul3A_111] : memref<1024xi32, #tpu.memory_space<vmem>> -> memref<2xi32, #tpu.memory_space<vmem>>
      %dma_wait3A_118 = arith.constant 0 : i32
      %dma_wait3A_119 = arith.constant 0 : i32
      %dma_wait3A_120 = tpu.memref_slice %arg2[%dma_wait3A_118, %dma_wait3A_119] : memref<8192x8192xf32, #tpu.memory_space<hbm>> -> memref<8192x8192xf32, #tpu.memory_space<hbm>>
      tpu.wait_indirect_dma semaphore(%arg13 : memref<!tpu.dma_semaphore, #tpu.memory_space<semaphore_mem>>) src(%dma_wait3A_120 : memref<8192x8192xf32, #tpu.memory_space<hbm>>) dst(%dma_wait3A_116 : memref<2x8192xf32, #tpu.memory_space<vmem>>)
      %mul3A_121 = arith.constant 2 : i32
      %mul3A_122 = arith.muli %add3A_109, %mul3A_121 : i32
      %add3A_123 = arith.addi %mul3A_2, %mul3A_122 : i32
      %dma_start3A_124 = arith.constant 0 : i32
      %dma_start3A_125 = arith.constant 0 : i32
      %dma_start3A_126 = arith.constant 0 : i32
      %dma_start3A_127 = tpu.memref_slice %arg12[%dma_start3A_124, %dma_start3A_125, %dma_start3A_126] : memref<4x2x8192xf32, #tpu.memory_space<vmem>> -> memref<1x2x8192xf32, #tpu.memory_space<vmem>>
      %dma_start3A_128 = tpu.memref_squeeze %dma_start3A_127 : memref<1x2x8192xf32, #tpu.memory_space<vmem>> -> memref<2x8192xf32, #tpu.memory_space<vmem>>
      %dma_start3A_129 = arith.constant 0 : i32
      %dma_start3A_130 = tpu.memref_slice %arg5[%add3A_123, %dma_start3A_129] : memref<8192x8192xf32, #tpu.memory_space<hbm>> -> memref<2x8192xf32, #tpu.memory_space<hbm>>
      %dma_start3A_131 = arith.constant 0 : i32
      %dma_start3A_132 = tpu.memref_slice %arg5[%add3A_123, %dma_start3A_131] : memref<8192x8192xf32, #tpu.memory_space<hbm>> -> memref<2x8192xf32, #tpu.memory_space<hbm>>
      %dma_start3A_133 = arith.constant 0 : i32
      %dma_start3A_134 = arith.constant 0 : i32
      %dma_start3A_135 = tpu.memref_slice %arg12[%dma_start3A_124, %dma_start3A_133, %dma_start3A_134] : memref<4x2x8192xf32, #tpu.memory_space<vmem>> -> memref<1x2x8192xf32, #tpu.memory_space<vmem>>
      %dma_start3A_136 = tpu.memref_squeeze %dma_start3A_135 : memref<1x2x8192xf32, #tpu.memory_space<vmem>> -> memref<2x8192xf32, #tpu.memory_space<vmem>>
      tpu.enqueue_dma source(%dma_start3A_136 : memref<2x8192xf32, #tpu.memory_space<vmem>>) target(%dma_start3A_132 : memref<2x8192xf32, #tpu.memory_space<hbm>>) target_semaphore(%arg17 : memref<!tpu.dma_semaphore, #tpu.memory_space<semaphore_mem>>)
      %broadcast_in_dim3A_137 = arith.constant 0.000000e+00 : f32
      %broadcast_in_dim3A_138 = vector.broadcast %broadcast_in_dim3A_137 : f32 to vector<16xf32>
      %scan3A_139 = arith.constant 0 : i32
      %scan3A_140 = arith.constant 64 : i32
      %scan3A_141 = arith.addi %scan3A_139, %scan3A_140 : i32
      %scan3A_142 = arith.constant 1 : i32
      %scan3A_143 = scf.for %scan3A_778 = %scan3A_139 to %scan3A_141 step %scan3A_142 iter_args(%scan3A_779 = %broadcast_in_dim3A_138) -> (vector<16xf32>)  : i32 {
        %mul3A_780 = arith.constant 128 : i32
        %mul3A_781 = arith.muli %scan3A_778, %mul3A_780 : i32
        %add3A_782 = arith.constant 0 : i32
        %add3A_783 = arith.addi %mul3A_781, %add3A_782 : i32
        %get3A_784 = arith.constant 0 : i32
        %get3A_785 = arith.constant 0 : i32
        %get3A_786 = arith.index_cast %get3A_784 : i32 to index
        %get3A_787 = arith.index_cast %get3A_785 : i32 to index
        %get3A_788 = arith.index_cast %add3A_783 : i32 to index
        %get3A_789 = tpu.vector_load %arg12[%get3A_786, %get3A_787, %get3A_788] {strides = array<i32>} : memref<4x2x8192xf32, #tpu.memory_space<vmem>>, vector<1x1x16xf32>,
        %get3A_790 = vector.shape_cast %get3A_789 : vector<1x1x16xf32> to vector<16xf32>
        %exp3A = math.exp %get3A_790 : vector<16xf32>
        %add3A_791 = arith.addf %scan3A_779, %exp3A : vector<16xf32>
        %mul3A_792 = arith.constant 128 : i32
        %mul3A_793 = arith.muli %scan3A_778, %mul3A_792 : i32
        %add3A_794 = arith.constant 16 : i32
        %add3A_795 = arith.addi %mul3A_793, %add3A_794 : i32
        %get3A_796 = arith.constant 0 : i32
        %get3A_797 = arith.constant 0 : i32
        %get3A_798 = arith.index_cast %get3A_796 : i32 to index
        %get3A_799 = arith.index_cast %get3A_797 : i32 to index
        %get3A_800 = arith.index_cast %add3A_795 : i32 to index
        %get3A_801 = tpu.vector_load %arg12[%get3A_798, %get3A_799, %get3A_800] {strides = array<i32>} : memref<4x2x8192xf32, #tpu.memory_space<vmem>>, vector<1x1x16xf32>,
        %get3A_802 = vector.shape_cast %get3A_801 : vector<1x1x16xf32> to vector<16xf32>
        %exp3A_803 = math.exp %get3A_802 : vector<16xf32>
        %add3A_804 = arith.addf %add3A_791, %exp3A_803 : vector<16xf32>
        %mul3A_805 = arith.constant 128 : i32
        %mul3A_806 = arith.muli %scan3A_778, %mul3A_805 : i32
        %add3A_807 = arith.constant 32 : i32
        %add3A_808 = arith.addi %mul3A_806, %add3A_807 : i32
        %get3A_809 = arith.constant 0 : i32
        %get3A_810 = arith.constant 0 : i32
        %get3A_811 = arith.index_cast %get3A_809 : i32 to index
        %get3A_812 = arith.index_cast %get3A_810 : i32 to index
        %get3A_813 = arith.index_cast %add3A_808 : i32 to index
        %get3A_814 = tpu.vector_load %arg12[%get3A_811, %get3A_812, %get3A_813] {strides = array<i32>} : memref<4x2x8192xf32, #tpu.memory_space<vmem>>, vector<1x1x16xf32>,
        %get3A_815 = vector.shape_cast %get3A_814 : vector<1x1x16xf32> to vector<16xf32>
        %exp3A_816 = math.exp %get3A_815 : vector<16xf32>
        %add3A_817 = arith.addf %add3A_804, %exp3A_816 : vector<16xf32>
        %mul3A_818 = arith.constant 128 : i32
        %mul3A_819 = arith.muli %scan3A_778, %mul3A_818 : i32
        %add3A_820 = arith.constant 48 : i32
        %add3A_821 = arith.addi %mul3A_819, %add3A_820 : i32
        %get3A_822 = arith.constant 0 : i32
        %get3A_823 = arith.constant 0 : i32
        %get3A_824 = arith.index_cast %get3A_822 : i32 to index
        %get3A_825 = arith.index_cast %get3A_823 : i32 to index
        %get3A_826 = arith.index_cast %add3A_821 : i32 to index
        %get3A_827 = tpu.vector_load %arg12[%get3A_824, %get3A_825, %get3A_826] {strides = array<i32>} : memref<4x2x8192xf32, #tpu.memory_space<vmem>>, vector<1x1x16xf32>,
        %get3A_828 = vector.shape_cast %get3A_827 : vector<1x1x16xf32> to vector<16xf32>
        %exp3A_829 = math.exp %get3A_828 : vector<16xf32>
        %add3A_830 = arith.addf %add3A_817, %exp3A_829 : vector<16xf32>
        %mul3A_831 = arith.constant 128 : i32
        %mul3A_832 = arith.muli %scan3A_778, %mul3A_831 : i32
        %add3A_833 = arith.constant 64 : i32
        %add3A_834 = arith.addi %mul3A_832, %add3A_833 : i32
        %get3A_835 = arith.constant 0 : i32
        %get3A_836 = arith.constant 0 : i32
        %get3A_837 = arith.index_cast %get3A_835 : i32 to index
        %get3A_838 = arith.index_cast %get3A_836 : i32 to index
        %get3A_839 = arith.index_cast %add3A_834 : i32 to index
        %get3A_840 = tpu.vector_load %arg12[%get3A_837, %get3A_838, %get3A_839] {strides = array<i32>} : memref<4x2x8192xf32, #tpu.memory_space<vmem>>, vector<1x1x16xf32>,
        %get3A_841 = vector.shape_cast %get3A_840 : vector<1x1x16xf32> to vector<16xf32>
        %exp3A_842 = math.exp %get3A_841 : vector<16xf32>
        %add3A_843 = arith.addf %add3A_830, %exp3A_842 : vector<16xf32>
        %mul3A_844 = arith.constant 128 : i32
        %mul3A_845 = arith.muli %scan3A_778, %mul3A_844 : i32
        %add3A_846 = arith.constant 80 : i32
        %add3A_847 = arith.addi %mul3A_845, %add3A_846 : i32
        %get3A_848 = arith.constant 0 : i32
        %get3A_849 = arith.constant 0 : i32
        %get3A_850 = arith.index_cast %get3A_848 : i32 to index
        %get3A_851 = arith.index_cast %get3A_849 : i32 to index
        %get3A_852 = arith.index_cast %add3A_847 : i32 to index
        %get3A_853 = tpu.vector_load %arg12[%get3A_850, %get3A_851, %get3A_852] {strides = array<i32>} : memref<4x2x8192xf32, #tpu.memory_space<vmem>>, vector<1x1x16xf32>,
        %get3A_854 = vector.shape_cast %get3A_853 : vector<1x1x16xf32> to vector<16xf32>
        %exp3A_855 = math.exp %get3A_854 : vector<16xf32>
        %add3A_856 = arith.addf %add3A_843, %exp3A_855 : vector<16xf32>
        %mul3A_857 = arith.constant 128 : i32
        %mul3A_858 = arith.muli %scan3A_778, %mul3A_857 : i32
        %add3A_859 = arith.constant 96 : i32
        %add3A_860 = arith.addi %mul3A_858, %add3A_859 : i32
        %get3A_861 = arith.constant 0 : i32
        %get3A_862 = arith.constant 0 : i32
        %get3A_863 = arith.index_cast %get3A_861 : i32 to index
        %get3A_864 = arith.index_cast %get3A_862 : i32 to index
        %get3A_865 = arith.index_cast %add3A_860 : i32 to index
        %get3A_866 = tpu.vector_load %arg12[%get3A_863, %get3A_864, %get3A_865] {strides = array<i32>} : memref<4x2x8192xf32, #tpu.memory_space<vmem>>, vector<1x1x16xf32>,
        %get3A_867 = vector.shape_cast %get3A_866 : vector<1x1x16xf32> to vector<16xf32>
        %exp3A_868 = math.exp %get3A_867 : vector<16xf32>
        %add3A_869 = arith.addf %add3A_856, %exp3A_868 : vector<16xf32>
        %mul3A_870 = arith.constant 128 : i32
        %mul3A_871 = arith.muli %scan3A_778, %mul3A_870 : i32
        %add3A_872 = arith.constant 112 : i32
        %add3A_873 = arith.addi %mul3A_871, %add3A_872 : i32
        %get3A_874 = arith.constant 0 : i32
        %get3A_875 = arith.constant 0 : i32
        %get3A_876 = arith.index_cast %get3A_874 : i32 to index
        %get3A_877 = arith.index_cast %get3A_875 : i32 to index
        %get3A_878 = arith.index_cast %add3A_873 : i32 to index
        %get3A_879 = tpu.vector_load %arg12[%get3A_876, %get3A_877, %get3A_878] {strides = array<i32>} : memref<4x2x8192xf32, #tpu.memory_space<vmem>>, vector<1x1x16xf32>,
        %get3A_880 = vector.shape_cast %get3A_879 : vector<1x1x16xf32> to vector<16xf32>
        %exp3A_881 = math.exp %get3A_880 : vector<16xf32>
        %add3A_882 = arith.addf %add3A_869, %exp3A_881 : vector<16xf32>
        scf.yield %add3A_882 : vector<16xf32>
      }
      %scan3A_144 = arith.constant 64 : i32
      %mul3A_145 = arith.constant 2 : i32
      %mul3A_146 = arith.muli %add3A_109, %mul3A_145 : i32
      %add3A_147 = arith.constant 0 : i32
      %add3A_148 = arith.addi %mul3A_146, %add3A_147 : i32
      %swap3A_149 = arith.index_cast %add3A_148 : i32 to index
      %swap3A_150 = arith.constant 0 : index
      %swap3A_151 = tpu.vector_load %arg11[%swap3A_149, %swap3A_150] {strides = array<i32>} : memref<256x16xf32, #tpu.memory_space<vmem>>, vector<1x16xf32>,
      %swap3A_152 = vector.shape_cast %swap3A_151 : vector<1x16xf32> to vector<16xf32>
      %swap3A_153 = vector.shape_cast %scan3A_143 : vector<16xf32> to vector<1x16xf32>
      tpu.vector_store %arg11[%swap3A_149, %swap3A_150], %swap3A_153 {strides = array<i32>} : memref<256x16xf32, #tpu.memory_space<vmem>>, vector<1x16xf32>,
      %mul3A_154 = arith.constant 2 : i32
      %mul3A_155 = arith.muli %add3A_109, %mul3A_154 : i32
      %add3A_156 = arith.constant 0 : i32
      %add3A_157 = arith.addi %mul3A_155, %add3A_156 : i32
      %get3A = arith.index_cast %add3A_157 : i32 to index
      %get3A_158 = tpu.vector_load %arg9[%get3A] {strides = array<i32>} : memref<272xi32, #tpu.memory_space<vmem>>, vector<16xi32>,
      %get3A_159 = vector.shape_cast %get3A_158 : vector<16xi32> to vector<16xi32>
      %slice3A = vector.extract_strided_slice %get3A_159 {offsets = [0], sizes = [1], strides = [1]} : vector<16xi32> to vector<1xi32>
      %squeeze3A = vector.extract %slice3A[0] : i32 from vector<1xi32>
      %jit3A = arith.constant 16 : i32
      %div3A = arith.divsi %squeeze3A, %jit3A : i32
      %sign3A = arith.constant 0 : i32
      %sign3A_160 = arith.cmpi sgt, %squeeze3A, %sign3A : i32
      %sign3A_161 = arith.extui %sign3A_160 : i1 to i32
      %sign3A_162 = arith.constant 0 : i32
      %sign3A_163 = arith.cmpi slt, %squeeze3A, %sign3A_162 : i32
      %sign3A_164 = arith.extui %sign3A_163 : i1 to i32
      %sign3A_165 = arith.subi %sign3A_161, %sign3A_164 : i32
      %sign3A_166 = arith.constant 0 : i32
      %sign3A_167 = arith.cmpi sgt, %jit3A, %sign3A_166 : i32
      %sign3A_168 = arith.extui %sign3A_167 : i1 to i32
      %sign3A_169 = arith.constant 0 : i32
      %sign3A_170 = arith.cmpi slt, %jit3A, %sign3A_169 : i32
      %sign3A_171 = arith.extui %sign3A_170 : i1 to i32
      %sign3A_172 = arith.subi %sign3A_168, %sign3A_171 : i32
      %ne3A = arith.cmpi ne, %sign3A_165, %sign3A_172 : i32
      %rem3A = arith.remsi %squeeze3A, %jit3A : i32
      %ne3A_173 = arith.constant 0 : i32
      %ne3A_174 = arith.cmpi ne, %rem3A, %ne3A_173 : i32
      %and3A = arith.andi %ne3A, %ne3A_174 : i1
      %sub3A = arith.constant 1 : i32
      %sub3A_175 = arith.subi %div3A, %sub3A : i32
      %select_n3A = arith.select %and3A, %sub3A_175, %div3A : i32
      %mul3A_176 = arith.constant 16 : i32
      %mul3A_177 = arith.muli %select_n3A, %mul3A_176 : i32
      %get3A_178 = arith.constant 0 : i32
      %get3A_179 = arith.constant 0 : i32
      %get3A_180 = arith.index_cast %get3A_178 : i32 to index
      %get3A_181 = arith.index_cast %get3A_179 : i32 to index
      %get3A_182 = arith.index_cast %mul3A_177 : i32 to index
      %get3A_183 = tpu.vector_load %arg12[%get3A_180, %get3A_181, %get3A_182] {strides = array<i32>} : memref<4x2x8192xf32, #tpu.memory_space<vmem>>, vector<1x1x16xf32>,
      %get3A_184 = vector.shape_cast %get3A_183 : vector<1x1x16xf32> to vector<16xf32>
      %iota3A = tpu.iota {dimensions = array<i32: 0>} : vector<16xi32>
      %sub3A_185 = arith.subi %squeeze3A, %mul3A_177 : i32
      %eq3A = vector.broadcast %sub3A_185 : i32 to vector<16xi32>
      %eq3A_186 = arith.cmpi eq, %iota3A, %eq3A : vector<16xi32>
      %jit3A_187 = arith.constant 0.000000e+00 : f32
      %broadcast_in_dim3A_188 = vector.broadcast %jit3A_187 : f32 to vector<16xf32>
      %select_n3A_189 = arith.select %eq3A_186, %get3A_184, %broadcast_in_dim3A_188 : vector<16xi1>, vector<16xf32>
      %add3A_190 = arith.addf %scan3A_105, %select_n3A_189 : vector<16xf32>
      %broadcast_in_dim3A_191 = arith.constant 0.000000e+00 : f32
      %broadcast_in_dim3A_192 = vector.broadcast %broadcast_in_dim3A_191 : f32 to vector<16xf32>
      %scan3A_193 = arith.constant 0 : i32
      %scan3A_194 = arith.constant 64 : i32
      %scan3A_195 = arith.addi %scan3A_193, %scan3A_194 : i32
      %scan3A_196 = arith.constant 1 : i32
      %scan3A_197 = scf.for %scan3A_778 = %scan3A_193 to %scan3A_195 step %scan3A_196 iter_args(%scan3A_779 = %broadcast_in_dim3A_192) -> (vector<16xf32>)  : i32 {
        %mul3A_780 = arith.constant 128 : i32
        %mul3A_781 = arith.muli %scan3A_778, %mul3A_780 : i32
        %add3A_782 = arith.constant 0 : i32
        %add3A_783 = arith.addi %mul3A_781, %add3A_782 : i32
        %get3A_784 = arith.constant 0 : i32
        %get3A_785 = arith.constant 1 : i32
        %get3A_786 = arith.index_cast %get3A_784 : i32 to index
        %get3A_787 = arith.index_cast %get3A_785 : i32 to index
        %get3A_788 = arith.index_cast %add3A_783 : i32 to index
        %get3A_789 = tpu.vector_load %arg12[%get3A_786, %get3A_787, %get3A_788] {strides = array<i32>} : memref<4x2x8192xf32, #tpu.memory_space<vmem>>, vector<1x1x16xf32>,
        %get3A_790 = vector.shape_cast %get3A_789 : vector<1x1x16xf32> to vector<16xf32>
        %exp3A = math.exp %get3A_790 : vector<16xf32>
        %add3A_791 = arith.addf %scan3A_779, %exp3A : vector<16xf32>
        %mul3A_792 = arith.constant 128 : i32
        %mul3A_793 = arith.muli %scan3A_778, %mul3A_792 : i32
        %add3A_794 = arith.constant 16 : i32
        %add3A_795 = arith.addi %mul3A_793, %add3A_794 : i32
        %get3A_796 = arith.constant 0 : i32
        %get3A_797 = arith.constant 1 : i32
        %get3A_798 = arith.index_cast %get3A_796 : i32 to index
        %get3A_799 = arith.index_cast %get3A_797 : i32 to index
        %get3A_800 = arith.index_cast %add3A_795 : i32 to index
        %get3A_801 = tpu.vector_load %arg12[%get3A_798, %get3A_799, %get3A_800] {strides = array<i32>} : memref<4x2x8192xf32, #tpu.memory_space<vmem>>, vector<1x1x16xf32>,
        %get3A_802 = vector.shape_cast %get3A_801 : vector<1x1x16xf32> to vector<16xf32>
        %exp3A_803 = math.exp %get3A_802 : vector<16xf32>
        %add3A_804 = arith.addf %add3A_791, %exp3A_803 : vector<16xf32>
        %mul3A_805 = arith.constant 128 : i32
        %mul3A_806 = arith.muli %scan3A_778, %mul3A_805 : i32
        %add3A_807 = arith.constant 32 : i32
        %add3A_808 = arith.addi %mul3A_806, %add3A_807 : i32
        %get3A_809 = arith.constant 0 : i32
        %get3A_810 = arith.constant 1 : i32
        %get3A_811 = arith.index_cast %get3A_809 : i32 to index
        %get3A_812 = arith.index_cast %get3A_810 : i32 to index
        %get3A_813 = arith.index_cast %add3A_808 : i32 to index
        %get3A_814 = tpu.vector_load %arg12[%get3A_811, %get3A_812, %get3A_813] {strides = array<i32>} : memref<4x2x8192xf32, #tpu.memory_space<vmem>>, vector<1x1x16xf32>,
        %get3A_815 = vector.shape_cast %get3A_814 : vector<1x1x16xf32> to vector<16xf32>
        %exp3A_816 = math.exp %get3A_815 : vector<16xf32>
        %add3A_817 = arith.addf %add3A_804, %exp3A_816 : vector<16xf32>
        %mul3A_818 = arith.constant 128 : i32
        %mul3A_819 = arith.muli %scan3A_778, %mul3A_818 : i32
        %add3A_820 = arith.constant 48 : i32
        %add3A_821 = arith.addi %mul3A_819, %add3A_820 : i32
        %get3A_822 = arith.constant 0 : i32
        %get3A_823 = arith.constant 1 : i32
        %get3A_824 = arith.index_cast %get3A_822 : i32 to index
        %get3A_825 = arith.index_cast %get3A_823 : i32 to index
        %get3A_826 = arith.index_cast %add3A_821 : i32 to index
        %get3A_827 = tpu.vector_load %arg12[%get3A_824, %get3A_825, %get3A_826] {strides = array<i32>} : memref<4x2x8192xf32, #tpu.memory_space<vmem>>, vector<1x1x16xf32>,
        %get3A_828 = vector.shape_cast %get3A_827 : vector<1x1x16xf32> to vector<16xf32>
        %exp3A_829 = math.exp %get3A_828 : vector<16xf32>
        %add3A_830 = arith.addf %add3A_817, %exp3A_829 : vector<16xf32>
        %mul3A_831 = arith.constant 128 : i32
        %mul3A_832 = arith.muli %scan3A_778, %mul3A_831 : i32
        %add3A_833 = arith.constant 64 : i32
        %add3A_834 = arith.addi %mul3A_832, %add3A_833 : i32
        %get3A_835 = arith.constant 0 : i32
        %get3A_836 = arith.constant 1 : i32
        %get3A_837 = arith.index_cast %get3A_835 : i32 to index
        %get3A_838 = arith.index_cast %get3A_836 : i32 to index
        %get3A_839 = arith.index_cast %add3A_834 : i32 to index
        %get3A_840 = tpu.vector_load %arg12[%get3A_837, %get3A_838, %get3A_839] {strides = array<i32>} : memref<4x2x8192xf32, #tpu.memory_space<vmem>>, vector<1x1x16xf32>,
        %get3A_841 = vector.shape_cast %get3A_840 : vector<1x1x16xf32> to vector<16xf32>
        %exp3A_842 = math.exp %get3A_841 : vector<16xf32>
        %add3A_843 = arith.addf %add3A_830, %exp3A_842 : vector<16xf32>
        %mul3A_844 = arith.constant 128 : i32
        %mul3A_845 = arith.muli %scan3A_778, %mul3A_844 : i32
        %add3A_846 = arith.constant 80 : i32
        %add3A_847 = arith.addi %mul3A_845, %add3A_846 : i32
        %get3A_848 = arith.constant 0 : i32
        %get3A_849 = arith.constant 1 : i32
        %get3A_850 = arith.index_cast %get3A_848 : i32 to index
        %get3A_851 = arith.index_cast %get3A_849 : i32 to index
        %get3A_852 = arith.index_cast %add3A_847 : i32 to index
        %get3A_853 = tpu.vector_load %arg12[%get3A_850, %get3A_851, %get3A_852] {strides = array<i32>} : memref<4x2x8192xf32, #tpu.memory_space<vmem>>, vector<1x1x16xf32>,
        %get3A_854 = vector.shape_cast %get3A_853 : vector<1x1x16xf32> to vector<16xf32>
        %exp3A_855 = math.exp %get3A_854 : vector<16xf32>
        %add3A_856 = arith.addf %add3A_843, %exp3A_855 : vector<16xf32>
        %mul3A_857 = arith.constant 128 : i32
        %mul3A_858 = arith.muli %scan3A_778, %mul3A_857 : i32
        %add3A_859 = arith.constant 96 : i32
        %add3A_860 = arith.addi %mul3A_858, %add3A_859 : i32
        %get3A_861 = arith.constant 0 : i32
        %get3A_862 = arith.constant 1 : i32
        %get3A_863 = arith.index_cast %get3A_861 : i32 to index
        %get3A_864 = arith.index_cast %get3A_862 : i32 to index
        %get3A_865 = arith.index_cast %add3A_860 : i32 to index
        %get3A_866 = tpu.vector_load %arg12[%get3A_863, %get3A_864, %get3A_865] {strides = array<i32>} : memref<4x2x8192xf32, #tpu.memory_space<vmem>>, vector<1x1x16xf32>,
        %get3A_867 = vector.shape_cast %get3A_866 : vector<1x1x16xf32> to vector<16xf32>
        %exp3A_868 = math.exp %get3A_867 : vector<16xf32>
        %add3A_869 = arith.addf %add3A_856, %exp3A_868 : vector<16xf32>
        %mul3A_870 = arith.constant 128 : i32
        %mul3A_871 = arith.muli %scan3A_778, %mul3A_870 : i32
        %add3A_872 = arith.constant 112 : i32
        %add3A_873 = arith.addi %mul3A_871, %add3A_872 : i32
        %get3A_874 = arith.constant 0 : i32
        %get3A_875 = arith.constant 1 : i32
        %get3A_876 = arith.index_cast %get3A_874 : i32 to index
        %get3A_877 = arith.index_cast %get3A_875 : i32 to index
        %get3A_878 = arith.index_cast %add3A_873 : i32 to index
        %get3A_879 = tpu.vector_load %arg12[%get3A_876, %get3A_877, %get3A_878] {strides = array<i32>} : memref<4x2x8192xf32, #tpu.memory_space<vmem>>, vector<1x1x16xf32>,
        %get3A_880 = vector.shape_cast %get3A_879 : vector<1x1x16xf32> to vector<16xf32>
        %exp3A_881 = math.exp %get3A_880 : vector<16xf32>
        %add3A_882 = arith.addf %add3A_869, %exp3A_881 : vector<16xf32>
        scf.yield %add3A_882 : vector<16xf32>
      }
      %scan3A_198 = arith.constant 64 : i32
      %mul3A_199 = arith.constant 2 : i32
      %mul3A_200 = arith.muli %add3A_109, %mul3A_199 : i32
      %add3A_201 = arith.constant 1 : i32
      %add3A_202 = arith.addi %mul3A_200, %add3A_201 : i32
      %swap3A_203 = arith.index_cast %add3A_202 : i32 to index
      %swap3A_204 = arith.constant 0 : index
      %swap3A_205 = tpu.vector_load %arg11[%swap3A_203, %swap3A_204] {strides = array<i32>} : memref<256x16xf32, #tpu.memory_space<vmem>>, vector<1x16xf32>,
      %swap3A_206 = vector.shape_cast %swap3A_205 : vector<1x16xf32> to vector<16xf32>
      %swap3A_207 = vector.shape_cast %scan3A_197 : vector<16xf32> to vector<1x16xf32>
      tpu.vector_store %arg11[%swap3A_203, %swap3A_204], %swap3A_207 {strides = array<i32>} : memref<256x16xf32, #tpu.memory_space<vmem>>, vector<1x16xf32>,
      %mul3A_208 = arith.constant 2 : i32
      %mul3A_209 = arith.muli %add3A_109, %mul3A_208 : i32
      %add3A_210 = arith.constant 1 : i32
      %add3A_211 = arith.addi %mul3A_209, %add3A_210 : i32
      %get3A_212 = arith.index_cast %add3A_211 : i32 to index
      %get3A_213 = tpu.vector_load %arg9[%get3A_212] {strides = array<i32>} : memref<272xi32, #tpu.memory_space<vmem>>, vector<16xi32>,
      %get3A_214 = vector.shape_cast %get3A_213 : vector<16xi32> to vector<16xi32>
      %slice3A_215 = vector.extract_strided_slice %get3A_214 {offsets = [0], sizes = [1], strides = [1]} : vector<16xi32> to vector<1xi32>
      %squeeze3A_216 = vector.extract %slice3A_215[0] : i32 from vector<1xi32>
      %jit3A_217 = arith.constant 16 : i32
      %div3A_218 = arith.divsi %squeeze3A_216, %jit3A_217 : i32
      %sign3A_219 = arith.constant 0 : i32
      %sign3A_220 = arith.cmpi sgt, %squeeze3A_216, %sign3A_219 : i32
      %sign3A_221 = arith.extui %sign3A_220 : i1 to i32
      %sign3A_222 = arith.constant 0 : i32
      %sign3A_223 = arith.cmpi slt, %squeeze3A_216, %sign3A_222 : i32
      %sign3A_224 = arith.extui %sign3A_223 : i1 to i32
      %sign3A_225 = arith.subi %sign3A_221, %sign3A_224 : i32
      %sign3A_226 = arith.constant 0 : i32
      %sign3A_227 = arith.cmpi sgt, %jit3A_217, %sign3A_226 : i32
      %sign3A_228 = arith.extui %sign3A_227 : i1 to i32
      %sign3A_229 = arith.constant 0 : i32
      %sign3A_230 = arith.cmpi slt, %jit3A_217, %sign3A_229 : i32
      %sign3A_231 = arith.extui %sign3A_230 : i1 to i32
      %sign3A_232 = arith.subi %sign3A_228, %sign3A_231 : i32
      %ne3A_233 = arith.cmpi ne, %sign3A_225, %sign3A_232 : i32
      %rem3A_234 = arith.remsi %squeeze3A_216, %jit3A_217 : i32
      %ne3A_235 = arith.constant 0 : i32
      %ne3A_236 = arith.cmpi ne, %rem3A_234, %ne3A_235 : i32
      %and3A_237 = arith.andi %ne3A_233, %ne3A_236 : i1
      %sub3A_238 = arith.constant 1 : i32
      %sub3A_239 = arith.subi %div3A_218, %sub3A_238 : i32
      %select_n3A_240 = arith.select %and3A_237, %sub3A_239, %div3A_218 : i32
      %mul3A_241 = arith.constant 16 : i32
      %mul3A_242 = arith.muli %select_n3A_240, %mul3A_241 : i32
      %get3A_243 = arith.constant 0 : i32
      %get3A_244 = arith.constant 1 : i32
      %get3A_245 = arith.index_cast %get3A_243 : i32 to index
      %get3A_246 = arith.index_cast %get3A_244 : i32 to index
      %get3A_247 = arith.index_cast %mul3A_242 : i32 to index
      %get3A_248 = tpu.vector_load %arg12[%get3A_245, %get3A_246, %get3A_247] {strides = array<i32>} : memref<4x2x8192xf32, #tpu.memory_space<vmem>>, vector<1x1x16xf32>,
      %get3A_249 = vector.shape_cast %get3A_248 : vector<1x1x16xf32> to vector<16xf32>
      %iota3A_250 = tpu.iota {dimensions = array<i32: 0>} : vector<16xi32>
      %sub3A_251 = arith.subi %squeeze3A_216, %mul3A_242 : i32
      %eq3A_252 = vector.broadcast %sub3A_251 : i32 to vector<16xi32>
      %eq3A_253 = arith.cmpi eq, %iota3A_250, %eq3A_252 : vector<16xi32>
      %jit3A_254 = arith.constant 0.000000e+00 : f32
      %broadcast_in_dim3A_255 = vector.broadcast %jit3A_254 : f32 to vector<16xf32>
      %select_n3A_256 = arith.select %eq3A_253, %get3A_249, %broadcast_in_dim3A_255 : vector<16xi1>, vector<16xf32>
      %add3A_257 = arith.addf %add3A_190, %select_n3A_256 : vector<16xf32>
      %add3A_258 = arith.constant 3 : i32
      %add3A_259 = arith.addi %add3A_109, %add3A_258 : i32
      %lt3A = arith.constant 128 : i32
      %lt3A_260 = arith.cmpi slt, %add3A_259, %lt3A : i32
      %convert_element_type3A = arith.extui %lt3A_260 : i1 to i32
      %cond3A = arith.constant 0 : i32
      %cond3A_261 = arith.cmpi ne, %convert_element_type3A, %cond3A : i32
      scf.if %cond3A_261 {
        %add3A_778 = arith.constant 3 : i32
        %add3A_779 = arith.addi %add3A_109, %add3A_778 : i32
        %sub3A_780 = arith.constant 4 : i32
        %sub3A_781 = arith.subi %add3A_779, %sub3A_780 : i32
        %ge3A = arith.constant 0 : i32
        %ge3A_782 = arith.cmpi sge, %sub3A_781, %ge3A : i32
        %convert_element_type3A_783 = arith.extui %ge3A_782 : i1 to i32
        %cond3A_784 = arith.constant 0 : i32
        %cond3A_785 = arith.cmpi ne, %convert_element_type3A_783, %cond3A_784 : i32
        scf.if %cond3A_785 {
          %add3A_799 = arith.constant 3 : i32
          %add3A_800 = arith.addi %add3A_109, %add3A_799 : i32
          %sub3A_801 = arith.constant 4 : i32
          %sub3A_802 = arith.subi %add3A_800, %sub3A_801 : i32
          %mul3A_803 = arith.constant 2 : i32
          %mul3A_804 = arith.muli %sub3A_802, %mul3A_803 : i32
          %add3A_805 = arith.addi %mul3A_2, %mul3A_804 : i32
          %dma_wait3A_806 = arith.constant 3 : i32
          %dma_wait3A_807 = arith.constant 0 : i32
          %dma_wait3A_808 = arith.constant 0 : i32
          %dma_wait3A_809 = tpu.memref_slice %arg12[%dma_wait3A_806, %dma_wait3A_807, %dma_wait3A_808] : memref<4x2x8192xf32, #tpu.memory_space<vmem>> -> memref<1x2x8192xf32, #tpu.memory_space<vmem>>
          %dma_wait3A_810 = tpu.memref_squeeze %dma_wait3A_809 : memref<1x2x8192xf32, #tpu.memory_space<vmem>> -> memref<2x8192xf32, #tpu.memory_space<vmem>>
          %dma_wait3A_811 = arith.constant 0 : i32
          %dma_wait3A_812 = tpu.memref_slice %arg5[%add3A_805, %dma_wait3A_811] : memref<8192x8192xf32, #tpu.memory_space<hbm>> -> memref<2x8192xf32, #tpu.memory_space<hbm>>
          %dma_wait3A_813 = arith.constant 0 : i32
          %dma_wait3A_814 = tpu.memref_slice %arg5[%add3A_805, %dma_wait3A_813] : memref<8192x8192xf32, #tpu.memory_space<hbm>> -> memref<2x8192xf32, #tpu.memory_space<hbm>>
          %dma_wait3A_815 = arith.constant 0 : i32
          %dma_wait3A_816 = arith.constant 0 : i32
          %dma_wait3A_817 = tpu.memref_slice %arg12[%dma_wait3A_806, %dma_wait3A_815, %dma_wait3A_816] : memref<4x2x8192xf32, #tpu.memory_space<vmem>> -> memref<1x2x8192xf32, #tpu.memory_space<vmem>>
          %dma_wait3A_818 = tpu.memref_squeeze %dma_wait3A_817 : memref<1x2x8192xf32, #tpu.memory_space<vmem>> -> memref<2x8192xf32, #tpu.memory_space<vmem>>
          tpu.wait_dma2 semaphore(%arg20 : memref<!tpu.dma_semaphore, #tpu.memory_space<semaphore_mem>>) src(%dma_wait3A_818 : memref<2x8192xf32, #tpu.memory_space<vmem>>) dst(%dma_wait3A_814 : memref<2x8192xf32, #tpu.memory_space<hbm>>)
        } else {
        }
        %add3A_786 = arith.constant 3 : i32
        %add3A_787 = arith.addi %add3A_109, %add3A_786 : i32
        %mul3A_788 = arith.constant 8 : i32
        %mul3A_789 = arith.muli %add3A_787, %mul3A_788 : i32
        %dma_start3A_790 = arith.constant 3 : i32
        %dma_start3A_791 = arith.constant 0 : i32
        %dma_start3A_792 = arith.constant 0 : i32
        %dma_start3A_793 = tpu.memref_slice %arg12[%dma_start3A_790, %dma_start3A_791, %dma_start3A_792] : memref<4x2x8192xf32, #tpu.memory_space<vmem>> -> memref<1x2x8192xf32, #tpu.memory_space<vmem>>
        %dma_start3A_794 = tpu.memref_squeeze %dma_start3A_793 : memref<1x2x8192xf32, #tpu.memory_space<vmem>> -> memref<2x8192xf32, #tpu.memory_space<vmem>>
        %dma_start3A_795 = tpu.memref_slice %arg8[%mul3A_789] : memref<1024xi32, #tpu.memory_space<vmem>> -> memref<2xi32, #tpu.memory_space<vmem>>
        %dma_start3A_796 = arith.constant 0 : i32
        %dma_start3A_797 = arith.constant 0 : i32
        %dma_start3A_798 = tpu.memref_slice %arg2[%dma_start3A_796, %dma_start3A_797] : memref<8192x8192xf32, #tpu.memory_space<hbm>> -> memref<8192x8192xf32, #tpu.memory_space<hbm>>
        tpu.enqueue_indirect_dma source(%dma_start3A_798 : memref<8192x8192xf32, #tpu.memory_space<hbm>>) target(%dma_start3A_794 : memref<2x8192xf32, #tpu.memory_space<vmem>>) offsets(%dma_start3A_795 : memref<2xi32, #tpu.memory_space<vmem>>) semaphore(%arg16 : memref<!tpu.dma_semaphore, #tpu.memory_space<semaphore_mem>>)
      } else {
      }
      %mul3A_262 = arith.constant 4 : i32
      %mul3A_263 = arith.muli %scan3A_104, %mul3A_262 : i32
      %add3A_264 = arith.constant 1 : i32
      %add3A_265 = arith.addi %mul3A_263, %add3A_264 : i32
      %mul3A_266 = arith.constant 8 : i32
      %mul3A_267 = arith.muli %add3A_265, %mul3A_266 : i32
      %dma_wait3A_268 = arith.constant 1 : i32
      %dma_wait3A_269 = arith.constant 0 : i32
      %dma_wait3A_270 = arith.constant 0 : i32
      %dma_wait3A_271 = tpu.memref_slice %arg12[%dma_wait3A_268, %dma_wait3A_269, %dma_wait3A_270] : memref<4x2x8192xf32, #tpu.memory_space<vmem>> -> memref<1x2x8192xf32, #tpu.memory_space<vmem>>
      %dma_wait3A_272 = tpu.memref_squeeze %dma_wait3A_271 : memref<1x2x8192xf32, #tpu.memory_space<vmem>> -> memref<2x8192xf32, #tpu.memory_space<vmem>>
      %dma_wait3A_273 = tpu.memref_slice %arg8[%mul3A_267] : memref<1024xi32, #tpu.memory_space<vmem>> -> memref<2xi32, #tpu.memory_space<vmem>>
      %dma_wait3A_274 = arith.constant 0 : i32
      %dma_wait3A_275 = arith.constant 0 : i32
      %dma_wait3A_276 = tpu.memref_slice %arg2[%dma_wait3A_274, %dma_wait3A_275] : memref<8192x8192xf32, #tpu.memory_space<hbm>> -> memref<8192x8192xf32, #tpu.memory_space<hbm>>
      tpu.wait_indirect_dma semaphore(%arg14 : memref<!tpu.dma_semaphore, #tpu.memory_space<semaphore_mem>>) src(%dma_wait3A_276 : memref<8192x8192xf32, #tpu.memory_space<hbm>>) dst(%dma_wait3A_272 : memref<2x8192xf32, #tpu.memory_space<vmem>>)
      %mul3A_277 = arith.constant 2 : i32
      %mul3A_278 = arith.muli %add3A_265, %mul3A_277 : i32
      %add3A_279 = arith.addi %mul3A_2, %mul3A_278 : i32
      %dma_start3A_280 = arith.constant 1 : i32
      %dma_start3A_281 = arith.constant 0 : i32
      %dma_start3A_282 = arith.constant 0 : i32
      %dma_start3A_283 = tpu.memref_slice %arg12[%dma_start3A_280, %dma_start3A_281, %dma_start3A_282] : memref<4x2x8192xf32, #tpu.memory_space<vmem>> -> memref<1x2x8192xf32, #tpu.memory_space<vmem>>
      %dma_start3A_284 = tpu.memref_squeeze %dma_start3A_283 : memref<1x2x8192xf32, #tpu.memory_space<vmem>> -> memref<2x8192xf32, #tpu.memory_space<vmem>>
      %dma_start3A_285 = arith.constant 0 : i32
      %dma_start3A_286 = tpu.memref_slice %arg5[%add3A_279, %dma_start3A_285] : memref<8192x8192xf32, #tpu.memory_space<hbm>> -> memref<2x8192xf32, #tpu.memory_space<hbm>>
      %dma_start3A_287 = arith.constant 0 : i32
      %dma_start3A_288 = tpu.memref_slice %arg5[%add3A_279, %dma_start3A_287] : memref<8192x8192xf32, #tpu.memory_space<hbm>> -> memref<2x8192xf32, #tpu.memory_space<hbm>>
      %dma_start3A_289 = arith.constant 0 : i32
      %dma_start3A_290 = arith.constant 0 : i32
      %dma_start3A_291 = tpu.memref_slice %arg12[%dma_start3A_280, %dma_start3A_289, %dma_start3A_290] : memref<4x2x8192xf32, #tpu.memory_space<vmem>> -> memref<1x2x8192xf32, #tpu.memory_space<vmem>>
      %dma_start3A_292 = tpu.memref_squeeze %dma_start3A_291 : memref<1x2x8192xf32, #tpu.memory_space<vmem>> -> memref<2x8192xf32, #tpu.memory_space<vmem>>
      tpu.enqueue_dma source(%dma_start3A_292 : memref<2x8192xf32, #tpu.memory_space<vmem>>) target(%dma_start3A_288 : memref<2x8192xf32, #tpu.memory_space<hbm>>) target_semaphore(%arg18 : memref<!tpu.dma_semaphore, #tpu.memory_space<semaphore_mem>>)
      %broadcast_in_dim3A_293 = arith.constant 0.000000e+00 : f32
      %broadcast_in_dim3A_294 = vector.broadcast %broadcast_in_dim3A_293 : f32 to vector<16xf32>
      %scan3A_295 = arith.constant 0 : i32
      %scan3A_296 = arith.constant 64 : i32
      %scan3A_297 = arith.addi %scan3A_295, %scan3A_296 : i32
      %scan3A_298 = arith.constant 1 : i32
      %scan3A_299 = scf.for %scan3A_778 = %scan3A_295 to %scan3A_297 step %scan3A_298 iter_args(%scan3A_779 = %broadcast_in_dim3A_294) -> (vector<16xf32>)  : i32 {
        %mul3A_780 = arith.constant 128 : i32
        %mul3A_781 = arith.muli %scan3A_778, %mul3A_780 : i32
        %add3A_782 = arith.constant 0 : i32
        %add3A_783 = arith.addi %mul3A_781, %add3A_782 : i32
        %get3A_784 = arith.constant 1 : i32
        %get3A_785 = arith.constant 0 : i32
        %get3A_786 = arith.index_cast %get3A_784 : i32 to index
        %get3A_787 = arith.index_cast %get3A_785 : i32 to index
        %get3A_788 = arith.index_cast %add3A_783 : i32 to index
        %get3A_789 = tpu.vector_load %arg12[%get3A_786, %get3A_787, %get3A_788] {strides = array<i32>} : memref<4x2x8192xf32, #tpu.memory_space<vmem>>, vector<1x1x16xf32>,
        %get3A_790 = vector.shape_cast %get3A_789 : vector<1x1x16xf32> to vector<16xf32>
        %exp3A = math.exp %get3A_790 : vector<16xf32>
        %add3A_791 = arith.addf %scan3A_779, %exp3A : vector<16xf32>
        %mul3A_792 = arith.constant 128 : i32
        %mul3A_793 = arith.muli %scan3A_778, %mul3A_792 : i32
        %add3A_794 = arith.constant 16 : i32
        %add3A_795 = arith.addi %mul3A_793, %add3A_794 : i32
        %get3A_796 = arith.constant 1 : i32
        %get3A_797 = arith.constant 0 : i32
        %get3A_798 = arith.index_cast %get3A_796 : i32 to index
        %get3A_799 = arith.index_cast %get3A_797 : i32 to index
        %get3A_800 = arith.index_cast %add3A_795 : i32 to index
        %get3A_801 = tpu.vector_load %arg12[%get3A_798, %get3A_799, %get3A_800] {strides = array<i32>} : memref<4x2x8192xf32, #tpu.memory_space<vmem>>, vector<1x1x16xf32>,
        %get3A_802 = vector.shape_cast %get3A_801 : vector<1x1x16xf32> to vector<16xf32>
        %exp3A_803 = math.exp %get3A_802 : vector<16xf32>
        %add3A_804 = arith.addf %add3A_791, %exp3A_803 : vector<16xf32>
        %mul3A_805 = arith.constant 128 : i32
        %mul3A_806 = arith.muli %scan3A_778, %mul3A_805 : i32
        %add3A_807 = arith.constant 32 : i32
        %add3A_808 = arith.addi %mul3A_806, %add3A_807 : i32
        %get3A_809 = arith.constant 1 : i32
        %get3A_810 = arith.constant 0 : i32
        %get3A_811 = arith.index_cast %get3A_809 : i32 to index
        %get3A_812 = arith.index_cast %get3A_810 : i32 to index
        %get3A_813 = arith.index_cast %add3A_808 : i32 to index
        %get3A_814 = tpu.vector_load %arg12[%get3A_811, %get3A_812, %get3A_813] {strides = array<i32>} : memref<4x2x8192xf32, #tpu.memory_space<vmem>>, vector<1x1x16xf32>,
        %get3A_815 = vector.shape_cast %get3A_814 : vector<1x1x16xf32> to vector<16xf32>
        %exp3A_816 = math.exp %get3A_815 : vector<16xf32>
        %add3A_817 = arith.addf %add3A_804, %exp3A_816 : vector<16xf32>
        %mul3A_818 = arith.constant 128 : i32
        %mul3A_819 = arith.muli %scan3A_778, %mul3A_818 : i32
        %add3A_820 = arith.constant 48 : i32
        %add3A_821 = arith.addi %mul3A_819, %add3A_820 : i32
        %get3A_822 = arith.constant 1 : i32
        %get3A_823 = arith.constant 0 : i32
        %get3A_824 = arith.index_cast %get3A_822 : i32 to index
        %get3A_825 = arith.index_cast %get3A_823 : i32 to index
        %get3A_826 = arith.index_cast %add3A_821 : i32 to index
        %get3A_827 = tpu.vector_load %arg12[%get3A_824, %get3A_825, %get3A_826] {strides = array<i32>} : memref<4x2x8192xf32, #tpu.memory_space<vmem>>, vector<1x1x16xf32>,
        %get3A_828 = vector.shape_cast %get3A_827 : vector<1x1x16xf32> to vector<16xf32>
        %exp3A_829 = math.exp %get3A_828 : vector<16xf32>
        %add3A_830 = arith.addf %add3A_817, %exp3A_829 : vector<16xf32>
        %mul3A_831 = arith.constant 128 : i32
        %mul3A_832 = arith.muli %scan3A_778, %mul3A_831 : i32
        %add3A_833 = arith.constant 64 : i32
        %add3A_834 = arith.addi %mul3A_832, %add3A_833 : i32
        %get3A_835 = arith.constant 1 : i32
        %get3A_836 = arith.constant 0 : i32
        %get3A_837 = arith.index_cast %get3A_835 : i32 to index
        %get3A_838 = arith.index_cast %get3A_836 : i32 to index
        %get3A_839 = arith.index_cast %add3A_834 : i32 to index
        %get3A_840 = tpu.vector_load %arg12[%get3A_837, %get3A_838, %get3A_839] {strides = array<i32>} : memref<4x2x8192xf32, #tpu.memory_space<vmem>>, vector<1x1x16xf32>,
        %get3A_841 = vector.shape_cast %get3A_840 : vector<1x1x16xf32> to vector<16xf32>
        %exp3A_842 = math.exp %get3A_841 : vector<16xf32>
        %add3A_843 = arith.addf %add3A_830, %exp3A_842 : vector<16xf32>
        %mul3A_844 = arith.constant 128 : i32
        %mul3A_845 = arith.muli %scan3A_778, %mul3A_844 : i32
        %add3A_846 = arith.constant 80 : i32
        %add3A_847 = arith.addi %mul3A_845, %add3A_846 : i32
        %get3A_848 = arith.constant 1 : i32
        %get3A_849 = arith.constant 0 : i32
        %get3A_850 = arith.index_cast %get3A_848 : i32 to index
        %get3A_851 = arith.index_cast %get3A_849 : i32 to index
        %get3A_852 = arith.index_cast %add3A_847 : i32 to index
        %get3A_853 = tpu.vector_load %arg12[%get3A_850, %get3A_851, %get3A_852] {strides = array<i32>} : memref<4x2x8192xf32, #tpu.memory_space<vmem>>, vector<1x1x16xf32>,
        %get3A_854 = vector.shape_cast %get3A_853 : vector<1x1x16xf32> to vector<16xf32>
        %exp3A_855 = math.exp %get3A_854 : vector<16xf32>
        %add3A_856 = arith.addf %add3A_843, %exp3A_855 : vector<16xf32>
        %mul3A_857 = arith.constant 128 : i32
        %mul3A_858 = arith.muli %scan3A_778, %mul3A_857 : i32
        %add3A_859 = arith.constant 96 : i32
        %add3A_860 = arith.addi %mul3A_858, %add3A_859 : i32
        %get3A_861 = arith.constant 1 : i32
        %get3A_862 = arith.constant 0 : i32
        %get3A_863 = arith.index_cast %get3A_861 : i32 to index
        %get3A_864 = arith.index_cast %get3A_862 : i32 to index
        %get3A_865 = arith.index_cast %add3A_860 : i32 to index
        %get3A_866 = tpu.vector_load %arg12[%get3A_863, %get3A_864, %get3A_865] {strides = array<i32>} : memref<4x2x8192xf32, #tpu.memory_space<vmem>>, vector<1x1x16xf32>,
        %get3A_867 = vector.shape_cast %get3A_866 : vector<1x1x16xf32> to vector<16xf32>
        %exp3A_868 = math.exp %get3A_867 : vector<16xf32>
        %add3A_869 = arith.addf %add3A_856, %exp3A_868 : vector<16xf32>
        %mul3A_870 = arith.constant 128 : i32
        %mul3A_871 = arith.muli %scan3A_778, %mul3A_870 : i32
        %add3A_872 = arith.constant 112 : i32
        %add3A_873 = arith.addi %mul3A_871, %add3A_872 : i32
        %get3A_874 = arith.constant 1 : i32
        %get3A_875 = arith.constant 0 : i32
        %get3A_876 = arith.index_cast %get3A_874 : i32 to index
        %get3A_877 = arith.index_cast %get3A_875 : i32 to index
        %get3A_878 = arith.index_cast %add3A_873 : i32 to index
        %get3A_879 = tpu.vector_load %arg12[%get3A_876, %get3A_877, %get3A_878] {strides = array<i32>} : memref<4x2x8192xf32, #tpu.memory_space<vmem>>, vector<1x1x16xf32>,
        %get3A_880 = vector.shape_cast %get3A_879 : vector<1x1x16xf32> to vector<16xf32>
        %exp3A_881 = math.exp %get3A_880 : vector<16xf32>
        %add3A_882 = arith.addf %add3A_869, %exp3A_881 : vector<16xf32>
        scf.yield %add3A_882 : vector<16xf32>
      }
      %scan3A_300 = arith.constant 64 : i32
      %mul3A_301 = arith.constant 2 : i32
      %mul3A_302 = arith.muli %add3A_265, %mul3A_301 : i32
      %add3A_303 = arith.constant 0 : i32
      %add3A_304 = arith.addi %mul3A_302, %add3A_303 : i32
      %swap3A_305 = arith.index_cast %add3A_304 : i32 to index
      %swap3A_306 = arith.constant 0 : index
      %swap3A_307 = tpu.vector_load %arg11[%swap3A_305, %swap3A_306] {strides = array<i32>} : memref<256x16xf32, #tpu.memory_space<vmem>>, vector<1x16xf32>,
      %swap3A_308 = vector.shape_cast %swap3A_307 : vector<1x16xf32> to vector<16xf32>
      %swap3A_309 = vector.shape_cast %scan3A_299 : vector<16xf32> to vector<1x16xf32>
      tpu.vector_store %arg11[%swap3A_305, %swap3A_306], %swap3A_309 {strides = array<i32>} : memref<256x16xf32, #tpu.memory_space<vmem>>, vector<1x16xf32>,
      %mul3A_310 = arith.constant 2 : i32
      %mul3A_311 = arith.muli %add3A_265, %mul3A_310 : i32
      %add3A_312 = arith.constant 0 : i32
      %add3A_313 = arith.addi %mul3A_311, %add3A_312 : i32
      %get3A_314 = arith.index_cast %add3A_313 : i32 to index
      %get3A_315 = tpu.vector_load %arg9[%get3A_314] {strides = array<i32>} : memref<272xi32, #tpu.memory_space<vmem>>, vector<16xi32>,
      %get3A_316 = vector.shape_cast %get3A_315 : vector<16xi32> to vector<16xi32>
      %slice3A_317 = vector.extract_strided_slice %get3A_316 {offsets = [0], sizes = [1], strides = [1]} : vector<16xi32> to vector<1xi32>
      %squeeze3A_318 = vector.extract %slice3A_317[0] : i32 from vector<1xi32>
      %jit3A_319 = arith.constant 16 : i32
      %div3A_320 = arith.divsi %squeeze3A_318, %jit3A_319 : i32
      %sign3A_321 = arith.constant 0 : i32
      %sign3A_322 = arith.cmpi sgt, %squeeze3A_318, %sign3A_321 : i32
      %sign3A_323 = arith.extui %sign3A_322 : i1 to i32
      %sign3A_324 = arith.constant 0 : i32
      %sign3A_325 = arith.cmpi slt, %squeeze3A_318, %sign3A_324 : i32
      %sign3A_326 = arith.extui %sign3A_325 : i1 to i32
      %sign3A_327 = arith.subi %sign3A_323, %sign3A_326 : i32
      %sign3A_328 = arith.constant 0 : i32
      %sign3A_329 = arith.cmpi sgt, %jit3A_319, %sign3A_328 : i32
      %sign3A_330 = arith.extui %sign3A_329 : i1 to i32
      %sign3A_331 = arith.constant 0 : i32
      %sign3A_332 = arith.cmpi slt, %jit3A_319, %sign3A_331 : i32
      %sign3A_333 = arith.extui %sign3A_332 : i1 to i32
      %sign3A_334 = arith.subi %sign3A_330, %sign3A_333 : i32
      %ne3A_335 = arith.cmpi ne, %sign3A_327, %sign3A_334 : i32
      %rem3A_336 = arith.remsi %squeeze3A_318, %jit3A_319 : i32
      %ne3A_337 = arith.constant 0 : i32
      %ne3A_338 = arith.cmpi ne, %rem3A_336, %ne3A_337 : i32
      %and3A_339 = arith.andi %ne3A_335, %ne3A_338 : i1
      %sub3A_340 = arith.constant 1 : i32
      %sub3A_341 = arith.subi %div3A_320, %sub3A_340 : i32
      %select_n3A_342 = arith.select %and3A_339, %sub3A_341, %div3A_320 : i32
      %mul3A_343 = arith.constant 16 : i32
      %mul3A_344 = arith.muli %select_n3A_342, %mul3A_343 : i32
      %get3A_345 = arith.constant 1 : i32
      %get3A_346 = arith.constant 0 : i32
      %get3A_347 = arith.index_cast %get3A_345 : i32 to index
      %get3A_348 = arith.index_cast %get3A_346 : i32 to index
      %get3A_349 = arith.index_cast %mul3A_344 : i32 to index
      %get3A_350 = tpu.vector_load %arg12[%get3A_347, %get3A_348, %get3A_349] {strides = array<i32>} : memref<4x2x8192xf32, #tpu.memory_space<vmem>>, vector<1x1x16xf32>,
      %get3A_351 = vector.shape_cast %get3A_350 : vector<1x1x16xf32> to vector<16xf32>
      %iota3A_352 = tpu.iota {dimensions = array<i32: 0>} : vector<16xi32>
      %sub3A_353 = arith.subi %squeeze3A_318, %mul3A_344 : i32
      %eq3A_354 = vector.broadcast %sub3A_353 : i32 to vector<16xi32>
      %eq3A_355 = arith.cmpi eq, %iota3A_352, %eq3A_354 : vector<16xi32>
      %jit3A_356 = arith.constant 0.000000e+00 : f32
      %broadcast_in_dim3A_357 = vector.broadcast %jit3A_356 : f32 to vector<16xf32>
      %select_n3A_358 = arith.select %eq3A_355, %get3A_351, %broadcast_in_dim3A_357 : vector<16xi1>, vector<16xf32>
      %add3A_359 = arith.addf %add3A_257, %select_n3A_358 : vector<16xf32>
      %broadcast_in_dim3A_360 = arith.constant 0.000000e+00 : f32
      %broadcast_in_dim3A_361 = vector.broadcast %broadcast_in_dim3A_360 : f32 to vector<16xf32>
      %scan3A_362 = arith.constant 0 : i32
      %scan3A_363 = arith.constant 64 : i32
      %scan3A_364 = arith.addi %scan3A_362, %scan3A_363 : i32
      %scan3A_365 = arith.constant 1 : i32
      %scan3A_366 = scf.for %scan3A_778 = %scan3A_362 to %scan3A_364 step %scan3A_365 iter_args(%scan3A_779 = %broadcast_in_dim3A_361) -> (vector<16xf32>)  : i32 {
        %mul3A_780 = arith.constant 128 : i32
        %mul3A_781 = arith.muli %scan3A_778, %mul3A_780 : i32
        %add3A_782 = arith.constant 0 : i32
        %add3A_783 = arith.addi %mul3A_781, %add3A_782 : i32
        %get3A_784 = arith.constant 1 : i32
        %get3A_785 = arith.constant 1 : i32
        %get3A_786 = arith.index_cast %get3A_784 : i32 to index
        %get3A_787 = arith.index_cast %get3A_785 : i32 to index
        %get3A_788 = arith.index_cast %add3A_783 : i32 to index
        %get3A_789 = tpu.vector_load %arg12[%get3A_786, %get3A_787, %get3A_788] {strides = array<i32>} : memref<4x2x8192xf32, #tpu.memory_space<vmem>>, vector<1x1x16xf32>,
        %get3A_790 = vector.shape_cast %get3A_789 : vector<1x1x16xf32> to vector<16xf32>
        %exp3A = math.exp %get3A_790 : vector<16xf32>
        %add3A_791 = arith.addf %scan3A_779, %exp3A : vector<16xf32>
        %mul3A_792 = arith.constant 128 : i32
        %mul3A_793 = arith.muli %scan3A_778, %mul3A_792 : i32
        %add3A_794 = arith.constant 16 : i32
        %add3A_795 = arith.addi %mul3A_793, %add3A_794 : i32
        %get3A_796 = arith.constant 1 : i32
        %get3A_797 = arith.constant 1 : i32
        %get3A_798 = arith.index_cast %get3A_796 : i32 to index
        %get3A_799 = arith.index_cast %get3A_797 : i32 to index
        %get3A_800 = arith.index_cast %add3A_795 : i32 to index
        %get3A_801 = tpu.vector_load %arg12[%get3A_798, %get3A_799, %get3A_800] {strides = array<i32>} : memref<4x2x8192xf32, #tpu.memory_space<vmem>>, vector<1x1x16xf32>,
        %get3A_802 = vector.shape_cast %get3A_801 : vector<1x1x16xf32> to vector<16xf32>
        %exp3A_803 = math.exp %get3A_802 : vector<16xf32>
        %add3A_804 = arith.addf %add3A_791, %exp3A_803 : vector<16xf32>
        %mul3A_805 = arith.constant 128 : i32
        %mul3A_806 = arith.muli %scan3A_778, %mul3A_805 : i32
        %add3A_807 = arith.constant 32 : i32
        %add3A_808 = arith.addi %mul3A_806, %add3A_807 : i32
        %get3A_809 = arith.constant 1 : i32
        %get3A_810 = arith.constant 1 : i32
        %get3A_811 = arith.index_cast %get3A_809 : i32 to index
        %get3A_812 = arith.index_cast %get3A_810 : i32 to index
        %get3A_813 = arith.index_cast %add3A_808 : i32 to index
        %get3A_814 = tpu.vector_load %arg12[%get3A_811, %get3A_812, %get3A_813] {strides = array<i32>} : memref<4x2x8192xf32, #tpu.memory_space<vmem>>, vector<1x1x16xf32>,
        %get3A_815 = vector.shape_cast %get3A_814 : vector<1x1x16xf32> to vector<16xf32>
        %exp3A_816 = math.exp %get3A_815 : vector<16xf32>
        %add3A_817 = arith.addf %add3A_804, %exp3A_816 : vector<16xf32>
        %mul3A_818 = arith.constant 128 : i32
        %mul3A_819 = arith.muli %scan3A_778, %mul3A_818 : i32
        %add3A_820 = arith.constant 48 : i32
        %add3A_821 = arith.addi %mul3A_819, %add3A_820 : i32
        %get3A_822 = arith.constant 1 : i32
        %get3A_823 = arith.constant 1 : i32
        %get3A_824 = arith.index_cast %get3A_822 : i32 to index
        %get3A_825 = arith.index_cast %get3A_823 : i32 to index
        %get3A_826 = arith.index_cast %add3A_821 : i32 to index
        %get3A_827 = tpu.vector_load %arg12[%get3A_824, %get3A_825, %get3A_826] {strides = array<i32>} : memref<4x2x8192xf32, #tpu.memory_space<vmem>>, vector<1x1x16xf32>,
        %get3A_828 = vector.shape_cast %get3A_827 : vector<1x1x16xf32> to vector<16xf32>
        %exp3A_829 = math.exp %get3A_828 : vector<16xf32>
        %add3A_830 = arith.addf %add3A_817, %exp3A_829 : vector<16xf32>
        %mul3A_831 = arith.constant 128 : i32
        %mul3A_832 = arith.muli %scan3A_778, %mul3A_831 : i32
        %add3A_833 = arith.constant 64 : i32
        %add3A_834 = arith.addi %mul3A_832, %add3A_833 : i32
        %get3A_835 = arith.constant 1 : i32
        %get3A_836 = arith.constant 1 : i32
        %get3A_837 = arith.index_cast %get3A_835 : i32 to index
        %get3A_838 = arith.index_cast %get3A_836 : i32 to index
        %get3A_839 = arith.index_cast %add3A_834 : i32 to index
        %get3A_840 = tpu.vector_load %arg12[%get3A_837, %get3A_838, %get3A_839] {strides = array<i32>} : memref<4x2x8192xf32, #tpu.memory_space<vmem>>, vector<1x1x16xf32>,
        %get3A_841 = vector.shape_cast %get3A_840 : vector<1x1x16xf32> to vector<16xf32>
        %exp3A_842 = math.exp %get3A_841 : vector<16xf32>
        %add3A_843 = arith.addf %add3A_830, %exp3A_842 : vector<16xf32>
        %mul3A_844 = arith.constant 128 : i32
        %mul3A_845 = arith.muli %scan3A_778, %mul3A_844 : i32
        %add3A_846 = arith.constant 80 : i32
        %add3A_847 = arith.addi %mul3A_845, %add3A_846 : i32
        %get3A_848 = arith.constant 1 : i32
        %get3A_849 = arith.constant 1 : i32
        %get3A_850 = arith.index_cast %get3A_848 : i32 to index
        %get3A_851 = arith.index_cast %get3A_849 : i32 to index
        %get3A_852 = arith.index_cast %add3A_847 : i32 to index
        %get3A_853 = tpu.vector_load %arg12[%get3A_850, %get3A_851, %get3A_852] {strides = array<i32>} : memref<4x2x8192xf32, #tpu.memory_space<vmem>>, vector<1x1x16xf32>,
        %get3A_854 = vector.shape_cast %get3A_853 : vector<1x1x16xf32> to vector<16xf32>
        %exp3A_855 = math.exp %get3A_854 : vector<16xf32>
        %add3A_856 = arith.addf %add3A_843, %exp3A_855 : vector<16xf32>
        %mul3A_857 = arith.constant 128 : i32
        %mul3A_858 = arith.muli %scan3A_778, %mul3A_857 : i32
        %add3A_859 = arith.constant 96 : i32
        %add3A_860 = arith.addi %mul3A_858, %add3A_859 : i32
        %get3A_861 = arith.constant 1 : i32
        %get3A_862 = arith.constant 1 : i32
        %get3A_863 = arith.index_cast %get3A_861 : i32 to index
        %get3A_864 = arith.index_cast %get3A_862 : i32 to index
        %get3A_865 = arith.index_cast %add3A_860 : i32 to index
        %get3A_866 = tpu.vector_load %arg12[%get3A_863, %get3A_864, %get3A_865] {strides = array<i32>} : memref<4x2x8192xf32, #tpu.memory_space<vmem>>, vector<1x1x16xf32>,
        %get3A_867 = vector.shape_cast %get3A_866 : vector<1x1x16xf32> to vector<16xf32>
        %exp3A_868 = math.exp %get3A_867 : vector<16xf32>
        %add3A_869 = arith.addf %add3A_856, %exp3A_868 : vector<16xf32>
        %mul3A_870 = arith.constant 128 : i32
        %mul3A_871 = arith.muli %scan3A_778, %mul3A_870 : i32
        %add3A_872 = arith.constant 112 : i32
        %add3A_873 = arith.addi %mul3A_871, %add3A_872 : i32
        %get3A_874 = arith.constant 1 : i32
        %get3A_875 = arith.constant 1 : i32
        %get3A_876 = arith.index_cast %get3A_874 : i32 to index
        %get3A_877 = arith.index_cast %get3A_875 : i32 to index
        %get3A_878 = arith.index_cast %add3A_873 : i32 to index
        %get3A_879 = tpu.vector_load %arg12[%get3A_876, %get3A_877, %get3A_878] {strides = array<i32>} : memref<4x2x8192xf32, #tpu.memory_space<vmem>>, vector<1x1x16xf32>,
        %get3A_880 = vector.shape_cast %get3A_879 : vector<1x1x16xf32> to vector<16xf32>
        %exp3A_881 = math.exp %get3A_880 : vector<16xf32>
        %add3A_882 = arith.addf %add3A_869, %exp3A_881 : vector<16xf32>
        scf.yield %add3A_882 : vector<16xf32>
      }
      %scan3A_367 = arith.constant 64 : i32
      %mul3A_368 = arith.constant 2 : i32
      %mul3A_369 = arith.muli %add3A_265, %mul3A_368 : i32
      %add3A_370 = arith.constant 1 : i32
      %add3A_371 = arith.addi %mul3A_369, %add3A_370 : i32
      %swap3A_372 = arith.index_cast %add3A_371 : i32 to index
      %swap3A_373 = arith.constant 0 : index
      %swap3A_374 = tpu.vector_load %arg11[%swap3A_372, %swap3A_373] {strides = array<i32>} : memref<256x16xf32, #tpu.memory_space<vmem>>, vector<1x16xf32>,
      %swap3A_375 = vector.shape_cast %swap3A_374 : vector<1x16xf32> to vector<16xf32>
      %swap3A_376 = vector.shape_cast %scan3A_366 : vector<16xf32> to vector<1x16xf32>
      tpu.vector_store %arg11[%swap3A_372, %swap3A_373], %swap3A_376 {strides = array<i32>} : memref<256x16xf32, #tpu.memory_space<vmem>>, vector<1x16xf32>,
      %mul3A_377 = arith.constant 2 : i32
      %mul3A_378 = arith.muli %add3A_265, %mul3A_377 : i32
      %add3A_379 = arith.constant 1 : i32
      %add3A_380 = arith.addi %mul3A_378, %add3A_379 : i32
      %get3A_381 = arith.index_cast %add3A_380 : i32 to index
      %get3A_382 = tpu.vector_load %arg9[%get3A_381] {strides = array<i32>} : memref<272xi32, #tpu.memory_space<vmem>>, vector<16xi32>,
      %get3A_383 = vector.shape_cast %get3A_382 : vector<16xi32> to vector<16xi32>
      %slice3A_384 = vector.extract_strided_slice %get3A_383 {offsets = [0], sizes = [1], strides = [1]} : vector<16xi32> to vector<1xi32>
      %squeeze3A_385 = vector.extract %slice3A_384[0] : i32 from vector<1xi32>
      %jit3A_386 = arith.constant 16 : i32
      %div3A_387 = arith.divsi %squeeze3A_385, %jit3A_386 : i32
      %sign3A_388 = arith.constant 0 : i32
      %sign3A_389 = arith.cmpi sgt, %squeeze3A_385, %sign3A_388 : i32
      %sign3A_390 = arith.extui %sign3A_389 : i1 to i32
      %sign3A_391 = arith.constant 0 : i32
      %sign3A_392 = arith.cmpi slt, %squeeze3A_385, %sign3A_391 : i32
      %sign3A_393 = arith.extui %sign3A_392 : i1 to i32
      %sign3A_394 = arith.subi %sign3A_390, %sign3A_393 : i32
      %sign3A_395 = arith.constant 0 : i32
      %sign3A_396 = arith.cmpi sgt, %jit3A_386, %sign3A_395 : i32
      %sign3A_397 = arith.extui %sign3A_396 : i1 to i32
      %sign3A_398 = arith.constant 0 : i32
      %sign3A_399 = arith.cmpi slt, %jit3A_386, %sign3A_398 : i32
      %sign3A_400 = arith.extui %sign3A_399 : i1 to i32
      %sign3A_401 = arith.subi %sign3A_397, %sign3A_400 : i32
      %ne3A_402 = arith.cmpi ne, %sign3A_394, %sign3A_401 : i32
      %rem3A_403 = arith.remsi %squeeze3A_385, %jit3A_386 : i32
      %ne3A_404 = arith.constant 0 : i32
      %ne3A_405 = arith.cmpi ne, %rem3A_403, %ne3A_404 : i32
      %and3A_406 = arith.andi %ne3A_402, %ne3A_405 : i1
      %sub3A_407 = arith.constant 1 : i32
      %sub3A_408 = arith.subi %div3A_387, %sub3A_407 : i32
      %select_n3A_409 = arith.select %and3A_406, %sub3A_408, %div3A_387 : i32
      %mul3A_410 = arith.constant 16 : i32
      %mul3A_411 = arith.muli %select_n3A_409, %mul3A_410 : i32
      %get3A_412 = arith.constant 1 : i32
      %get3A_413 = arith.constant 1 : i32
      %get3A_414 = arith.index_cast %get3A_412 : i32 to index
      %get3A_415 = arith.index_cast %get3A_413 : i32 to index
      %get3A_416 = arith.index_cast %mul3A_411 : i32 to index
      %get3A_417 = tpu.vector_load %arg12[%get3A_414, %get3A_415, %get3A_416] {strides = array<i32>} : memref<4x2x8192xf32, #tpu.memory_space<vmem>>, vector<1x1x16xf32>,
      %get3A_418 = vector.shape_cast %get3A_417 : vector<1x1x16xf32> to vector<16xf32>
      %iota3A_419 = tpu.iota {dimensions = array<i32: 0>} : vector<16xi32>
      %sub3A_420 = arith.subi %squeeze3A_385, %mul3A_411 : i32
      %eq3A_421 = vector.broadcast %sub3A_420 : i32 to vector<16xi32>
      %eq3A_422 = arith.cmpi eq, %iota3A_419, %eq3A_421 : vector<16xi32>
      %jit3A_423 = arith.constant 0.000000e+00 : f32
      %broadcast_in_dim3A_424 = vector.broadcast %jit3A_423 : f32 to vector<16xf32>
      %select_n3A_425 = arith.select %eq3A_422, %get3A_418, %broadcast_in_dim3A_424 : vector<16xi1>, vector<16xf32>
      %add3A_426 = arith.addf %add3A_359, %select_n3A_425 : vector<16xf32>
      %add3A_427 = arith.constant 3 : i32
      %add3A_428 = arith.addi %add3A_265, %add3A_427 : i32
      %lt3A_429 = arith.constant 128 : i32
      %lt3A_430 = arith.cmpi slt, %add3A_428, %lt3A_429 : i32
      %convert_element_type3A_431 = arith.extui %lt3A_430 : i1 to i32
      %cond3A_432 = arith.constant 0 : i32
      %cond3A_433 = arith.cmpi ne, %convert_element_type3A_431, %cond3A_432 : i32
      scf.if %cond3A_433 {
        %add3A_778 = arith.constant 3 : i32
        %add3A_779 = arith.addi %add3A_265, %add3A_778 : i32
        %sub3A_780 = arith.constant 4 : i32
        %sub3A_781 = arith.subi %add3A_779, %sub3A_780 : i32
        %ge3A = arith.constant 0 : i32
        %ge3A_782 = arith.cmpi sge, %sub3A_781, %ge3A : i32
        %convert_element_type3A_783 = arith.extui %ge3A_782 : i1 to i32
        %cond3A_784 = arith.constant 0 : i32
        %cond3A_785 = arith.cmpi ne, %convert_element_type3A_783, %cond3A_784 : i32
        scf.if %cond3A_785 {
          %add3A_799 = arith.constant 3 : i32
          %add3A_800 = arith.addi %add3A_265, %add3A_799 : i32
          %sub3A_801 = arith.constant 4 : i32
          %sub3A_802 = arith.subi %add3A_800, %sub3A_801 : i32
          %mul3A_803 = arith.constant 2 : i32
          %mul3A_804 = arith.muli %sub3A_802, %mul3A_803 : i32
          %add3A_805 = arith.addi %mul3A_2, %mul3A_804 : i32
          %dma_wait3A_806 = arith.constant 0 : i32
          %dma_wait3A_807 = arith.constant 0 : i32
          %dma_wait3A_808 = arith.constant 0 : i32
          %dma_wait3A_809 = tpu.memref_slice %arg12[%dma_wait3A_806, %dma_wait3A_807, %dma_wait3A_808] : memref<4x2x8192xf32, #tpu.memory_space<vmem>> -> memref<1x2x8192xf32, #tpu.memory_space<vmem>>
          %dma_wait3A_810 = tpu.memref_squeeze %dma_wait3A_809 : memref<1x2x8192xf32, #tpu.memory_space<vmem>> -> memref<2x8192xf32, #tpu.memory_space<vmem>>
          %dma_wait3A_811 = arith.constant 0 : i32
          %dma_wait3A_812 = tpu.memref_slice %arg5[%add3A_805, %dma_wait3A_811] : memref<8192x8192xf32, #tpu.memory_space<hbm>> -> memref<2x8192xf32, #tpu.memory_space<hbm>>
          %dma_wait3A_813 = arith.constant 0 : i32
          %dma_wait3A_814 = tpu.memref_slice %arg5[%add3A_805, %dma_wait3A_813] : memref<8192x8192xf32, #tpu.memory_space<hbm>> -> memref<2x8192xf32, #tpu.memory_space<hbm>>
          %dma_wait3A_815 = arith.constant 0 : i32
          %dma_wait3A_816 = arith.constant 0 : i32
          %dma_wait3A_817 = tpu.memref_slice %arg12[%dma_wait3A_806, %dma_wait3A_815, %dma_wait3A_816] : memref<4x2x8192xf32, #tpu.memory_space<vmem>> -> memref<1x2x8192xf32, #tpu.memory_space<vmem>>
          %dma_wait3A_818 = tpu.memref_squeeze %dma_wait3A_817 : memref<1x2x8192xf32, #tpu.memory_space<vmem>> -> memref<2x8192xf32, #tpu.memory_space<vmem>>
          tpu.wait_dma2 semaphore(%arg17 : memref<!tpu.dma_semaphore, #tpu.memory_space<semaphore_mem>>) src(%dma_wait3A_818 : memref<2x8192xf32, #tpu.memory_space<vmem>>) dst(%dma_wait3A_814 : memref<2x8192xf32, #tpu.memory_space<hbm>>)
        } else {
        }
        %add3A_786 = arith.constant 3 : i32
        %add3A_787 = arith.addi %add3A_265, %add3A_786 : i32
        %mul3A_788 = arith.constant 8 : i32
        %mul3A_789 = arith.muli %add3A_787, %mul3A_788 : i32
        %dma_start3A_790 = arith.constant 0 : i32
        %dma_start3A_791 = arith.constant 0 : i32
        %dma_start3A_792 = arith.constant 0 : i32
        %dma_start3A_793 = tpu.memref_slice %arg12[%dma_start3A_790, %dma_start3A_791, %dma_start3A_792] : memref<4x2x8192xf32, #tpu.memory_space<vmem>> -> memref<1x2x8192xf32, #tpu.memory_space<vmem>>
        %dma_start3A_794 = tpu.memref_squeeze %dma_start3A_793 : memref<1x2x8192xf32, #tpu.memory_space<vmem>> -> memref<2x8192xf32, #tpu.memory_space<vmem>>
        %dma_start3A_795 = tpu.memref_slice %arg8[%mul3A_789] : memref<1024xi32, #tpu.memory_space<vmem>> -> memref<2xi32, #tpu.memory_space<vmem>>
        %dma_start3A_796 = arith.constant 0 : i32
        %dma_start3A_797 = arith.constant 0 : i32
        %dma_start3A_798 = tpu.memref_slice %arg2[%dma_start3A_796, %dma_start3A_797] : memref<8192x8192xf32, #tpu.memory_space<hbm>> -> memref<8192x8192xf32, #tpu.memory_space<hbm>>
        tpu.enqueue_indirect_dma source(%dma_start3A_798 : memref<8192x8192xf32, #tpu.memory_space<hbm>>) target(%dma_start3A_794 : memref<2x8192xf32, #tpu.memory_space<vmem>>) offsets(%dma_start3A_795 : memref<2xi32, #tpu.memory_space<vmem>>) semaphore(%arg13 : memref<!tpu.dma_semaphore, #tpu.memory_space<semaphore_mem>>)
      } else {
      }
      %mul3A_434 = arith.constant 4 : i32
      %mul3A_435 = arith.muli %scan3A_104, %mul3A_434 : i32
      %add3A_436 = arith.constant 2 : i32
      %add3A_437 = arith.addi %mul3A_435, %add3A_436 : i32
      %mul3A_438 = arith.constant 8 : i32
      %mul3A_439 = arith.muli %add3A_437, %mul3A_438 : i32
      %dma_wait3A_440 = arith.constant 2 : i32
      %dma_wait3A_441 = arith.constant 0 : i32
      %dma_wait3A_442 = arith.constant 0 : i32
      %dma_wait3A_443 = tpu.memref_slice %arg12[%dma_wait3A_440, %dma_wait3A_441, %dma_wait3A_442] : memref<4x2x8192xf32, #tpu.memory_space<vmem>> -> memref<1x2x8192xf32, #tpu.memory_space<vmem>>
      %dma_wait3A_444 = tpu.memref_squeeze %dma_wait3A_443 : memref<1x2x8192xf32, #tpu.memory_space<vmem>> -> memref<2x8192xf32, #tpu.memory_space<vmem>>
      %dma_wait3A_445 = tpu.memref_slice %arg8[%mul3A_439] : memref<1024xi32, #tpu.memory_space<vmem>> -> memref<2xi32, #tpu.memory_space<vmem>>
      %dma_wait3A_446 = arith.constant 0 : i32
      %dma_wait3A_447 = arith.constant 0 : i32
      %dma_wait3A_448 = tpu.memref_slice %arg2[%dma_wait3A_446, %dma_wait3A_447] : memref<8192x8192xf32, #tpu.memory_space<hbm>> -> memref<8192x8192xf32, #tpu.memory_space<hbm>>
      tpu.wait_indirect_dma semaphore(%arg15 : memref<!tpu.dma_semaphore, #tpu.memory_space<semaphore_mem>>) src(%dma_wait3A_448 : memref<8192x8192xf32, #tpu.memory_space<hbm>>) dst(%dma_wait3A_444 : memref<2x8192xf32, #tpu.memory_space<vmem>>)
      %mul3A_449 = arith.constant 2 : i32
      %mul3A_450 = arith.muli %add3A_437, %mul3A_449 : i32
      %add3A_451 = arith.addi %mul3A_2, %mul3A_450 : i32
      %dma_start3A_452 = arith.constant 2 : i32
      %dma_start3A_453 = arith.constant 0 : i32
      %dma_start3A_454 = arith.constant 0 : i32
      %dma_start3A_455 = tpu.memref_slice %arg12[%dma_start3A_452, %dma_start3A_453, %dma_start3A_454] : memref<4x2x8192xf32, #tpu.memory_space<vmem>> -> memref<1x2x8192xf32, #tpu.memory_space<vmem>>
      %dma_start3A_456 = tpu.memref_squeeze %dma_start3A_455 : memref<1x2x8192xf32, #tpu.memory_space<vmem>> -> memref<2x8192xf32, #tpu.memory_space<vmem>>
      %dma_start3A_457 = arith.constant 0 : i32
      %dma_start3A_458 = tpu.memref_slice %arg5[%add3A_451, %dma_start3A_457] : memref<8192x8192xf32, #tpu.memory_space<hbm>> -> memref<2x8192xf32, #tpu.memory_space<hbm>>
      %dma_start3A_459 = arith.constant 0 : i32
      %dma_start3A_460 = tpu.memref_slice %arg5[%add3A_451, %dma_start3A_459] : memref<8192x8192xf32, #tpu.memory_space<hbm>> -> memref<2x8192xf32, #tpu.memory_space<hbm>>
      %dma_start3A_461 = arith.constant 0 : i32
      %dma_start3A_462 = arith.constant 0 : i32
      %dma_start3A_463 = tpu.memref_slice %arg12[%dma_start3A_452, %dma_start3A_461, %dma_start3A_462] : memref<4x2x8192xf32, #tpu.memory_space<vmem>> -> memref<1x2x8192xf32, #tpu.memory_space<vmem>>
      %dma_start3A_464 = tpu.memref_squeeze %dma_start3A_463 : memref<1x2x8192xf32, #tpu.memory_space<vmem>> -> memref<2x8192xf32, #tpu.memory_space<vmem>>
      tpu.enqueue_dma source(%dma_start3A_464 : memref<2x8192xf32, #tpu.memory_space<vmem>>) target(%dma_start3A_460 : memref<2x8192xf32, #tpu.memory_space<hbm>>) target_semaphore(%arg19 : memref<!tpu.dma_semaphore, #tpu.memory_space<semaphore_mem>>)
      %broadcast_in_dim3A_465 = arith.constant 0.000000e+00 : f32
      %broadcast_in_dim3A_466 = vector.broadcast %broadcast_in_dim3A_465 : f32 to vector<16xf32>
      %scan3A_467 = arith.constant 0 : i32
      %scan3A_468 = arith.constant 64 : i32
      %scan3A_469 = arith.addi %scan3A_467, %scan3A_468 : i32
      %scan3A_470 = arith.constant 1 : i32
      %scan3A_471 = scf.for %scan3A_778 = %scan3A_467 to %scan3A_469 step %scan3A_470 iter_args(%scan3A_779 = %broadcast_in_dim3A_466) -> (vector<16xf32>)  : i32 {
        %mul3A_780 = arith.constant 128 : i32
        %mul3A_781 = arith.muli %scan3A_778, %mul3A_780 : i32
        %add3A_782 = arith.constant 0 : i32
        %add3A_783 = arith.addi %mul3A_781, %add3A_782 : i32
        %get3A_784 = arith.constant 2 : i32
        %get3A_785 = arith.constant 0 : i32
        %get3A_786 = arith.index_cast %get3A_784 : i32 to index
        %get3A_787 = arith.index_cast %get3A_785 : i32 to index
        %get3A_788 = arith.index_cast %add3A_783 : i32 to index
        %get3A_789 = tpu.vector_load %arg12[%get3A_786, %get3A_787, %get3A_788] {strides = array<i32>} : memref<4x2x8192xf32, #tpu.memory_space<vmem>>, vector<1x1x16xf32>,
        %get3A_790 = vector.shape_cast %get3A_789 : vector<1x1x16xf32> to vector<16xf32>
        %exp3A = math.exp %get3A_790 : vector<16xf32>
        %add3A_791 = arith.addf %scan3A_779, %exp3A : vector<16xf32>
        %mul3A_792 = arith.constant 128 : i32
        %mul3A_793 = arith.muli %scan3A_778, %mul3A_792 : i32
        %add3A_794 = arith.constant 16 : i32
        %add3A_795 = arith.addi %mul3A_793, %add3A_794 : i32
        %get3A_796 = arith.constant 2 : i32
        %get3A_797 = arith.constant 0 : i32
        %get3A_798 = arith.index_cast %get3A_796 : i32 to index
        %get3A_799 = arith.index_cast %get3A_797 : i32 to index
        %get3A_800 = arith.index_cast %add3A_795 : i32 to index
        %get3A_801 = tpu.vector_load %arg12[%get3A_798, %get3A_799, %get3A_800] {strides = array<i32>} : memref<4x2x8192xf32, #tpu.memory_space<vmem>>, vector<1x1x16xf32>,
        %get3A_802 = vector.shape_cast %get3A_801 : vector<1x1x16xf32> to vector<16xf32>
        %exp3A_803 = math.exp %get3A_802 : vector<16xf32>
        %add3A_804 = arith.addf %add3A_791, %exp3A_803 : vector<16xf32>
        %mul3A_805 = arith.constant 128 : i32
        %mul3A_806 = arith.muli %scan3A_778, %mul3A_805 : i32
        %add3A_807 = arith.constant 32 : i32
        %add3A_808 = arith.addi %mul3A_806, %add3A_807 : i32
        %get3A_809 = arith.constant 2 : i32
        %get3A_810 = arith.constant 0 : i32
        %get3A_811 = arith.index_cast %get3A_809 : i32 to index
        %get3A_812 = arith.index_cast %get3A_810 : i32 to index
        %get3A_813 = arith.index_cast %add3A_808 : i32 to index
        %get3A_814 = tpu.vector_load %arg12[%get3A_811, %get3A_812, %get3A_813] {strides = array<i32>} : memref<4x2x8192xf32, #tpu.memory_space<vmem>>, vector<1x1x16xf32>,
        %get3A_815 = vector.shape_cast %get3A_814 : vector<1x1x16xf32> to vector<16xf32>
        %exp3A_816 = math.exp %get3A_815 : vector<16xf32>
        %add3A_817 = arith.addf %add3A_804, %exp3A_816 : vector<16xf32>
        %mul3A_818 = arith.constant 128 : i32
        %mul3A_819 = arith.muli %scan3A_778, %mul3A_818 : i32
        %add3A_820 = arith.constant 48 : i32
        %add3A_821 = arith.addi %mul3A_819, %add3A_820 : i32
        %get3A_822 = arith.constant 2 : i32
        %get3A_823 = arith.constant 0 : i32
        %get3A_824 = arith.index_cast %get3A_822 : i32 to index
        %get3A_825 = arith.index_cast %get3A_823 : i32 to index
        %get3A_826 = arith.index_cast %add3A_821 : i32 to index
        %get3A_827 = tpu.vector_load %arg12[%get3A_824, %get3A_825, %get3A_826] {strides = array<i32>} : memref<4x2x8192xf32, #tpu.memory_space<vmem>>, vector<1x1x16xf32>,
        %get3A_828 = vector.shape_cast %get3A_827 : vector<1x1x16xf32> to vector<16xf32>
        %exp3A_829 = math.exp %get3A_828 : vector<16xf32>
        %add3A_830 = arith.addf %add3A_817, %exp3A_829 : vector<16xf32>
        %mul3A_831 = arith.constant 128 : i32
        %mul3A_832 = arith.muli %scan3A_778, %mul3A_831 : i32
        %add3A_833 = arith.constant 64 : i32
        %add3A_834 = arith.addi %mul3A_832, %add3A_833 : i32
        %get3A_835 = arith.constant 2 : i32
        %get3A_836 = arith.constant 0 : i32
        %get3A_837 = arith.index_cast %get3A_835 : i32 to index
        %get3A_838 = arith.index_cast %get3A_836 : i32 to index
        %get3A_839 = arith.index_cast %add3A_834 : i32 to index
        %get3A_840 = tpu.vector_load %arg12[%get3A_837, %get3A_838, %get3A_839] {strides = array<i32>} : memref<4x2x8192xf32, #tpu.memory_space<vmem>>, vector<1x1x16xf32>,
        %get3A_841 = vector.shape_cast %get3A_840 : vector<1x1x16xf32> to vector<16xf32>
        %exp3A_842 = math.exp %get3A_841 : vector<16xf32>
        %add3A_843 = arith.addf %add3A_830, %exp3A_842 : vector<16xf32>
        %mul3A_844 = arith.constant 128 : i32
        %mul3A_845 = arith.muli %scan3A_778, %mul3A_844 : i32
        %add3A_846 = arith.constant 80 : i32
        %add3A_847 = arith.addi %mul3A_845, %add3A_846 : i32
        %get3A_848 = arith.constant 2 : i32
        %get3A_849 = arith.constant 0 : i32
        %get3A_850 = arith.index_cast %get3A_848 : i32 to index
        %get3A_851 = arith.index_cast %get3A_849 : i32 to index
        %get3A_852 = arith.index_cast %add3A_847 : i32 to index
        %get3A_853 = tpu.vector_load %arg12[%get3A_850, %get3A_851, %get3A_852] {strides = array<i32>} : memref<4x2x8192xf32, #tpu.memory_space<vmem>>, vector<1x1x16xf32>,
        %get3A_854 = vector.shape_cast %get3A_853 : vector<1x1x16xf32> to vector<16xf32>
        %exp3A_855 = math.exp %get3A_854 : vector<16xf32>
        %add3A_856 = arith.addf %add3A_843, %exp3A_855 : vector<16xf32>
        %mul3A_857 = arith.constant 128 : i32
        %mul3A_858 = arith.muli %scan3A_778, %mul3A_857 : i32
        %add3A_859 = arith.constant 96 : i32
        %add3A_860 = arith.addi %mul3A_858, %add3A_859 : i32
        %get3A_861 = arith.constant 2 : i32
        %get3A_862 = arith.constant 0 : i32
        %get3A_863 = arith.index_cast %get3A_861 : i32 to index
        %get3A_864 = arith.index_cast %get3A_862 : i32 to index
        %get3A_865 = arith.index_cast %add3A_860 : i32 to index
        %get3A_866 = tpu.vector_load %arg12[%get3A_863, %get3A_864, %get3A_865] {strides = array<i32>} : memref<4x2x8192xf32, #tpu.memory_space<vmem>>, vector<1x1x16xf32>,
        %get3A_867 = vector.shape_cast %get3A_866 : vector<1x1x16xf32> to vector<16xf32>
        %exp3A_868 = math.exp %get3A_867 : vector<16xf32>
        %add3A_869 = arith.addf %add3A_856, %exp3A_868 : vector<16xf32>
        %mul3A_870 = arith.constant 128 : i32
        %mul3A_871 = arith.muli %scan3A_778, %mul3A_870 : i32
        %add3A_872 = arith.constant 112 : i32
        %add3A_873 = arith.addi %mul3A_871, %add3A_872 : i32
        %get3A_874 = arith.constant 2 : i32
        %get3A_875 = arith.constant 0 : i32
        %get3A_876 = arith.index_cast %get3A_874 : i32 to index
        %get3A_877 = arith.index_cast %get3A_875 : i32 to index
        %get3A_878 = arith.index_cast %add3A_873 : i32 to index
        %get3A_879 = tpu.vector_load %arg12[%get3A_876, %get3A_877, %get3A_878] {strides = array<i32>} : memref<4x2x8192xf32, #tpu.memory_space<vmem>>, vector<1x1x16xf32>,
        %get3A_880 = vector.shape_cast %get3A_879 : vector<1x1x16xf32> to vector<16xf32>
        %exp3A_881 = math.exp %get3A_880 : vector<16xf32>
        %add3A_882 = arith.addf %add3A_869, %exp3A_881 : vector<16xf32>
        scf.yield %add3A_882 : vector<16xf32>
      }
      %scan3A_472 = arith.constant 64 : i32
      %mul3A_473 = arith.constant 2 : i32
      %mul3A_474 = arith.muli %add3A_437, %mul3A_473 : i32
      %add3A_475 = arith.constant 0 : i32
      %add3A_476 = arith.addi %mul3A_474, %add3A_475 : i32
      %swap3A_477 = arith.index_cast %add3A_476 : i32 to index
      %swap3A_478 = arith.constant 0 : index
      %swap3A_479 = tpu.vector_load %arg11[%swap3A_477, %swap3A_478] {strides = array<i32>} : memref<256x16xf32, #tpu.memory_space<vmem>>, vector<1x16xf32>,
      %swap3A_480 = vector.shape_cast %swap3A_479 : vector<1x16xf32> to vector<16xf32>
      %swap3A_481 = vector.shape_cast %scan3A_471 : vector<16xf32> to vector<1x16xf32>
      tpu.vector_store %arg11[%swap3A_477, %swap3A_478], %swap3A_481 {strides = array<i32>} : memref<256x16xf32, #tpu.memory_space<vmem>>, vector<1x16xf32>,
      %mul3A_482 = arith.constant 2 : i32
      %mul3A_483 = arith.muli %add3A_437, %mul3A_482 : i32
      %add3A_484 = arith.constant 0 : i32
      %add3A_485 = arith.addi %mul3A_483, %add3A_484 : i32
      %get3A_486 = arith.index_cast %add3A_485 : i32 to index
      %get3A_487 = tpu.vector_load %arg9[%get3A_486] {strides = array<i32>} : memref<272xi32, #tpu.memory_space<vmem>>, vector<16xi32>,
      %get3A_488 = vector.shape_cast %get3A_487 : vector<16xi32> to vector<16xi32>
      %slice3A_489 = vector.extract_strided_slice %get3A_488 {offsets = [0], sizes = [1], strides = [1]} : vector<16xi32> to vector<1xi32>
      %squeeze3A_490 = vector.extract %slice3A_489[0] : i32 from vector<1xi32>
      %jit3A_491 = arith.constant 16 : i32
      %div3A_492 = arith.divsi %squeeze3A_490, %jit3A_491 : i32
      %sign3A_493 = arith.constant 0 : i32
      %sign3A_494 = arith.cmpi sgt, %squeeze3A_490, %sign3A_493 : i32
      %sign3A_495 = arith.extui %sign3A_494 : i1 to i32
      %sign3A_496 = arith.constant 0 : i32
      %sign3A_497 = arith.cmpi slt, %squeeze3A_490, %sign3A_496 : i32
      %sign3A_498 = arith.extui %sign3A_497 : i1 to i32
      %sign3A_499 = arith.subi %sign3A_495, %sign3A_498 : i32
      %sign3A_500 = arith.constant 0 : i32
      %sign3A_501 = arith.cmpi sgt, %jit3A_491, %sign3A_500 : i32
      %sign3A_502 = arith.extui %sign3A_501 : i1 to i32
      %sign3A_503 = arith.constant 0 : i32
      %sign3A_504 = arith.cmpi slt, %jit3A_491, %sign3A_503 : i32
      %sign3A_505 = arith.extui %sign3A_504 : i1 to i32
      %sign3A_506 = arith.subi %sign3A_502, %sign3A_505 : i32
      %ne3A_507 = arith.cmpi ne, %sign3A_499, %sign3A_506 : i32
      %rem3A_508 = arith.remsi %squeeze3A_490, %jit3A_491 : i32
      %ne3A_509 = arith.constant 0 : i32
      %ne3A_510 = arith.cmpi ne, %rem3A_508, %ne3A_509 : i32
      %and3A_511 = arith.andi %ne3A_507, %ne3A_510 : i1
      %sub3A_512 = arith.constant 1 : i32
      %sub3A_513 = arith.subi %div3A_492, %sub3A_512 : i32
      %select_n3A_514 = arith.select %and3A_511, %sub3A_513, %div3A_492 : i32
      %mul3A_515 = arith.constant 16 : i32
      %mul3A_516 = arith.muli %select_n3A_514, %mul3A_515 : i32
      %get3A_517 = arith.constant 2 : i32
      %get3A_518 = arith.constant 0 : i32
      %get3A_519 = arith.index_cast %get3A_517 : i32 to index
      %get3A_520 = arith.index_cast %get3A_518 : i32 to index
      %get3A_521 = arith.index_cast %mul3A_516 : i32 to index
      %get3A_522 = tpu.vector_load %arg12[%get3A_519, %get3A_520, %get3A_521] {strides = array<i32>} : memref<4x2x8192xf32, #tpu.memory_space<vmem>>, vector<1x1x16xf32>,
      %get3A_523 = vector.shape_cast %get3A_522 : vector<1x1x16xf32> to vector<16xf32>
      %iota3A_524 = tpu.iota {dimensions = array<i32: 0>} : vector<16xi32>
      %sub3A_525 = arith.subi %squeeze3A_490, %mul3A_516 : i32
      %eq3A_526 = vector.broadcast %sub3A_525 : i32 to vector<16xi32>
      %eq3A_527 = arith.cmpi eq, %iota3A_524, %eq3A_526 : vector<16xi32>
      %jit3A_528 = arith.constant 0.000000e+00 : f32
      %broadcast_in_dim3A_529 = vector.broadcast %jit3A_528 : f32 to vector<16xf32>
      %select_n3A_530 = arith.select %eq3A_527, %get3A_523, %broadcast_in_dim3A_529 : vector<16xi1>, vector<16xf32>
      %add3A_531 = arith.addf %add3A_426, %select_n3A_530 : vector<16xf32>
      %broadcast_in_dim3A_532 = arith.constant 0.000000e+00 : f32
      %broadcast_in_dim3A_533 = vector.broadcast %broadcast_in_dim3A_532 : f32 to vector<16xf32>
      %scan3A_534 = arith.constant 0 : i32
      %scan3A_535 = arith.constant 64 : i32
      %scan3A_536 = arith.addi %scan3A_534, %scan3A_535 : i32
      %scan3A_537 = arith.constant 1 : i32
      %scan3A_538 = scf.for %scan3A_778 = %scan3A_534 to %scan3A_536 step %scan3A_537 iter_args(%scan3A_779 = %broadcast_in_dim3A_533) -> (vector<16xf32>)  : i32 {
        %mul3A_780 = arith.constant 128 : i32
        %mul3A_781 = arith.muli %scan3A_778, %mul3A_780 : i32
        %add3A_782 = arith.constant 0 : i32
        %add3A_783 = arith.addi %mul3A_781, %add3A_782 : i32
        %get3A_784 = arith.constant 2 : i32
        %get3A_785 = arith.constant 1 : i32
        %get3A_786 = arith.index_cast %get3A_784 : i32 to index
        %get3A_787 = arith.index_cast %get3A_785 : i32 to index
        %get3A_788 = arith.index_cast %add3A_783 : i32 to index
        %get3A_789 = tpu.vector_load %arg12[%get3A_786, %get3A_787, %get3A_788] {strides = array<i32>} : memref<4x2x8192xf32, #tpu.memory_space<vmem>>, vector<1x1x16xf32>,
        %get3A_790 = vector.shape_cast %get3A_789 : vector<1x1x16xf32> to vector<16xf32>
        %exp3A = math.exp %get3A_790 : vector<16xf32>
        %add3A_791 = arith.addf %scan3A_779, %exp3A : vector<16xf32>
        %mul3A_792 = arith.constant 128 : i32
        %mul3A_793 = arith.muli %scan3A_778, %mul3A_792 : i32
        %add3A_794 = arith.constant 16 : i32
        %add3A_795 = arith.addi %mul3A_793, %add3A_794 : i32
        %get3A_796 = arith.constant 2 : i32
        %get3A_797 = arith.constant 1 : i32
        %get3A_798 = arith.index_cast %get3A_796 : i32 to index
        %get3A_799 = arith.index_cast %get3A_797 : i32 to index
        %get3A_800 = arith.index_cast %add3A_795 : i32 to index
        %get3A_801 = tpu.vector_load %arg12[%get3A_798, %get3A_799, %get3A_800] {strides = array<i32>} : memref<4x2x8192xf32, #tpu.memory_space<vmem>>, vector<1x1x16xf32>,
        %get3A_802 = vector.shape_cast %get3A_801 : vector<1x1x16xf32> to vector<16xf32>
        %exp3A_803 = math.exp %get3A_802 : vector<16xf32>
        %add3A_804 = arith.addf %add3A_791, %exp3A_803 : vector<16xf32>
        %mul3A_805 = arith.constant 128 : i32
        %mul3A_806 = arith.muli %scan3A_778, %mul3A_805 : i32
        %add3A_807 = arith.constant 32 : i32
        %add3A_808 = arith.addi %mul3A_806, %add3A_807 : i32
        %get3A_809 = arith.constant 2 : i32
        %get3A_810 = arith.constant 1 : i32
        %get3A_811 = arith.index_cast %get3A_809 : i32 to index
        %get3A_812 = arith.index_cast %get3A_810 : i32 to index
        %get3A_813 = arith.index_cast %add3A_808 : i32 to index
        %get3A_814 = tpu.vector_load %arg12[%get3A_811, %get3A_812, %get3A_813] {strides = array<i32>} : memref<4x2x8192xf32, #tpu.memory_space<vmem>>, vector<1x1x16xf32>,
        %get3A_815 = vector.shape_cast %get3A_814 : vector<1x1x16xf32> to vector<16xf32>
        %exp3A_816 = math.exp %get3A_815 : vector<16xf32>
        %add3A_817 = arith.addf %add3A_804, %exp3A_816 : vector<16xf32>
        %mul3A_818 = arith.constant 128 : i32
        %mul3A_819 = arith.muli %scan3A_778, %mul3A_818 : i32
        %add3A_820 = arith.constant 48 : i32
        %add3A_821 = arith.addi %mul3A_819, %add3A_820 : i32
        %get3A_822 = arith.constant 2 : i32
        %get3A_823 = arith.constant 1 : i32
        %get3A_824 = arith.index_cast %get3A_822 : i32 to index
        %get3A_825 = arith.index_cast %get3A_823 : i32 to index
        %get3A_826 = arith.index_cast %add3A_821 : i32 to index
        %get3A_827 = tpu.vector_load %arg12[%get3A_824, %get3A_825, %get3A_826] {strides = array<i32>} : memref<4x2x8192xf32, #tpu.memory_space<vmem>>, vector<1x1x16xf32>,
        %get3A_828 = vector.shape_cast %get3A_827 : vector<1x1x16xf32> to vector<16xf32>
        %exp3A_829 = math.exp %get3A_828 : vector<16xf32>
        %add3A_830 = arith.addf %add3A_817, %exp3A_829 : vector<16xf32>
        %mul3A_831 = arith.constant 128 : i32
        %mul3A_832 = arith.muli %scan3A_778, %mul3A_831 : i32
        %add3A_833 = arith.constant 64 : i32
        %add3A_834 = arith.addi %mul3A_832, %add3A_833 : i32
        %get3A_835 = arith.constant 2 : i32
        %get3A_836 = arith.constant 1 : i32
        %get3A_837 = arith.index_cast %get3A_835 : i32 to index
        %get3A_838 = arith.index_cast %get3A_836 : i32 to index
        %get3A_839 = arith.index_cast %add3A_834 : i32 to index
        %get3A_840 = tpu.vector_load %arg12[%get3A_837, %get3A_838, %get3A_839] {strides = array<i32>} : memref<4x2x8192xf32, #tpu.memory_space<vmem>>, vector<1x1x16xf32>,
        %get3A_841 = vector.shape_cast %get3A_840 : vector<1x1x16xf32> to vector<16xf32>
        %exp3A_842 = math.exp %get3A_841 : vector<16xf32>
        %add3A_843 = arith.addf %add3A_830, %exp3A_842 : vector<16xf32>
        %mul3A_844 = arith.constant 128 : i32
        %mul3A_845 = arith.muli %scan3A_778, %mul3A_844 : i32
        %add3A_846 = arith.constant 80 : i32
        %add3A_847 = arith.addi %mul3A_845, %add3A_846 : i32
        %get3A_848 = arith.constant 2 : i32
        %get3A_849 = arith.constant 1 : i32
        %get3A_850 = arith.index_cast %get3A_848 : i32 to index
        %get3A_851 = arith.index_cast %get3A_849 : i32 to index
        %get3A_852 = arith.index_cast %add3A_847 : i32 to index
        %get3A_853 = tpu.vector_load %arg12[%get3A_850, %get3A_851, %get3A_852] {strides = array<i32>} : memref<4x2x8192xf32, #tpu.memory_space<vmem>>, vector<1x1x16xf32>,
        %get3A_854 = vector.shape_cast %get3A_853 : vector<1x1x16xf32> to vector<16xf32>
        %exp3A_855 = math.exp %get3A_854 : vector<16xf32>
        %add3A_856 = arith.addf %add3A_843, %exp3A_855 : vector<16xf32>
        %mul3A_857 = arith.constant 128 : i32
        %mul3A_858 = arith.muli %scan3A_778, %mul3A_857 : i32
        %add3A_859 = arith.constant 96 : i32
        %add3A_860 = arith.addi %mul3A_858, %add3A_859 : i32
        %get3A_861 = arith.constant 2 : i32
        %get3A_862 = arith.constant 1 : i32
        %get3A_863 = arith.index_cast %get3A_861 : i32 to index
        %get3A_864 = arith.index_cast %get3A_862 : i32 to index
        %get3A_865 = arith.index_cast %add3A_860 : i32 to index
        %get3A_866 = tpu.vector_load %arg12[%get3A_863, %get3A_864, %get3A_865] {strides = array<i32>} : memref<4x2x8192xf32, #tpu.memory_space<vmem>>, vector<1x1x16xf32>,
        %get3A_867 = vector.shape_cast %get3A_866 : vector<1x1x16xf32> to vector<16xf32>
        %exp3A_868 = math.exp %get3A_867 : vector<16xf32>
        %add3A_869 = arith.addf %add3A_856, %exp3A_868 : vector<16xf32>
        %mul3A_870 = arith.constant 128 : i32
        %mul3A_871 = arith.muli %scan3A_778, %mul3A_870 : i32
        %add3A_872 = arith.constant 112 : i32
        %add3A_873 = arith.addi %mul3A_871, %add3A_872 : i32
        %get3A_874 = arith.constant 2 : i32
        %get3A_875 = arith.constant 1 : i32
        %get3A_876 = arith.index_cast %get3A_874 : i32 to index
        %get3A_877 = arith.index_cast %get3A_875 : i32 to index
        %get3A_878 = arith.index_cast %add3A_873 : i32 to index
        %get3A_879 = tpu.vector_load %arg12[%get3A_876, %get3A_877, %get3A_878] {strides = array<i32>} : memref<4x2x8192xf32, #tpu.memory_space<vmem>>, vector<1x1x16xf32>,
        %get3A_880 = vector.shape_cast %get3A_879 : vector<1x1x16xf32> to vector<16xf32>
        %exp3A_881 = math.exp %get3A_880 : vector<16xf32>
        %add3A_882 = arith.addf %add3A_869, %exp3A_881 : vector<16xf32>
        scf.yield %add3A_882 : vector<16xf32>
      }
      %scan3A_539 = arith.constant 64 : i32
      %mul3A_540 = arith.constant 2 : i32
      %mul3A_541 = arith.muli %add3A_437, %mul3A_540 : i32
      %add3A_542 = arith.constant 1 : i32
      %add3A_543 = arith.addi %mul3A_541, %add3A_542 : i32
      %swap3A_544 = arith.index_cast %add3A_543 : i32 to index
      %swap3A_545 = arith.constant 0 : index
      %swap3A_546 = tpu.vector_load %arg11[%swap3A_544, %swap3A_545] {strides = array<i32>} : memref<256x16xf32, #tpu.memory_space<vmem>>, vector<1x16xf32>,
      %swap3A_547 = vector.shape_cast %swap3A_546 : vector<1x16xf32> to vector<16xf32>
      %swap3A_548 = vector.shape_cast %scan3A_538 : vector<16xf32> to vector<1x16xf32>
      tpu.vector_store %arg11[%swap3A_544, %swap3A_545], %swap3A_548 {strides = array<i32>} : memref<256x16xf32, #tpu.memory_space<vmem>>, vector<1x16xf32>,
      %mul3A_549 = arith.constant 2 : i32
      %mul3A_550 = arith.muli %add3A_437, %mul3A_549 : i32
      %add3A_551 = arith.constant 1 : i32
      %add3A_552 = arith.addi %mul3A_550, %add3A_551 : i32
      %get3A_553 = arith.index_cast %add3A_552 : i32 to index
      %get3A_554 = tpu.vector_load %arg9[%get3A_553] {strides = array<i32>} : memref<272xi32, #tpu.memory_space<vmem>>, vector<16xi32>,
      %get3A_555 = vector.shape_cast %get3A_554 : vector<16xi32> to vector<16xi32>
      %slice3A_556 = vector.extract_strided_slice %get3A_555 {offsets = [0], sizes = [1], strides = [1]} : vector<16xi32> to vector<1xi32>
      %squeeze3A_557 = vector.extract %slice3A_556[0] : i32 from vector<1xi32>
      %jit3A_558 = arith.constant 16 : i32
      %div3A_559 = arith.divsi %squeeze3A_557, %jit3A_558 : i32
      %sign3A_560 = arith.constant 0 : i32
      %sign3A_561 = arith.cmpi sgt, %squeeze3A_557, %sign3A_560 : i32
      %sign3A_562 = arith.extui %sign3A_561 : i1 to i32
      %sign3A_563 = arith.constant 0 : i32
      %sign3A_564 = arith.cmpi slt, %squeeze3A_557, %sign3A_563 : i32
      %sign3A_565 = arith.extui %sign3A_564 : i1 to i32
      %sign3A_566 = arith.subi %sign3A_562, %sign3A_565 : i32
      %sign3A_567 = arith.constant 0 : i32
      %sign3A_568 = arith.cmpi sgt, %jit3A_558, %sign3A_567 : i32
      %sign3A_569 = arith.extui %sign3A_568 : i1 to i32
      %sign3A_570 = arith.constant 0 : i32
      %sign3A_571 = arith.cmpi slt, %jit3A_558, %sign3A_570 : i32
      %sign3A_572 = arith.extui %sign3A_571 : i1 to i32
      %sign3A_573 = arith.subi %sign3A_569, %sign3A_572 : i32
      %ne3A_574 = arith.cmpi ne, %sign3A_566, %sign3A_573 : i32
      %rem3A_575 = arith.remsi %squeeze3A_557, %jit3A_558 : i32
      %ne3A_576 = arith.constant 0 : i32
      %ne3A_577 = arith.cmpi ne, %rem3A_575, %ne3A_576 : i32
      %and3A_578 = arith.andi %ne3A_574, %ne3A_577 : i1
      %sub3A_579 = arith.constant 1 : i32
      %sub3A_580 = arith.subi %div3A_559, %sub3A_579 : i32
      %select_n3A_581 = arith.select %and3A_578, %sub3A_580, %div3A_559 : i32
      %mul3A_582 = arith.constant 16 : i32
      %mul3A_583 = arith.muli %select_n3A_581, %mul3A_582 : i32
      %get3A_584 = arith.constant 2 : i32
      %get3A_585 = arith.constant 1 : i32
      %get3A_586 = arith.index_cast %get3A_584 : i32 to index
      %get3A_587 = arith.index_cast %get3A_585 : i32 to index
      %get3A_588 = arith.index_cast %mul3A_583 : i32 to index
      %get3A_589 = tpu.vector_load %arg12[%get3A_586, %get3A_587, %get3A_588] {strides = array<i32>} : memref<4x2x8192xf32, #tpu.memory_space<vmem>>, vector<1x1x16xf32>,
      %get3A_590 = vector.shape_cast %get3A_589 : vector<1x1x16xf32> to vector<16xf32>
      %iota3A_591 = tpu.iota {dimensions = array<i32: 0>} : vector<16xi32>
      %sub3A_592 = arith.subi %squeeze3A_557, %mul3A_583 : i32
      %eq3A_593 = vector.broadcast %sub3A_592 : i32 to vector<16xi32>
      %eq3A_594 = arith.cmpi eq, %iota3A_591, %eq3A_593 : vector<16xi32>
      %jit3A_595 = arith.constant 0.000000e+00 : f32
      %broadcast_in_dim3A_596 = vector.broadcast %jit3A_595 : f32 to vector<16xf32>
      %select_n3A_597 = arith.select %eq3A_594, %get3A_590, %broadcast_in_dim3A_596 : vector<16xi1>, vector<16xf32>
      %add3A_598 = arith.addf %add3A_531, %select_n3A_597 : vector<16xf32>
      %add3A_599 = arith.constant 3 : i32
      %add3A_600 = arith.addi %add3A_437, %add3A_599 : i32
      %lt3A_601 = arith.constant 128 : i32
      %lt3A_602 = arith.cmpi slt, %add3A_600, %lt3A_601 : i32
      %convert_element_type3A_603 = arith.extui %lt3A_602 : i1 to i32
      %cond3A_604 = arith.constant 0 : i32
      %cond3A_605 = arith.cmpi ne, %convert_element_type3A_603, %cond3A_604 : i32
      scf.if %cond3A_605 {
        %add3A_778 = arith.constant 3 : i32
        %add3A_779 = arith.addi %add3A_437, %add3A_778 : i32
        %sub3A_780 = arith.constant 4 : i32
        %sub3A_781 = arith.subi %add3A_779, %sub3A_780 : i32
        %ge3A = arith.constant 0 : i32
        %ge3A_782 = arith.cmpi sge, %sub3A_781, %ge3A : i32
        %convert_element_type3A_783 = arith.extui %ge3A_782 : i1 to i32
        %cond3A_784 = arith.constant 0 : i32
        %cond3A_785 = arith.cmpi ne, %convert_element_type3A_783, %cond3A_784 : i32
        scf.if %cond3A_785 {
          %add3A_799 = arith.constant 3 : i32
          %add3A_800 = arith.addi %add3A_437, %add3A_799 : i32
          %sub3A_801 = arith.constant 4 : i32
          %sub3A_802 = arith.subi %add3A_800, %sub3A_801 : i32
          %mul3A_803 = arith.constant 2 : i32
          %mul3A_804 = arith.muli %sub3A_802, %mul3A_803 : i32
          %add3A_805 = arith.addi %mul3A_2, %mul3A_804 : i32
          %dma_wait3A_806 = arith.constant 1 : i32
          %dma_wait3A_807 = arith.constant 0 : i32
          %dma_wait3A_808 = arith.constant 0 : i32
          %dma_wait3A_809 = tpu.memref_slice %arg12[%dma_wait3A_806, %dma_wait3A_807, %dma_wait3A_808] : memref<4x2x8192xf32, #tpu.memory_space<vmem>> -> memref<1x2x8192xf32, #tpu.memory_space<vmem>>
          %dma_wait3A_810 = tpu.memref_squeeze %dma_wait3A_809 : memref<1x2x8192xf32, #tpu.memory_space<vmem>> -> memref<2x8192xf32, #tpu.memory_space<vmem>>
          %dma_wait3A_811 = arith.constant 0 : i32
          %dma_wait3A_812 = tpu.memref_slice %arg5[%add3A_805, %dma_wait3A_811] : memref<8192x8192xf32, #tpu.memory_space<hbm>> -> memref<2x8192xf32, #tpu.memory_space<hbm>>
          %dma_wait3A_813 = arith.constant 0 : i32
          %dma_wait3A_814 = tpu.memref_slice %arg5[%add3A_805, %dma_wait3A_813] : memref<8192x8192xf32, #tpu.memory_space<hbm>> -> memref<2x8192xf32, #tpu.memory_space<hbm>>
          %dma_wait3A_815 = arith.constant 0 : i32
          %dma_wait3A_816 = arith.constant 0 : i32
          %dma_wait3A_817 = tpu.memref_slice %arg12[%dma_wait3A_806, %dma_wait3A_815, %dma_wait3A_816] : memref<4x2x8192xf32, #tpu.memory_space<vmem>> -> memref<1x2x8192xf32, #tpu.memory_space<vmem>>
          %dma_wait3A_818 = tpu.memref_squeeze %dma_wait3A_817 : memref<1x2x8192xf32, #tpu.memory_space<vmem>> -> memref<2x8192xf32, #tpu.memory_space<vmem>>
          tpu.wait_dma2 semaphore(%arg18 : memref<!tpu.dma_semaphore, #tpu.memory_space<semaphore_mem>>) src(%dma_wait3A_818 : memref<2x8192xf32, #tpu.memory_space<vmem>>) dst(%dma_wait3A_814 : memref<2x8192xf32, #tpu.memory_space<hbm>>)
        } else {
        }
        %add3A_786 = arith.constant 3 : i32
        %add3A_787 = arith.addi %add3A_437, %add3A_786 : i32
        %mul3A_788 = arith.constant 8 : i32
        %mul3A_789 = arith.muli %add3A_787, %mul3A_788 : i32
        %dma_start3A_790 = arith.constant 1 : i32
        %dma_start3A_791 = arith.constant 0 : i32
        %dma_start3A_792 = arith.constant 0 : i32
        %dma_start3A_793 = tpu.memref_slice %arg12[%dma_start3A_790, %dma_start3A_791, %dma_start3A_792] : memref<4x2x8192xf32, #tpu.memory_space<vmem>> -> memref<1x2x8192xf32, #tpu.memory_space<vmem>>
        %dma_start3A_794 = tpu.memref_squeeze %dma_start3A_793 : memref<1x2x8192xf32, #tpu.memory_space<vmem>> -> memref<2x8192xf32, #tpu.memory_space<vmem>>
        %dma_start3A_795 = tpu.memref_slice %arg8[%mul3A_789] : memref<1024xi32, #tpu.memory_space<vmem>> -> memref<2xi32, #tpu.memory_space<vmem>>
        %dma_start3A_796 = arith.constant 0 : i32
        %dma_start3A_797 = arith.constant 0 : i32
        %dma_start3A_798 = tpu.memref_slice %arg2[%dma_start3A_796, %dma_start3A_797] : memref<8192x8192xf32, #tpu.memory_space<hbm>> -> memref<8192x8192xf32, #tpu.memory_space<hbm>>
        tpu.enqueue_indirect_dma source(%dma_start3A_798 : memref<8192x8192xf32, #tpu.memory_space<hbm>>) target(%dma_start3A_794 : memref<2x8192xf32, #tpu.memory_space<vmem>>) offsets(%dma_start3A_795 : memref<2xi32, #tpu.memory_space<vmem>>) semaphore(%arg14 : memref<!tpu.dma_semaphore, #tpu.memory_space<semaphore_mem>>)
      } else {
      }
      %mul3A_606 = arith.constant 4 : i32
      %mul3A_607 = arith.muli %scan3A_104, %mul3A_606 : i32
      %add3A_608 = arith.constant 3 : i32
      %add3A_609 = arith.addi %mul3A_607, %add3A_608 : i32
      %mul3A_610 = arith.constant 8 : i32
      %mul3A_611 = arith.muli %add3A_609, %mul3A_610 : i32
      %dma_wait3A_612 = arith.constant 3 : i32
      %dma_wait3A_613 = arith.constant 0 : i32
      %dma_wait3A_614 = arith.constant 0 : i32
      %dma_wait3A_615 = tpu.memref_slice %arg12[%dma_wait3A_612, %dma_wait3A_613, %dma_wait3A_614] : memref<4x2x8192xf32, #tpu.memory_space<vmem>> -> memref<1x2x8192xf32, #tpu.memory_space<vmem>>
      %dma_wait3A_616 = tpu.memref_squeeze %dma_wait3A_615 : memref<1x2x8192xf32, #tpu.memory_space<vmem>> -> memref<2x8192xf32, #tpu.memory_space<vmem>>
      %dma_wait3A_617 = tpu.memref_slice %arg8[%mul3A_611] : memref<1024xi32, #tpu.memory_space<vmem>> -> memref<2xi32, #tpu.memory_space<vmem>>
      %dma_wait3A_618 = arith.constant 0 : i32
      %dma_wait3A_619 = arith.constant 0 : i32
      %dma_wait3A_620 = tpu.memref_slice %arg2[%dma_wait3A_618, %dma_wait3A_619] : memref<8192x8192xf32, #tpu.memory_space<hbm>> -> memref<8192x8192xf32, #tpu.memory_space<hbm>>
      tpu.wait_indirect_dma semaphore(%arg16 : memref<!tpu.dma_semaphore, #tpu.memory_space<semaphore_mem>>) src(%dma_wait3A_620 : memref<8192x8192xf32, #tpu.memory_space<hbm>>) dst(%dma_wait3A_616 : memref<2x8192xf32, #tpu.memory_space<vmem>>)
      %mul3A_621 = arith.constant 2 : i32
      %mul3A_622 = arith.muli %add3A_609, %mul3A_621 : i32
      %add3A_623 = arith.addi %mul3A_2, %mul3A_622 : i32
      %dma_start3A_624 = arith.constant 3 : i32
      %dma_start3A_625 = arith.constant 0 : i32
      %dma_start3A_626 = arith.constant 0 : i32
      %dma_start3A_627 = tpu.memref_slice %arg12[%dma_start3A_624, %dma_start3A_625, %dma_start3A_626] : memref<4x2x8192xf32, #tpu.memory_space<vmem>> -> memref<1x2x8192xf32, #tpu.memory_space<vmem>>
      %dma_start3A_628 = tpu.memref_squeeze %dma_start3A_627 : memref<1x2x8192xf32, #tpu.memory_space<vmem>> -> memref<2x8192xf32, #tpu.memory_space<vmem>>
      %dma_start3A_629 = arith.constant 0 : i32
      %dma_start3A_630 = tpu.memref_slice %arg5[%add3A_623, %dma_start3A_629] : memref<8192x8192xf32, #tpu.memory_space<hbm>> -> memref<2x8192xf32, #tpu.memory_space<hbm>>
      %dma_start3A_631 = arith.constant 0 : i32
      %dma_start3A_632 = tpu.memref_slice %arg5[%add3A_623, %dma_start3A_631] : memref<8192x8192xf32, #tpu.memory_space<hbm>> -> memref<2x8192xf32, #tpu.memory_space<hbm>>
      %dma_start3A_633 = arith.constant 0 : i32
      %dma_start3A_634 = arith.constant 0 : i32
      %dma_start3A_635 = tpu.memref_slice %arg12[%dma_start3A_624, %dma_start3A_633, %dma_start3A_634] : memref<4x2x8192xf32, #tpu.memory_space<vmem>> -> memref<1x2x8192xf32, #tpu.memory_space<vmem>>
      %dma_start3A_636 = tpu.memref_squeeze %dma_start3A_635 : memref<1x2x8192xf32, #tpu.memory_space<vmem>> -> memref<2x8192xf32, #tpu.memory_space<vmem>>
      tpu.enqueue_dma source(%dma_start3A_636 : memref<2x8192xf32, #tpu.memory_space<vmem>>) target(%dma_start3A_632 : memref<2x8192xf32, #tpu.memory_space<hbm>>) target_semaphore(%arg20 : memref<!tpu.dma_semaphore, #tpu.memory_space<semaphore_mem>>)
      %broadcast_in_dim3A_637 = arith.constant 0.000000e+00 : f32
      %broadcast_in_dim3A_638 = vector.broadcast %broadcast_in_dim3A_637 : f32 to vector<16xf32>
      %scan3A_639 = arith.constant 0 : i32
      %scan3A_640 = arith.constant 64 : i32
      %scan3A_641 = arith.addi %scan3A_639, %scan3A_640 : i32
      %scan3A_642 = arith.constant 1 : i32
      %scan3A_643 = scf.for %scan3A_778 = %scan3A_639 to %scan3A_641 step %scan3A_642 iter_args(%scan3A_779 = %broadcast_in_dim3A_638) -> (vector<16xf32>)  : i32 {
        %mul3A_780 = arith.constant 128 : i32
        %mul3A_781 = arith.muli %scan3A_778, %mul3A_780 : i32
        %add3A_782 = arith.constant 0 : i32
        %add3A_783 = arith.addi %mul3A_781, %add3A_782 : i32
        %get3A_784 = arith.constant 3 : i32
        %get3A_785 = arith.constant 0 : i32
        %get3A_786 = arith.index_cast %get3A_784 : i32 to index
        %get3A_787 = arith.index_cast %get3A_785 : i32 to index
        %get3A_788 = arith.index_cast %add3A_783 : i32 to index
        %get3A_789 = tpu.vector_load %arg12[%get3A_786, %get3A_787, %get3A_788] {strides = array<i32>} : memref<4x2x8192xf32, #tpu.memory_space<vmem>>, vector<1x1x16xf32>,
        %get3A_790 = vector.shape_cast %get3A_789 : vector<1x1x16xf32> to vector<16xf32>
        %exp3A = math.exp %get3A_790 : vector<16xf32>
        %add3A_791 = arith.addf %scan3A_779, %exp3A : vector<16xf32>
        %mul3A_792 = arith.constant 128 : i32
        %mul3A_793 = arith.muli %scan3A_778, %mul3A_792 : i32
        %add3A_794 = arith.constant 16 : i32
        %add3A_795 = arith.addi %mul3A_793, %add3A_794 : i32
        %get3A_796 = arith.constant 3 : i32
        %get3A_797 = arith.constant 0 : i32
        %get3A_798 = arith.index_cast %get3A_796 : i32 to index
        %get3A_799 = arith.index_cast %get3A_797 : i32 to index
        %get3A_800 = arith.index_cast %add3A_795 : i32 to index
        %get3A_801 = tpu.vector_load %arg12[%get3A_798, %get3A_799, %get3A_800] {strides = array<i32>} : memref<4x2x8192xf32, #tpu.memory_space<vmem>>, vector<1x1x16xf32>,
        %get3A_802 = vector.shape_cast %get3A_801 : vector<1x1x16xf32> to vector<16xf32>
        %exp3A_803 = math.exp %get3A_802 : vector<16xf32>
        %add3A_804 = arith.addf %add3A_791, %exp3A_803 : vector<16xf32>
        %mul3A_805 = arith.constant 128 : i32
        %mul3A_806 = arith.muli %scan3A_778, %mul3A_805 : i32
        %add3A_807 = arith.constant 32 : i32
        %add3A_808 = arith.addi %mul3A_806, %add3A_807 : i32
        %get3A_809 = arith.constant 3 : i32
        %get3A_810 = arith.constant 0 : i32
        %get3A_811 = arith.index_cast %get3A_809 : i32 to index
        %get3A_812 = arith.index_cast %get3A_810 : i32 to index
        %get3A_813 = arith.index_cast %add3A_808 : i32 to index
        %get3A_814 = tpu.vector_load %arg12[%get3A_811, %get3A_812, %get3A_813] {strides = array<i32>} : memref<4x2x8192xf32, #tpu.memory_space<vmem>>, vector<1x1x16xf32>,
        %get3A_815 = vector.shape_cast %get3A_814 : vector<1x1x16xf32> to vector<16xf32>
        %exp3A_816 = math.exp %get3A_815 : vector<16xf32>
        %add3A_817 = arith.addf %add3A_804, %exp3A_816 : vector<16xf32>
        %mul3A_818 = arith.constant 128 : i32
        %mul3A_819 = arith.muli %scan3A_778, %mul3A_818 : i32
        %add3A_820 = arith.constant 48 : i32
        %add3A_821 = arith.addi %mul3A_819, %add3A_820 : i32
        %get3A_822 = arith.constant 3 : i32
        %get3A_823 = arith.constant 0 : i32
        %get3A_824 = arith.index_cast %get3A_822 : i32 to index
        %get3A_825 = arith.index_cast %get3A_823 : i32 to index
        %get3A_826 = arith.index_cast %add3A_821 : i32 to index
        %get3A_827 = tpu.vector_load %arg12[%get3A_824, %get3A_825, %get3A_826] {strides = array<i32>} : memref<4x2x8192xf32, #tpu.memory_space<vmem>>, vector<1x1x16xf32>,
        %get3A_828 = vector.shape_cast %get3A_827 : vector<1x1x16xf32> to vector<16xf32>
        %exp3A_829 = math.exp %get3A_828 : vector<16xf32>
        %add3A_830 = arith.addf %add3A_817, %exp3A_829 : vector<16xf32>
        %mul3A_831 = arith.constant 128 : i32
        %mul3A_832 = arith.muli %scan3A_778, %mul3A_831 : i32
        %add3A_833 = arith.constant 64 : i32
        %add3A_834 = arith.addi %mul3A_832, %add3A_833 : i32
        %get3A_835 = arith.constant 3 : i32
        %get3A_836 = arith.constant 0 : i32
        %get3A_837 = arith.index_cast %get3A_835 : i32 to index
        %get3A_838 = arith.index_cast %get3A_836 : i32 to index
        %get3A_839 = arith.index_cast %add3A_834 : i32 to index
        %get3A_840 = tpu.vector_load %arg12[%get3A_837, %get3A_838, %get3A_839] {strides = array<i32>} : memref<4x2x8192xf32, #tpu.memory_space<vmem>>, vector<1x1x16xf32>,
        %get3A_841 = vector.shape_cast %get3A_840 : vector<1x1x16xf32> to vector<16xf32>
        %exp3A_842 = math.exp %get3A_841 : vector<16xf32>
        %add3A_843 = arith.addf %add3A_830, %exp3A_842 : vector<16xf32>
        %mul3A_844 = arith.constant 128 : i32
        %mul3A_845 = arith.muli %scan3A_778, %mul3A_844 : i32
        %add3A_846 = arith.constant 80 : i32
        %add3A_847 = arith.addi %mul3A_845, %add3A_846 : i32
        %get3A_848 = arith.constant 3 : i32
        %get3A_849 = arith.constant 0 : i32
        %get3A_850 = arith.index_cast %get3A_848 : i32 to index
        %get3A_851 = arith.index_cast %get3A_849 : i32 to index
        %get3A_852 = arith.index_cast %add3A_847 : i32 to index
        %get3A_853 = tpu.vector_load %arg12[%get3A_850, %get3A_851, %get3A_852] {strides = array<i32>} : memref<4x2x8192xf32, #tpu.memory_space<vmem>>, vector<1x1x16xf32>,
        %get3A_854 = vector.shape_cast %get3A_853 : vector<1x1x16xf32> to vector<16xf32>
        %exp3A_855 = math.exp %get3A_854 : vector<16xf32>
        %add3A_856 = arith.addf %add3A_843, %exp3A_855 : vector<16xf32>
        %mul3A_857 = arith.constant 128 : i32
        %mul3A_858 = arith.muli %scan3A_778, %mul3A_857 : i32
        %add3A_859 = arith.constant 96 : i32
        %add3A_860 = arith.addi %mul3A_858, %add3A_859 : i32
        %get3A_861 = arith.constant 3 : i32
        %get3A_862 = arith.constant 0 : i32
        %get3A_863 = arith.index_cast %get3A_861 : i32 to index
        %get3A_864 = arith.index_cast %get3A_862 : i32 to index
        %get3A_865 = arith.index_cast %add3A_860 : i32 to index
        %get3A_866 = tpu.vector_load %arg12[%get3A_863, %get3A_864, %get3A_865] {strides = array<i32>} : memref<4x2x8192xf32, #tpu.memory_space<vmem>>, vector<1x1x16xf32>,
        %get3A_867 = vector.shape_cast %get3A_866 : vector<1x1x16xf32> to vector<16xf32>
        %exp3A_868 = math.exp %get3A_867 : vector<16xf32>
        %add3A_869 = arith.addf %add3A_856, %exp3A_868 : vector<16xf32>
        %mul3A_870 = arith.constant 128 : i32
        %mul3A_871 = arith.muli %scan3A_778, %mul3A_870 : i32
        %add3A_872 = arith.constant 112 : i32
        %add3A_873 = arith.addi %mul3A_871, %add3A_872 : i32
        %get3A_874 = arith.constant 3 : i32
        %get3A_875 = arith.constant 0 : i32
        %get3A_876 = arith.index_cast %get3A_874 : i32 to index
        %get3A_877 = arith.index_cast %get3A_875 : i32 to index
        %get3A_878 = arith.index_cast %add3A_873 : i32 to index
        %get3A_879 = tpu.vector_load %arg12[%get3A_876, %get3A_877, %get3A_878] {strides = array<i32>} : memref<4x2x8192xf32, #tpu.memory_space<vmem>>, vector<1x1x16xf32>,
        %get3A_880 = vector.shape_cast %get3A_879 : vector<1x1x16xf32> to vector<16xf32>
        %exp3A_881 = math.exp %get3A_880 : vector<16xf32>
        %add3A_882 = arith.addf %add3A_869, %exp3A_881 : vector<16xf32>
        scf.yield %add3A_882 : vector<16xf32>
      }
      %scan3A_644 = arith.constant 64 : i32
      %mul3A_645 = arith.constant 2 : i32
      %mul3A_646 = arith.muli %add3A_609, %mul3A_645 : i32
      %add3A_647 = arith.constant 0 : i32
      %add3A_648 = arith.addi %mul3A_646, %add3A_647 : i32
      %swap3A_649 = arith.index_cast %add3A_648 : i32 to index
      %swap3A_650 = arith.constant 0 : index
      %swap3A_651 = tpu.vector_load %arg11[%swap3A_649, %swap3A_650] {strides = array<i32>} : memref<256x16xf32, #tpu.memory_space<vmem>>, vector<1x16xf32>,
      %swap3A_652 = vector.shape_cast %swap3A_651 : vector<1x16xf32> to vector<16xf32>
      %swap3A_653 = vector.shape_cast %scan3A_643 : vector<16xf32> to vector<1x16xf32>
      tpu.vector_store %arg11[%swap3A_649, %swap3A_650], %swap3A_653 {strides = array<i32>} : memref<256x16xf32, #tpu.memory_space<vmem>>, vector<1x16xf32>,
      %mul3A_654 = arith.constant 2 : i32
      %mul3A_655 = arith.muli %add3A_609, %mul3A_654 : i32
      %add3A_656 = arith.constant 0 : i32
      %add3A_657 = arith.addi %mul3A_655, %add3A_656 : i32
      %get3A_658 = arith.index_cast %add3A_657 : i32 to index
      %get3A_659 = tpu.vector_load %arg9[%get3A_658] {strides = array<i32>} : memref<272xi32, #tpu.memory_space<vmem>>, vector<16xi32>,
      %get3A_660 = vector.shape_cast %get3A_659 : vector<16xi32> to vector<16xi32>
      %slice3A_661 = vector.extract_strided_slice %get3A_660 {offsets = [0], sizes = [1], strides = [1]} : vector<16xi32> to vector<1xi32>
      %squeeze3A_662 = vector.extract %slice3A_661[0] : i32 from vector<1xi32>
      %jit3A_663 = arith.constant 16 : i32
      %div3A_664 = arith.divsi %squeeze3A_662, %jit3A_663 : i32
      %sign3A_665 = arith.constant 0 : i32
      %sign3A_666 = arith.cmpi sgt, %squeeze3A_662, %sign3A_665 : i32
      %sign3A_667 = arith.extui %sign3A_666 : i1 to i32
      %sign3A_668 = arith.constant 0 : i32
      %sign3A_669 = arith.cmpi slt, %squeeze3A_662, %sign3A_668 : i32
      %sign3A_670 = arith.extui %sign3A_669 : i1 to i32
      %sign3A_671 = arith.subi %sign3A_667, %sign3A_670 : i32
      %sign3A_672 = arith.constant 0 : i32
      %sign3A_673 = arith.cmpi sgt, %jit3A_663, %sign3A_672 : i32
      %sign3A_674 = arith.extui %sign3A_673 : i1 to i32
      %sign3A_675 = arith.constant 0 : i32
      %sign3A_676 = arith.cmpi slt, %jit3A_663, %sign3A_675 : i32
      %sign3A_677 = arith.extui %sign3A_676 : i1 to i32
      %sign3A_678 = arith.subi %sign3A_674, %sign3A_677 : i32
      %ne3A_679 = arith.cmpi ne, %sign3A_671, %sign3A_678 : i32
      %rem3A_680 = arith.remsi %squeeze3A_662, %jit3A_663 : i32
      %ne3A_681 = arith.constant 0 : i32
      %ne3A_682 = arith.cmpi ne, %rem3A_680, %ne3A_681 : i32
      %and3A_683 = arith.andi %ne3A_679, %ne3A_682 : i1
      %sub3A_684 = arith.constant 1 : i32
      %sub3A_685 = arith.subi %div3A_664, %sub3A_684 : i32
      %select_n3A_686 = arith.select %and3A_683, %sub3A_685, %div3A_664 : i32
      %mul3A_687 = arith.constant 16 : i32
      %mul3A_688 = arith.muli %select_n3A_686, %mul3A_687 : i32
      %get3A_689 = arith.constant 3 : i32
      %get3A_690 = arith.constant 0 : i32
      %get3A_691 = arith.index_cast %get3A_689 : i32 to index
      %get3A_692 = arith.index_cast %get3A_690 : i32 to index
      %get3A_693 = arith.index_cast %mul3A_688 : i32 to index
      %get3A_694 = tpu.vector_load %arg12[%get3A_691, %get3A_692, %get3A_693] {strides = array<i32>} : memref<4x2x8192xf32, #tpu.memory_space<vmem>>, vector<1x1x16xf32>,
      %get3A_695 = vector.shape_cast %get3A_694 : vector<1x1x16xf32> to vector<16xf32>
      %iota3A_696 = tpu.iota {dimensions = array<i32: 0>} : vector<16xi32>
      %sub3A_697 = arith.subi %squeeze3A_662, %mul3A_688 : i32
      %eq3A_698 = vector.broadcast %sub3A_697 : i32 to vector<16xi32>
      %eq3A_699 = arith.cmpi eq, %iota3A_696, %eq3A_698 : vector<16xi32>
      %jit3A_700 = arith.constant 0.000000e+00 : f32
      %broadcast_in_dim3A_701 = vector.broadcast %jit3A_700 : f32 to vector<16xf32>
      %select_n3A_702 = arith.select %eq3A_699, %get3A_695, %broadcast_in_dim3A_701 : vector<16xi1>, vector<16xf32>
      %add3A_703 = arith.addf %add3A_598, %select_n3A_702 : vector<16xf32>
      %broadcast_in_dim3A_704 = arith.constant 0.000000e+00 : f32
      %broadcast_in_dim3A_705 = vector.broadcast %broadcast_in_dim3A_704 : f32 to vector<16xf32>
      %scan3A_706 = arith.constant 0 : i32
      %scan3A_707 = arith.constant 64 : i32
      %scan3A_708 = arith.addi %scan3A_706, %scan3A_707 : i32
      %scan3A_709 = arith.constant 1 : i32
      %scan3A_710 = scf.for %scan3A_778 = %scan3A_706 to %scan3A_708 step %scan3A_709 iter_args(%scan3A_779 = %broadcast_in_dim3A_705) -> (vector<16xf32>)  : i32 {
        %mul3A_780 = arith.constant 128 : i32
        %mul3A_781 = arith.muli %scan3A_778, %mul3A_780 : i32
        %add3A_782 = arith.constant 0 : i32
        %add3A_783 = arith.addi %mul3A_781, %add3A_782 : i32
        %get3A_784 = arith.constant 3 : i32
        %get3A_785 = arith.constant 1 : i32
        %get3A_786 = arith.index_cast %get3A_784 : i32 to index
        %get3A_787 = arith.index_cast %get3A_785 : i32 to index
        %get3A_788 = arith.index_cast %add3A_783 : i32 to index
        %get3A_789 = tpu.vector_load %arg12[%get3A_786, %get3A_787, %get3A_788] {strides = array<i32>} : memref<4x2x8192xf32, #tpu.memory_space<vmem>>, vector<1x1x16xf32>,
        %get3A_790 = vector.shape_cast %get3A_789 : vector<1x1x16xf32> to vector<16xf32>
        %exp3A = math.exp %get3A_790 : vector<16xf32>
        %add3A_791 = arith.addf %scan3A_779, %exp3A : vector<16xf32>
        %mul3A_792 = arith.constant 128 : i32
        %mul3A_793 = arith.muli %scan3A_778, %mul3A_792 : i32
        %add3A_794 = arith.constant 16 : i32
        %add3A_795 = arith.addi %mul3A_793, %add3A_794 : i32
        %get3A_796 = arith.constant 3 : i32
        %get3A_797 = arith.constant 1 : i32
        %get3A_798 = arith.index_cast %get3A_796 : i32 to index
        %get3A_799 = arith.index_cast %get3A_797 : i32 to index
        %get3A_800 = arith.index_cast %add3A_795 : i32 to index
        %get3A_801 = tpu.vector_load %arg12[%get3A_798, %get3A_799, %get3A_800] {strides = array<i32>} : memref<4x2x8192xf32, #tpu.memory_space<vmem>>, vector<1x1x16xf32>,
        %get3A_802 = vector.shape_cast %get3A_801 : vector<1x1x16xf32> to vector<16xf32>
        %exp3A_803 = math.exp %get3A_802 : vector<16xf32>
        %add3A_804 = arith.addf %add3A_791, %exp3A_803 : vector<16xf32>
        %mul3A_805 = arith.constant 128 : i32
        %mul3A_806 = arith.muli %scan3A_778, %mul3A_805 : i32
        %add3A_807 = arith.constant 32 : i32
        %add3A_808 = arith.addi %mul3A_806, %add3A_807 : i32
        %get3A_809 = arith.constant 3 : i32
        %get3A_810 = arith.constant 1 : i32
        %get3A_811 = arith.index_cast %get3A_809 : i32 to index
        %get3A_812 = arith.index_cast %get3A_810 : i32 to index
        %get3A_813 = arith.index_cast %add3A_808 : i32 to index
        %get3A_814 = tpu.vector_load %arg12[%get3A_811, %get3A_812, %get3A_813] {strides = array<i32>} : memref<4x2x8192xf32, #tpu.memory_space<vmem>>, vector<1x1x16xf32>,
        %get3A_815 = vector.shape_cast %get3A_814 : vector<1x1x16xf32> to vector<16xf32>
        %exp3A_816 = math.exp %get3A_815 : vector<16xf32>
        %add3A_817 = arith.addf %add3A_804, %exp3A_816 : vector<16xf32>
        %mul3A_818 = arith.constant 128 : i32
        %mul3A_819 = arith.muli %scan3A_778, %mul3A_818 : i32
        %add3A_820 = arith.constant 48 : i32
        %add3A_821 = arith.addi %mul3A_819, %add3A_820 : i32
        %get3A_822 = arith.constant 3 : i32
        %get3A_823 = arith.constant 1 : i32
        %get3A_824 = arith.index_cast %get3A_822 : i32 to index
        %get3A_825 = arith.index_cast %get3A_823 : i32 to index
        %get3A_826 = arith.index_cast %add3A_821 : i32 to index
        %get3A_827 = tpu.vector_load %arg12[%get3A_824, %get3A_825, %get3A_826] {strides = array<i32>} : memref<4x2x8192xf32, #tpu.memory_space<vmem>>, vector<1x1x16xf32>,
        %get3A_828 = vector.shape_cast %get3A_827 : vector<1x1x16xf32> to vector<16xf32>
        %exp3A_829 = math.exp %get3A_828 : vector<16xf32>
        %add3A_830 = arith.addf %add3A_817, %exp3A_829 : vector<16xf32>
        %mul3A_831 = arith.constant 128 : i32
        %mul3A_832 = arith.muli %scan3A_778, %mul3A_831 : i32
        %add3A_833 = arith.constant 64 : i32
        %add3A_834 = arith.addi %mul3A_832, %add3A_833 : i32
        %get3A_835 = arith.constant 3 : i32
        %get3A_836 = arith.constant 1 : i32
        %get3A_837 = arith.index_cast %get3A_835 : i32 to index
        %get3A_838 = arith.index_cast %get3A_836 : i32 to index
        %get3A_839 = arith.index_cast %add3A_834 : i32 to index
        %get3A_840 = tpu.vector_load %arg12[%get3A_837, %get3A_838, %get3A_839] {strides = array<i32>} : memref<4x2x8192xf32, #tpu.memory_space<vmem>>, vector<1x1x16xf32>,
        %get3A_841 = vector.shape_cast %get3A_840 : vector<1x1x16xf32> to vector<16xf32>
        %exp3A_842 = math.exp %get3A_841 : vector<16xf32>
        %add3A_843 = arith.addf %add3A_830, %exp3A_842 : vector<16xf32>
        %mul3A_844 = arith.constant 128 : i32
        %mul3A_845 = arith.muli %scan3A_778, %mul3A_844 : i32
        %add3A_846 = arith.constant 80 : i32
        %add3A_847 = arith.addi %mul3A_845, %add3A_846 : i32
        %get3A_848 = arith.constant 3 : i32
        %get3A_849 = arith.constant 1 : i32
        %get3A_850 = arith.index_cast %get3A_848 : i32 to index
        %get3A_851 = arith.index_cast %get3A_849 : i32 to index
        %get3A_852 = arith.index_cast %add3A_847 : i32 to index
        %get3A_853 = tpu.vector_load %arg12[%get3A_850, %get3A_851, %get3A_852] {strides = array<i32>} : memref<4x2x8192xf32, #tpu.memory_space<vmem>>, vector<1x1x16xf32>,
        %get3A_854 = vector.shape_cast %get3A_853 : vector<1x1x16xf32> to vector<16xf32>
        %exp3A_855 = math.exp %get3A_854 : vector<16xf32>
        %add3A_856 = arith.addf %add3A_843, %exp3A_855 : vector<16xf32>
        %mul3A_857 = arith.constant 128 : i32
        %mul3A_858 = arith.muli %scan3A_778, %mul3A_857 : i32
        %add3A_859 = arith.constant 96 : i32
        %add3A_860 = arith.addi %mul3A_858, %add3A_859 : i32
        %get3A_861 = arith.constant 3 : i32
        %get3A_862 = arith.constant 1 : i32
        %get3A_863 = arith.index_cast %get3A_861 : i32 to index
        %get3A_864 = arith.index_cast %get3A_862 : i32 to index
        %get3A_865 = arith.index_cast %add3A_860 : i32 to index
        %get3A_866 = tpu.vector_load %arg12[%get3A_863, %get3A_864, %get3A_865] {strides = array<i32>} : memref<4x2x8192xf32, #tpu.memory_space<vmem>>, vector<1x1x16xf32>,
        %get3A_867 = vector.shape_cast %get3A_866 : vector<1x1x16xf32> to vector<16xf32>
        %exp3A_868 = math.exp %get3A_867 : vector<16xf32>
        %add3A_869 = arith.addf %add3A_856, %exp3A_868 : vector<16xf32>
        %mul3A_870 = arith.constant 128 : i32
        %mul3A_871 = arith.muli %scan3A_778, %mul3A_870 : i32
        %add3A_872 = arith.constant 112 : i32
        %add3A_873 = arith.addi %mul3A_871, %add3A_872 : i32
        %get3A_874 = arith.constant 3 : i32
        %get3A_875 = arith.constant 1 : i32
        %get3A_876 = arith.index_cast %get3A_874 : i32 to index
        %get3A_877 = arith.index_cast %get3A_875 : i32 to index
        %get3A_878 = arith.index_cast %add3A_873 : i32 to index
        %get3A_879 = tpu.vector_load %arg12[%get3A_876, %get3A_877, %get3A_878] {strides = array<i32>} : memref<4x2x8192xf32, #tpu.memory_space<vmem>>, vector<1x1x16xf32>,
        %get3A_880 = vector.shape_cast %get3A_879 : vector<1x1x16xf32> to vector<16xf32>
        %exp3A_881 = math.exp %get3A_880 : vector<16xf32>
        %add3A_882 = arith.addf %add3A_869, %exp3A_881 : vector<16xf32>
        scf.yield %add3A_882 : vector<16xf32>
      }
      %scan3A_711 = arith.constant 64 : i32
      %mul3A_712 = arith.constant 2 : i32
      %mul3A_713 = arith.muli %add3A_609, %mul3A_712 : i32
      %add3A_714 = arith.constant 1 : i32
      %add3A_715 = arith.addi %mul3A_713, %add3A_714 : i32
      %swap3A_716 = arith.index_cast %add3A_715 : i32 to index
      %swap3A_717 = arith.constant 0 : index
      %swap3A_718 = tpu.vector_load %arg11[%swap3A_716, %swap3A_717] {strides = array<i32>} : memref<256x16xf32, #tpu.memory_space<vmem>>, vector<1x16xf32>,
      %swap3A_719 = vector.shape_cast %swap3A_718 : vector<1x16xf32> to vector<16xf32>
      %swap3A_720 = vector.shape_cast %scan3A_710 : vector<16xf32> to vector<1x16xf32>
      tpu.vector_store %arg11[%swap3A_716, %swap3A_717], %swap3A_720 {strides = array<i32>} : memref<256x16xf32, #tpu.memory_space<vmem>>, vector<1x16xf32>,
      %mul3A_721 = arith.constant 2 : i32
      %mul3A_722 = arith.muli %add3A_609, %mul3A_721 : i32
      %add3A_723 = arith.constant 1 : i32
      %add3A_724 = arith.addi %mul3A_722, %add3A_723 : i32
      %get3A_725 = arith.index_cast %add3A_724 : i32 to index
      %get3A_726 = tpu.vector_load %arg9[%get3A_725] {strides = array<i32>} : memref<272xi32, #tpu.memory_space<vmem>>, vector<16xi32>,
      %get3A_727 = vector.shape_cast %get3A_726 : vector<16xi32> to vector<16xi32>
      %slice3A_728 = vector.extract_strided_slice %get3A_727 {offsets = [0], sizes = [1], strides = [1]} : vector<16xi32> to vector<1xi32>
      %squeeze3A_729 = vector.extract %slice3A_728[0] : i32 from vector<1xi32>
      %jit3A_730 = arith.constant 16 : i32
      %div3A_731 = arith.divsi %squeeze3A_729, %jit3A_730 : i32
      %sign3A_732 = arith.constant 0 : i32
      %sign3A_733 = arith.cmpi sgt, %squeeze3A_729, %sign3A_732 : i32
      %sign3A_734 = arith.extui %sign3A_733 : i1 to i32
      %sign3A_735 = arith.constant 0 : i32
      %sign3A_736 = arith.cmpi slt, %squeeze3A_729, %sign3A_735 : i32
      %sign3A_737 = arith.extui %sign3A_736 : i1 to i32
      %sign3A_738 = arith.subi %sign3A_734, %sign3A_737 : i32
      %sign3A_739 = arith.constant 0 : i32
      %sign3A_740 = arith.cmpi sgt, %jit3A_730, %sign3A_739 : i32
      %sign3A_741 = arith.extui %sign3A_740 : i1 to i32
      %sign3A_742 = arith.constant 0 : i32
      %sign3A_743 = arith.cmpi slt, %jit3A_730, %sign3A_742 : i32
      %sign3A_744 = arith.extui %sign3A_743 : i1 to i32
      %sign3A_745 = arith.subi %sign3A_741, %sign3A_744 : i32
      %ne3A_746 = arith.cmpi ne, %sign3A_738, %sign3A_745 : i32
      %rem3A_747 = arith.remsi %squeeze3A_729, %jit3A_730 : i32
      %ne3A_748 = arith.constant 0 : i32
      %ne3A_749 = arith.cmpi ne, %rem3A_747, %ne3A_748 : i32
      %and3A_750 = arith.andi %ne3A_746, %ne3A_749 : i1
      %sub3A_751 = arith.constant 1 : i32
      %sub3A_752 = arith.subi %div3A_731, %sub3A_751 : i32
      %select_n3A_753 = arith.select %and3A_750, %sub3A_752, %div3A_731 : i32
      %mul3A_754 = arith.constant 16 : i32
      %mul3A_755 = arith.muli %select_n3A_753, %mul3A_754 : i32
      %get3A_756 = arith.constant 3 : i32
      %get3A_757 = arith.constant 1 : i32
      %get3A_758 = arith.index_cast %get3A_756 : i32 to index
      %get3A_759 = arith.index_cast %get3A_757 : i32 to index
      %get3A_760 = arith.index_cast %mul3A_755 : i32 to index
      %get3A_761 = tpu.vector_load %arg12[%get3A_758, %get3A_759, %get3A_760] {strides = array<i32>} : memref<4x2x8192xf32, #tpu.memory_space<vmem>>, vector<1x1x16xf32>,
      %get3A_762 = vector.shape_cast %get3A_761 : vector<1x1x16xf32> to vector<16xf32>
      %iota3A_763 = tpu.iota {dimensions = array<i32: 0>} : vector<16xi32>
      %sub3A_764 = arith.subi %squeeze3A_729, %mul3A_755 : i32
      %eq3A_765 = vector.broadcast %sub3A_764 : i32 to vector<16xi32>
      %eq3A_766 = arith.cmpi eq, %iota3A_763, %eq3A_765 : vector<16xi32>
      %jit3A_767 = arith.constant 0.000000e+00 : f32
      %broadcast_in_dim3A_768 = vector.broadcast %jit3A_767 : f32 to vector<16xf32>
      %select_n3A_769 = arith.select %eq3A_766, %get3A_762, %broadcast_in_dim3A_768 : vector<16xi1>, vector<16xf32>
      %add3A_770 = arith.addf %add3A_703, %select_n3A_769 : vector<16xf32>
      %add3A_771 = arith.constant 3 : i32
      %add3A_772 = arith.addi %add3A_609, %add3A_771 : i32
      %lt3A_773 = arith.constant 128 : i32
      %lt3A_774 = arith.cmpi slt, %add3A_772, %lt3A_773 : i32
      %convert_element_type3A_775 = arith.extui %lt3A_774 : i1 to i32
      %cond3A_776 = arith.constant 0 : i32
      %cond3A_777 = arith.cmpi ne, %convert_element_type3A_775, %cond3A_776 : i32
      scf.if %cond3A_777 {
        %add3A_778 = arith.constant 3 : i32
        %add3A_779 = arith.addi %add3A_609, %add3A_778 : i32
        %sub3A_780 = arith.constant 4 : i32
        %sub3A_781 = arith.subi %add3A_779, %sub3A_780 : i32
        %ge3A = arith.constant 0 : i32
        %ge3A_782 = arith.cmpi sge, %sub3A_781, %ge3A : i32
        %convert_element_type3A_783 = arith.extui %ge3A_782 : i1 to i32
        %cond3A_784 = arith.constant 0 : i32
        %cond3A_785 = arith.cmpi ne, %convert_element_type3A_783, %cond3A_784 : i32
        scf.if %cond3A_785 {
          %add3A_799 = arith.constant 3 : i32
          %add3A_800 = arith.addi %add3A_609, %add3A_799 : i32
          %sub3A_801 = arith.constant 4 : i32
          %sub3A_802 = arith.subi %add3A_800, %sub3A_801 : i32
          %mul3A_803 = arith.constant 2 : i32
          %mul3A_804 = arith.muli %sub3A_802, %mul3A_803 : i32
          %add3A_805 = arith.addi %mul3A_2, %mul3A_804 : i32
          %dma_wait3A_806 = arith.constant 2 : i32
          %dma_wait3A_807 = arith.constant 0 : i32
          %dma_wait3A_808 = arith.constant 0 : i32
          %dma_wait3A_809 = tpu.memref_slice %arg12[%dma_wait3A_806, %dma_wait3A_807, %dma_wait3A_808] : memref<4x2x8192xf32, #tpu.memory_space<vmem>> -> memref<1x2x8192xf32, #tpu.memory_space<vmem>>
          %dma_wait3A_810 = tpu.memref_squeeze %dma_wait3A_809 : memref<1x2x8192xf32, #tpu.memory_space<vmem>> -> memref<2x8192xf32, #tpu.memory_space<vmem>>
          %dma_wait3A_811 = arith.constant 0 : i32
          %dma_wait3A_812 = tpu.memref_slice %arg5[%add3A_805, %dma_wait3A_811] : memref<8192x8192xf32, #tpu.memory_space<hbm>> -> memref<2x8192xf32, #tpu.memory_space<hbm>>
          %dma_wait3A_813 = arith.constant 0 : i32
          %dma_wait3A_814 = tpu.memref_slice %arg5[%add3A_805, %dma_wait3A_813] : memref<8192x8192xf32, #tpu.memory_space<hbm>> -> memref<2x8192xf32, #tpu.memory_space<hbm>>
          %dma_wait3A_815 = arith.constant 0 : i32
          %dma_wait3A_816 = arith.constant 0 : i32
          %dma_wait3A_817 = tpu.memref_slice %arg12[%dma_wait3A_806, %dma_wait3A_815, %dma_wait3A_816] : memref<4x2x8192xf32, #tpu.memory_space<vmem>> -> memref<1x2x8192xf32, #tpu.memory_space<vmem>>
          %dma_wait3A_818 = tpu.memref_squeeze %dma_wait3A_817 : memref<1x2x8192xf32, #tpu.memory_space<vmem>> -> memref<2x8192xf32, #tpu.memory_space<vmem>>
          tpu.wait_dma2 semaphore(%arg19 : memref<!tpu.dma_semaphore, #tpu.memory_space<semaphore_mem>>) src(%dma_wait3A_818 : memref<2x8192xf32, #tpu.memory_space<vmem>>) dst(%dma_wait3A_814 : memref<2x8192xf32, #tpu.memory_space<hbm>>)
        } else {
        }
        %add3A_786 = arith.constant 3 : i32
        %add3A_787 = arith.addi %add3A_609, %add3A_786 : i32
        %mul3A_788 = arith.constant 8 : i32
        %mul3A_789 = arith.muli %add3A_787, %mul3A_788 : i32
        %dma_start3A_790 = arith.constant 2 : i32
        %dma_start3A_791 = arith.constant 0 : i32
        %dma_start3A_792 = arith.constant 0 : i32
        %dma_start3A_793 = tpu.memref_slice %arg12[%dma_start3A_790, %dma_start3A_791, %dma_start3A_792] : memref<4x2x8192xf32, #tpu.memory_space<vmem>> -> memref<1x2x8192xf32, #tpu.memory_space<vmem>>
        %dma_start3A_794 = tpu.memref_squeeze %dma_start3A_793 : memref<1x2x8192xf32, #tpu.memory_space<vmem>> -> memref<2x8192xf32, #tpu.memory_space<vmem>>
        %dma_start3A_795 = tpu.memref_slice %arg8[%mul3A_789] : memref<1024xi32, #tpu.memory_space<vmem>> -> memref<2xi32, #tpu.memory_space<vmem>>
        %dma_start3A_796 = arith.constant 0 : i32
        %dma_start3A_797 = arith.constant 0 : i32
        %dma_start3A_798 = tpu.memref_slice %arg2[%dma_start3A_796, %dma_start3A_797] : memref<8192x8192xf32, #tpu.memory_space<hbm>> -> memref<8192x8192xf32, #tpu.memory_space<hbm>>
        tpu.enqueue_indirect_dma source(%dma_start3A_798 : memref<8192x8192xf32, #tpu.memory_space<hbm>>) target(%dma_start3A_794 : memref<2x8192xf32, #tpu.memory_space<vmem>>) offsets(%dma_start3A_795 : memref<2xi32, #tpu.memory_space<vmem>>) semaphore(%arg15 : memref<!tpu.dma_semaphore, #tpu.memory_space<semaphore_mem>>)
      } else {
      }
      scf.yield %add3A_770 : vector<16xf32>
    }
    %scan3A_39 = arith.constant 32 : i32
    %add3A_40 = arith.constant 248 : i32
    %add3A_41 = arith.addi %mul3A_2, %add3A_40 : i32
    %dma_wait3A = arith.constant 0 : i32
    %dma_wait3A_42 = arith.constant 0 : i32
    %dma_wait3A_43 = arith.constant 0 : i32
    %dma_wait3A_44 = tpu.memref_slice %arg12[%dma_wait3A, %dma_wait3A_42, %dma_wait3A_43] : memref<4x2x8192xf32, #tpu.memory_space<vmem>> -> memref<1x2x8192xf32, #tpu.memory_space<vmem>>
    %dma_wait3A_45 = tpu.memref_squeeze %dma_wait3A_44 : memref<1x2x8192xf32, #tpu.memory_space<vmem>> -> memref<2x8192xf32, #tpu.memory_space<vmem>>
    %dma_wait3A_46 = arith.constant 0 : i32
    %dma_wait3A_47 = tpu.memref_slice %arg5[%add3A_41, %dma_wait3A_46] : memref<8192x8192xf32, #tpu.memory_space<hbm>> -> memref<2x8192xf32, #tpu.memory_space<hbm>>
    %dma_wait3A_48 = arith.constant 0 : i32
    %dma_wait3A_49 = tpu.memref_slice %arg5[%add3A_41, %dma_wait3A_48] : memref<8192x8192xf32, #tpu.memory_space<hbm>> -> memref<2x8192xf32, #tpu.memory_space<hbm>>
    %dma_wait3A_50 = arith.constant 0 : i32
    %dma_wait3A_51 = arith.constant 0 : i32
    %dma_wait3A_52 = tpu.memref_slice %arg12[%dma_wait3A, %dma_wait3A_50, %dma_wait3A_51] : memref<4x2x8192xf32, #tpu.memory_space<vmem>> -> memref<1x2x8192xf32, #tpu.memory_space<vmem>>
    %dma_wait3A_53 = tpu.memref_squeeze %dma_wait3A_52 : memref<1x2x8192xf32, #tpu.memory_space<vmem>> -> memref<2x8192xf32, #tpu.memory_space<vmem>>
    tpu.wait_dma2 semaphore(%arg17 : memref<!tpu.dma_semaphore, #tpu.memory_space<semaphore_mem>>) src(%dma_wait3A_53 : memref<2x8192xf32, #tpu.memory_space<vmem>>) dst(%dma_wait3A_49 : memref<2x8192xf32, #tpu.memory_space<hbm>>)
    %add3A_54 = arith.constant 250 : i32
    %add3A_55 = arith.addi %mul3A_2, %add3A_54 : i32
    %dma_wait3A_56 = arith.constant 1 : i32
    %dma_wait3A_57 = arith.constant 0 : i32
    %dma_wait3A_58 = arith.constant 0 : i32
    %dma_wait3A_59 = tpu.memref_slice %arg12[%dma_wait3A_56, %dma_wait3A_57, %dma_wait3A_58] : memref<4x2x8192xf32, #tpu.memory_space<vmem>> -> memref<1x2x8192xf32, #tpu.memory_space<vmem>>
    %dma_wait3A_60 = tpu.memref_squeeze %dma_wait3A_59 : memref<1x2x8192xf32, #tpu.memory_space<vmem>> -> memref<2x8192xf32, #tpu.memory_space<vmem>>
    %dma_wait3A_61 = arith.constant 0 : i32
    %dma_wait3A_62 = tpu.memref_slice %arg5[%add3A_55, %dma_wait3A_61] : memref<8192x8192xf32, #tpu.memory_space<hbm>> -> memref<2x8192xf32, #tpu.memory_space<hbm>>
    %dma_wait3A_63 = arith.constant 0 : i32
    %dma_wait3A_64 = tpu.memref_slice %arg5[%add3A_55, %dma_wait3A_63] : memref<8192x8192xf32, #tpu.memory_space<hbm>> -> memref<2x8192xf32, #tpu.memory_space<hbm>>
    %dma_wait3A_65 = arith.constant 0 : i32
    %dma_wait3A_66 = arith.constant 0 : i32
    %dma_wait3A_67 = tpu.memref_slice %arg12[%dma_wait3A_56, %dma_wait3A_65, %dma_wait3A_66] : memref<4x2x8192xf32, #tpu.memory_space<vmem>> -> memref<1x2x8192xf32, #tpu.memory_space<vmem>>
    %dma_wait3A_68 = tpu.memref_squeeze %dma_wait3A_67 : memref<1x2x8192xf32, #tpu.memory_space<vmem>> -> memref<2x8192xf32, #tpu.memory_space<vmem>>
    tpu.wait_dma2 semaphore(%arg18 : memref<!tpu.dma_semaphore, #tpu.memory_space<semaphore_mem>>) src(%dma_wait3A_68 : memref<2x8192xf32, #tpu.memory_space<vmem>>) dst(%dma_wait3A_64 : memref<2x8192xf32, #tpu.memory_space<hbm>>)
    %add3A_69 = arith.constant 252 : i32
    %add3A_70 = arith.addi %mul3A_2, %add3A_69 : i32
    %dma_wait3A_71 = arith.constant 2 : i32
    %dma_wait3A_72 = arith.constant 0 : i32
    %dma_wait3A_73 = arith.constant 0 : i32
    %dma_wait3A_74 = tpu.memref_slice %arg12[%dma_wait3A_71, %dma_wait3A_72, %dma_wait3A_73] : memref<4x2x8192xf32, #tpu.memory_space<vmem>> -> memref<1x2x8192xf32, #tpu.memory_space<vmem>>
    %dma_wait3A_75 = tpu.memref_squeeze %dma_wait3A_74 : memref<1x2x8192xf32, #tpu.memory_space<vmem>> -> memref<2x8192xf32, #tpu.memory_space<vmem>>
    %dma_wait3A_76 = arith.constant 0 : i32
    %dma_wait3A_77 = tpu.memref_slice %arg5[%add3A_70, %dma_wait3A_76] : memref<8192x8192xf32, #tpu.memory_space<hbm>> -> memref<2x8192xf32, #tpu.memory_space<hbm>>
    %dma_wait3A_78 = arith.constant 0 : i32
    %dma_wait3A_79 = tpu.memref_slice %arg5[%add3A_70, %dma_wait3A_78] : memref<8192x8192xf32, #tpu.memory_space<hbm>> -> memref<2x8192xf32, #tpu.memory_space<hbm>>
    %dma_wait3A_80 = arith.constant 0 : i32
    %dma_wait3A_81 = arith.constant 0 : i32
    %dma_wait3A_82 = tpu.memref_slice %arg12[%dma_wait3A_71, %dma_wait3A_80, %dma_wait3A_81] : memref<4x2x8192xf32, #tpu.memory_space<vmem>> -> memref<1x2x8192xf32, #tpu.memory_space<vmem>>
    %dma_wait3A_83 = tpu.memref_squeeze %dma_wait3A_82 : memref<1x2x8192xf32, #tpu.memory_space<vmem>> -> memref<2x8192xf32, #tpu.memory_space<vmem>>
    tpu.wait_dma2 semaphore(%arg19 : memref<!tpu.dma_semaphore, #tpu.memory_space<semaphore_mem>>) src(%dma_wait3A_83 : memref<2x8192xf32, #tpu.memory_space<vmem>>) dst(%dma_wait3A_79 : memref<2x8192xf32, #tpu.memory_space<hbm>>)
    %add3A_84 = arith.constant 254 : i32
    %add3A_85 = arith.addi %mul3A_2, %add3A_84 : i32
    %dma_wait3A_86 = arith.constant 3 : i32
    %dma_wait3A_87 = arith.constant 0 : i32
    %dma_wait3A_88 = arith.constant 0 : i32
    %dma_wait3A_89 = tpu.memref_slice %arg12[%dma_wait3A_86, %dma_wait3A_87, %dma_wait3A_88] : memref<4x2x8192xf32, #tpu.memory_space<vmem>> -> memref<1x2x8192xf32, #tpu.memory_space<vmem>>
    %dma_wait3A_90 = tpu.memref_squeeze %dma_wait3A_89 : memref<1x2x8192xf32, #tpu.memory_space<vmem>> -> memref<2x8192xf32, #tpu.memory_space<vmem>>
    %dma_wait3A_91 = arith.constant 0 : i32
    %dma_wait3A_92 = tpu.memref_slice %arg5[%add3A_85, %dma_wait3A_91] : memref<8192x8192xf32, #tpu.memory_space<hbm>> -> memref<2x8192xf32, #tpu.memory_space<hbm>>
    %dma_wait3A_93 = arith.constant 0 : i32
    %dma_wait3A_94 = tpu.memref_slice %arg5[%add3A_85, %dma_wait3A_93] : memref<8192x8192xf32, #tpu.memory_space<hbm>> -> memref<2x8192xf32, #tpu.memory_space<hbm>>
    %dma_wait3A_95 = arith.constant 0 : i32
    %dma_wait3A_96 = arith.constant 0 : i32
    %dma_wait3A_97 = tpu.memref_slice %arg12[%dma_wait3A_86, %dma_wait3A_95, %dma_wait3A_96] : memref<4x2x8192xf32, #tpu.memory_space<vmem>> -> memref<1x2x8192xf32, #tpu.memory_space<vmem>>
    %dma_wait3A_98 = tpu.memref_squeeze %dma_wait3A_97 : memref<1x2x8192xf32, #tpu.memory_space<vmem>> -> memref<2x8192xf32, #tpu.memory_space<vmem>>
    tpu.wait_dma2 semaphore(%arg20 : memref<!tpu.dma_semaphore, #tpu.memory_space<semaphore_mem>>) src(%dma_wait3A_98 : memref<2x8192xf32, #tpu.memory_space<vmem>>) dst(%dma_wait3A_94 : memref<2x8192xf32, #tpu.memory_space<hbm>>)
    %swap3A = arith.constant 0 : i32
    %swap3A_99 = arith.index_cast %swap3A : i32 to index
    %swap3A_100 = arith.constant 0 : index
    %swap3A_101 = tpu.vector_load %arg10[%swap3A_99, %swap3A_100] {strides = array<i32>} : memref<1x16xf32, #tpu.memory_space<vmem>>, vector<1x16xf32>,
    %swap3A_102 = vector.shape_cast %swap3A_101 : vector<1x16xf32> to vector<16xf32>
    %swap3A_103 = vector.shape_cast %scan3A_38 : vector<16xf32> to vector<1x16xf32>
    tpu.vector_store %arg10[%swap3A_99, %swap3A_100], %swap3A_103 {strides = array<i32>} : memref<1x16xf32, #tpu.memory_space<vmem>>, vector<1x16xf32>,
    "tpu.region"() ({
      %run_scoped3A = tpu.sem_alloc : memref<!tpu.dma_semaphore, #tpu.memory_space<semaphore_mem>>
      %dma_start3A_104 = arith.constant 0 : i32
      %dma_start3A_105 = tpu.memref_slice %arg7[%add3A, %dma_start3A_104] : memref<32x16xf32, #tpu.memory_space<hbm>> -> memref<1x16xf32, #tpu.memory_space<hbm>>
      %dma_start3A_106 = arith.constant 0 : i32
      %dma_start3A_107 = tpu.memref_slice %arg7[%add3A, %dma_start3A_106] : memref<32x16xf32, #tpu.memory_space<hbm>> -> memref<1x16xf32, #tpu.memory_space<hbm>>
      tpu.enqueue_dma source(%arg10 : memref<1x16xf32, #tpu.memory_space<vmem>>) target(%dma_start3A_107 : memref<1x16xf32, #tpu.memory_space<hbm>>) target_semaphore(%run_scoped3A : memref<!tpu.dma_semaphore, #tpu.memory_space<semaphore_mem>>)
      %dma_wait3A_108 = arith.constant 0 : i32
      %dma_wait3A_109 = tpu.memref_slice %arg7[%add3A, %dma_wait3A_108] : memref<32x16xf32, #tpu.memory_space<hbm>> -> memref<1x16xf32, #tpu.memory_space<hbm>>
      %dma_wait3A_110 = arith.constant 0 : i32
      %dma_wait3A_111 = tpu.memref_slice %arg7[%add3A, %dma_wait3A_110] : memref<32x16xf32, #tpu.memory_space<hbm>> -> memref<1x16xf32, #tpu.memory_space<hbm>>
      tpu.wait_dma2 semaphore(%run_scoped3A : memref<!tpu.dma_semaphore, #tpu.memory_space<semaphore_mem>>) src(%arg10 : memref<1x16xf32, #tpu.memory_space<vmem>>) dst(%dma_wait3A_111 : memref<1x16xf32, #tpu.memory_space<hbm>>)
      tpu.yield
    }) : () -> ()
    "tpu.region"() ({
      %run_scoped3A = tpu.sem_alloc : memref<!tpu.dma_semaphore, #tpu.memory_space<semaphore_mem>>
      %dma_start3A_104 = arith.constant 0 : i32
      %dma_start3A_105 = tpu.memref_slice %arg6[%mul3A_2, %dma_start3A_104] : memref<8192x16xf32, #tpu.memory_space<hbm>> -> memref<256x16xf32, #tpu.memory_space<hbm>>
      %dma_start3A_106 = arith.constant 0 : i32
      %dma_start3A_107 = tpu.memref_slice %arg6[%mul3A_2, %dma_start3A_106] : memref<8192x16xf32, #tpu.memory_space<hbm>> -> memref<256x16xf32, #tpu.memory_space<hbm>>
      tpu.enqueue_dma source(%arg11 : memref<256x16xf32, #tpu.memory_space<vmem>>) target(%dma_start3A_107 : memref<256x16xf32, #tpu.memory_space<hbm>>) target_semaphore(%run_scoped3A : memref<!tpu.dma_semaphore, #tpu.memory_space<semaphore_mem>>)
      %dma_wait3A_108 = arith.constant 0 : i32
      %dma_wait3A_109 = tpu.memref_slice %arg6[%mul3A_2, %dma_wait3A_108] : memref<8192x16xf32, #tpu.memory_space<hbm>> -> memref<256x16xf32, #tpu.memory_space<hbm>>
      %dma_wait3A_110 = arith.constant 0 : i32
      %dma_wait3A_111 = tpu.memref_slice %arg6[%mul3A_2, %dma_wait3A_110] : memref<8192x16xf32, #tpu.memory_space<hbm>> -> memref<256x16xf32, #tpu.memory_space<hbm>>
      tpu.wait_dma2 semaphore(%run_scoped3A : memref<!tpu.dma_semaphore, #tpu.memory_space<semaphore_mem>>) src(%arg11 : memref<256x16xf32, #tpu.memory_space<vmem>>) dst(%dma_wait3A_111 : memref<256x16xf32, #tpu.memory_space<hbm>>)
      tpu.yield
    }) : () -> ()
    return
  }
}

module attributes {stable_mosaic.version = 14 : i64} {
  func.func @_finalize_body(%arg0: memref<8192x16xf32, #tpu.memory_space<vmem>>, %arg1: memref<32x16xf32, #tpu.memory_space<vmem>>, %arg2: memref<1x1xf32, #tpu.memory_space<smem>>) attributes {dimension_semantics = [], scalar_prefetch = 0 : i64, scratch_operands = 0 : i64, tpu.core_type = #tpu.core_type<tc>} {
    %get3A = arith.constant 0 : index
    %get3A_0 = arith.constant 0 : index
    %get3A_1 = vector.load %arg0[%get3A, %get3A_0] : memref<8192x16xf32, #tpu.memory_space<vmem>>, vector<8192x16xf32>
    %reduce_sum3A = arith.constant dense<0.000000e+00> : vector<8192xf32>
    %reduce_sum3A_2 = vector.multi_reduction <add>, %get3A_1, %reduce_sum3A [1] : vector<8192x16xf32> to vector<8192xf32>
    %broadcast_in_dim3A = vector.shape_cast %reduce_sum3A_2 : vector<8192xf32> to vector<8192x1xf32>
    %log3A = math.log %broadcast_in_dim3A : vector<8192x1xf32>
    %reduce_sum3A_3 = vector.shape_cast %log3A : vector<8192x1xf32> to vector<1x8192x1xf32>
    %reduce_sum3A_4 = arith.constant dense<0.000000e+00> : vector<1xf32>
    %reduce_sum3A_5 = vector.multi_reduction <add>, %reduce_sum3A_3, %reduce_sum3A_4 [1, 2] : vector<1x8192x1xf32> to vector<1xf32>
    %reduce_sum3A_6 = vector.shape_cast %reduce_sum3A_5 : vector<1xf32> to vector<1x1x1xf32>
    %reduce_sum3A_7 = vector.extract %reduce_sum3A_6[0, 0, 0] : f32 from vector<1x1x1xf32>
    %get3A_8 = arith.constant 0 : index
    %get3A_9 = arith.constant 0 : index
    %get3A_10 = vector.load %arg1[%get3A_8, %get3A_9] : memref<32x16xf32, #tpu.memory_space<vmem>>, vector<32x16xf32>
    %reduce_sum3A_11 = vector.shape_cast %get3A_10 : vector<32x16xf32> to vector<1x32x16xf32>
    %reduce_sum3A_12 = arith.constant dense<0.000000e+00> : vector<1xf32>
    %reduce_sum3A_13 = vector.multi_reduction <add>, %reduce_sum3A_11, %reduce_sum3A_12 [1, 2] : vector<1x32x16xf32> to vector<1xf32>
    %reduce_sum3A_14 = vector.shape_cast %reduce_sum3A_13 : vector<1xf32> to vector<1x1x1xf32>
    %reduce_sum3A_15 = vector.extract %reduce_sum3A_14[0, 0, 0] : f32 from vector<1x1x1xf32>
    %sub3A = arith.subf %reduce_sum3A_7, %reduce_sum3A_15 : f32
    %div3A = arith.constant 8.192000e+03 : f32
    %div3A_16 = arith.divf %sub3A, %div3A : f32
    %swap3A = arith.constant 0 : index
    %swap3A_17 = arith.constant 0 : index
    %swap3A_18 = memref.load %arg2[%swap3A, %swap3A_17] : memref<1x1xf32, #tpu.memory_space<smem>>
    memref.store %div3A_16, %arg2[%swap3A, %swap3A_17] : memref<1x1xf32, #tpu.memory_space<smem>>
    return
  }
}

</mosaic_0001>

<sc_bundles>
// kernel: kernel.4.cloned.1.call-start
scs
__scs_entry_jumppad:
0x0: {  	(pc) =	sbr.rel $0x88, $3  }
0x1: {  	(tag) =	ssettag $0x0;
	lr =	simm.s32 $0x1  }
0x2: {  	[smem:$0x3F9E] =	sst lr;
	_ =	strace $0xD0000000  }
0x3: {  	_ = 	snop  }
0x4: {  	_ = 	snop  }
0x5: {  	_ = 	snop  }
0x6: {  	_ = 	snop  }
0x7: {  	_ = 	snop  }
__scs_overlays_trampoline_lowered:
0x8: {  	[smem:$0x3FAD] =	sst s0  }
0x9: {  	[smem:$0x3FAE] =	sst s1  }
0xa: {  	[smem:$0x3FAF] =	sst s2  }
0xb: {  	[smem:$0x3FB0] =	sst s3  }
0xc: {  	[smem:$0x3FB1] =	sst s4  }
0xd: {  	[smem:$0x3FB2] =	sst s5  }
0xe: {  	[smem:$0x3FB3] =	sst s6  }
0xf: {  	[smem:$0x3FB4] =	sst s7  }
0x10: {  	[smem:$0x3FB5] =	sst s8  }
0x11: {  	[smem:$0x3FB6] =	sst s9;
	s0 =	simm.s32 @!p0 $0x0  }
0x12: {  	s1 =	sld [smem:$0x3F9C];
	s0 =	simm.s32 @p0 $0x1  }
0x13: {  	[smem:$0x3FB7] =	sst s0;
	s0 =	simm.s32 @!p1 $0x0  }
0x14: {  	s2 =	sld [smem:$0x3F9B];
	s0 =	simm.s32 @p1 $0x1  }
0x15: {  	[smem:$0x3FB8] =	sst s0;
	s0 =	simm.s32 @!p2 $0x0  }
0x16: {  	s3 =	sld [smem:$0x3FDB];
	s0 =	simm.s32 @p2 $0x1  }
0x17: {  	s4 =	simm.s32 $0x1BF5;
	[smem:$0x3FBA] =	sst s0  }
0x18: {  	s0 =	sld [smem:$0x3F9D];
	_ =	swait.ge [sflag:s4], $0x0  }
0x19: {  	s7 =	sld [smem:$0x3F9E]  }
0x1a: {  	s8 =	sadd.s32 $0xFFFFE003, lr  }
0x1b: {  	s9 =	sadd.s32 $0xFFFFFEF7, lr;
	s5 =	simm.s32 $0xFFFFFFFF;
	p2 =	slt.u32 s8, $0xFFFFF086  }
0x1c: {  	p1 =	slt.u32 s9, $0xF7A;
	s5 =	simm.s32 @!p2 $0x0  }
0x1d: {  	s5 =	simm.s32 @p1 $0x1;
	p0 =	seq.s32 s7, s2  }
0x1e: {  	s7 =	smul.u32 @!p0 $0xF7A, s2;
	p2 =	seq.s32 @!p0 s5, $0x0  }
0x1f: {  	s9 =	smul.u32 $0xF7A, s1;
	s8 =	simm.s32 @!p0 $0x1BF5;
	p2 =	por !p2, p0  }
0x20: {  	[sflag:s8] =	ssyncset.s32 @!p0 $0xFFFFF086;
	s6 =	sadd.s32 @!p0 s3, s7;
	s7 =	simm.s32 @!p0 $0x108  }
0x21: {  	s3 =	sadd.s32 s3, s9;
	s6 =	sadd.s32 @!p0 $0x88, s6;
	s7 =	simm.s32 @p2 $0x1082  }
0x22: {  	[simem:s7], [sflag:s8] =	dma.local @!p0 [hbm:s6], $0xF7A  }
0x23: {  	s9 =	sor.u32 $0xD0000000, s2;
	s6 =	simm.s32 $0x108;
	_ =	swait.ge @!p0 [sflag:s8], $0x0  }
0x24: {  	s3 =	sadd.s32 $0x88, s3;
	s6 =	simm.s32 @!p1 $0x1082;
	[sflag:s4] =	ssyncset.s32 $0xFFFFF086  }
0x25: {  	[simem:s6], [sflag:s4] =	dma.local [hbm:s3], $0xF7A  }
0x26: {  	[smem:$0x3F9E] =	sst s1;
	(tag) =	ssettag s2;
	_ =	strace s9  }
0x27: {  	s1 =	sld [smem:$0x3FAE]  }
0x28: {  	s2 =	sld [smem:$0x3FAF]  }
0x29: {  	s4 =	sld [smem:$0x3FB1]  }
0x2a: {  	p0 =	seq.s32 s5, $0x0;
	s5 =	sld [smem:$0x3FB2]  }
0x2b: {  	s6 =	sld [smem:$0x3FB3]  }
0x2c: {  	s7 =	sld [smem:$0x3FB4]  }
0x2d: {  	s3 =	simm.s32 $0x108;
	s8 =	sld [smem:$0x3FB5]  }
0x2e: {  	s3 =	simm.s32 @!p0 $0x1082;
	s9 =	sld [smem:$0x3FB6]  }
0x2f: {  	lr =	sadd.s32 s0, s3;
	s0 =	sld [smem:$0x3FAD]  }
0x30: {  	s3 =	sld [smem:$0x3FB0]  }
0x31: {  	[smem:$0x3FB9] =	sst s10  }
0x32: {  	s10 =	sld [smem:$0x3FB7];
	_ =	sdelay $0x3  }
0x33: {  	p0 =	seq.s32 s10, $0x1;
	s10 =	sld [smem:$0x3FB9];
	_ =	sdelay $0x3  }
0x34: {  	[smem:$0x3FB9] =	sst s10  }
0x35: {  	s10 =	sld [smem:$0x3FB8];
	_ =	sdelay $0x3  }
0x36: {  	p1 =	seq.s32 s10, $0x1;
	s10 =	sld [smem:$0x3FB9];
	_ =	sdelay $0x3  }
0x37: {  	[smem:$0x3FB9] =	sst s10  }
0x38: {  	s10 =	sld [smem:$0x3FBA]  }
0x39: {  	_ = 	snop;
	(pc) =	sbr.ind lr, $3  }
0x3a: {  	_ = 	snop  }
0x3b: {  	_ = 	snop  }
0x3c: {  	p2 =	seq.s32 s10, $0x1;
	s10 =	sld [smem:$0x3FB9]  }
0x3d: {  	_ =	shalt  }
0x3e: {  	_ =	shalt  }
0x3f: {  	_ =	shalt  }
0x40: {  	_ =	shalt  }
0x41: {  	_ =	shalt  }
0x42: {  	_ =	shalt  }
0x43: {  	_ =	shalt  }
0x44: {  	_ =	shalt  }
0x45: {  	_ =	shalt  }
0x46: {  	_ =	shalt  }
0x47: {  	_ =	shalt  }
0x48: {  	_ =	shalt  }
0x49: {  	_ =	shalt  }
0x4a: {  	_ =	shalt  }
0x4b: {  	_ =	shalt  }
0x4c: {  	_ =	shalt  }
0x4d: {  	_ =	shalt  }
0x4e: {  	_ =	shalt  }
0x4f: {  	_ =	shalt  }
0x50: {  	_ =	shalt  }
0x51: {  	_ =	shalt  }
0x52: {  	_ =	shalt  }
0x53: {  	_ =	shalt  }
0x54: {  	_ =	shalt  }
0x55: {  	_ =	shalt  }
0x56: {  	_ =	shalt  }
0x57: {  	_ =	shalt  }
0x58: {  	_ =	shalt  }
0x59: {  	_ =	shalt  }
0x5a: {  	_ =	shalt  }
0x5b: {  	_ =	shalt  }
0x5c: {  	_ =	shalt  }
0x5d: {  	_ =	shalt  }
0x5e: {  	_ =	shalt  }
0x5f: {  	_ =	shalt  }
0x60: {  	_ =	shalt  }
0x61: {  	_ =	shalt  }
0x62: {  	_ =	shalt  }
0x63: {  	_ =	shalt  }
0x64: {  	_ =	shalt  }
0x65: {  	_ =	shalt  }
0x66: {  	_ =	shalt  }
0x67: {  	_ =	shalt  }
0x68: {  	_ =	shalt  }
0x69: {  	_ =	shalt  }
0x6a: {  	_ =	shalt  }
0x6b: {  	_ =	shalt  }
0x6c: {  	_ =	shalt  }
0x6d: {  	_ =	shalt  }
0x6e: {  	_ =	shalt  }
0x6f: {  	_ =	shalt  }
0x70: {  	_ =	shalt  }
0x71: {  	_ =	shalt  }
0x72: {  	_ =	shalt  }
0x73: {  	_ =	shalt  }
0x74: {  	_ =	shalt  }
0x75: {  	_ =	shalt  }
0x76: {  	_ =	shalt  }
0x77: {  	_ =	shalt  }
0x78: {  	_ =	shalt  }
0x79: {  	_ =	shalt  }
0x7a: {  	_ =	shalt  }
0x7b: {  	_ =	shalt  }
0x7c: {  	_ =	shalt  }
0x7d: {  	_ =	shalt  }
0x7e: {  	_ =	shalt  }
0x7f: {  	_ =	shalt  }
0x80: {  	_ =	shalt  }
0x81: {  	_ =	shalt  }
0x82: {  	_ =	shalt  }
0x83: {  	_ =	shalt  }
0x84: {  	_ =	shalt  }
0x85: {  	_ =	shalt  }
0x86: {  	_ =	shalt  }
0x87: {  	_ =	shalt  }
.Lfunc_end0:
.L_simem_size_0:
called_computation_lowered:
.L_overlay_start_0:
0x88: {  	s2 =	sld [smem:$0x3FD9]  }
0x89: {  	s3 =	sld [smem:$0x3FFE];
	_ =	sdelay $0x1  }
0x8a: {  	s1 =	srdreg.scid  }
0x8b: {  	s0 =	sand.u32 $0x1, s1  }
0x8c: {  	s14 =	sshll.u32 s0, $0xA;
	s2 =	sadd.s32 s3, s2  }
0x8d: {  	s2 =	sadd.s32 s2, s14  }
0x8e: {  	[smem:$0x3FC5] =	sst s2  }
0x8f: {  	_ = 	snop  }
0x90: {  	s2 =	sld [smem:$0x3FD0];
	_ =	sdelay $0x2  }
0x91: {  	s4 =	simm.s32 $0xA;
	s5 =	simm.s32 $0x10;
	s15 =	sld [smem:$0x3FC9]  }
0x92: {  	[smem:s5], [sflag:s4] =	dma.local [hbm:s2], $0x1  }
0x93: {  	_ =	swait.eq [sflag:s4], $0x1  }
0x94: {  	[sflag:s4] =	ssyncset.done $0x0  }
0x95: {  	[sflag:s4] =	ssyncadd.s32 $0xFFFFFFFF  }
0x96: {  	s16 =	sld [smem:$0x10];
	(tm) =	ssettm $0x1  }
0x97: {  	s17 =	sld [smem:$0x3FFB];
	_ =	sdelay $0x3  }
0x98: {  	_ =	strace s17  }
0x99: {  	s4 =	sld [smem:$0x3FFC];
	_ =	sdelay $0x3  }
0x9a: {  	_ =	strace s4  }
0x9b: {  	s4 =	sld [smem:$0x3FFD];
	_ =	sdelay $0x3  }
0x9c: {  	_ =	strace s4  }
0x9d: {  	_ =	strace $0x8FFFFFFF  }
0x9e: {  	s18 =	sld [smem:$0x3FDB];
	_ =	sdelay $0x1  }
0x9f: {  	s19 =	simm.s32 $_scs_section_size  }
0xa0: {  	s6 =	simm.s32 $_size__tile_overlayer_lowered;
	s7 =	simm.s32 $_tile_overlayer_lowered  }
0xa1: {  	s22 =	simm.s32 $0x1BFF;
	s21 =	sshll.u32 s7, $0x1;
	s4 =	sadd.s32 s19, s18  }
0xa2: {  	s8 =	simm.s32 $0x0;
	s20 =	sshll.u32 s6, $0x1;
	s6 =	sadd.s32 s21, s4  }
0xa3: {  	[timem:s8], [sflag:s22] =	dma.local [hbm:s6], s20  }
0xa4: {  	_ =	swait.ge [sflag:s22], s20  }
0xa5: {  	s5 =	ssub.s32 $0x0, s20;
	[sflag:s22] =	ssyncset.done $0x0  }
0xa6: {  	[sflag:s22] =	ssyncadd.s32 s5;
	_ =	sdelay $0x1  }
0xa7: {  	s23 =	simm.s32 $0x1B8B  }
0xa8: {  	_ =	swait.ge [sflag:s23], $0x1  }
0xa9: {  	[sflag:s23] =	ssyncset.done $0x0  }
0xaa: {  	s25 =	simm.s32 $0x1B8E;
	s24 =	sld [smem:$0x3FFE];
	[sflag:s23] =	ssyncadd.s32 $0xFFFFFFFF  }
0xab: {  	s26 =	simm.s32 $execute0_lowered;
	[smem:$0x3FD2] =	sst s25  }
0xac: {  	s6 =	sshll.u32 s26, $0x1;
	_ =	strace $0x80000046;
	[dreg:$0x1] =	wrdreg $0xFFFFFFFF  }
0xad: {  	s28 =	simm.s32 $_size_execute0_lowered;
	s4 =	sadd.s32 s4, s6;
	[dreg:$0x0] =	wrdreg $0x0  }
0xae: {  	s6 =	sshll.u32 s28, $0x1;
	[dreg:$0x2] =	wrdreg s4  }
0xaf: {  	[dreg:$0x3] =	wrdreg s6  }
0xb0: {  	[dreg:$0x4] =	wrdreg $0xC0  }
0xb1: {  	_ =	task [dreg:s8], $0x5FFFF  }
0xb2: {  	[dreg:$0x1] =	wrdreg $0xFFFFFFFF  }
0xb3: {  	[dreg:$0x0] =	wrdreg $0x60  }
0xb4: {  	[dreg:$0x2] =	wrdreg s15  }
0xb5: {  	[dreg:$0x3] =	wrdreg s24  }
0xb6: {  	[dreg:$0x4] =	wrdreg s16  }
0xb7: {  	[dreg:$0x5] =	wrdreg $0x9  }
0xb8: {  	_ =	task.clear_ibuf [dreg:s8], $0x6FFFF;
	_ =	strace $0x90000046  }
0xb9: {  	s29 =	simm.s32 $0x9;
	_ =	strace $0x80000048  }
0xba: {  	_ =	swait.ge [sflag:s29], $0x1  }
0xbb: {  	[sflag:s29] =	ssyncadd.s32 $0xFFFFFFFF  }
0xbc: {  	_ =	strace $0x90000048  }
0xbd: {  	_ =	sfence  }
0xbe: {  	s30 =	sld [smem:$0x0];
	_ =	sdelay $0x2  }
0xbf: {  	s31 =	sshll.u32 s1, $0xD;
	s1 =	sshrl.u32 s1, $0x2  }
0xc0: {  	s3 =	sand.u32 $0x4000, s31;
	s1 =	sadd.s32 s1, s30  }
0xc1: {  	s0 =	sor.u32 s3, s0;
	s1 =	sshll.u32 s1, $0x11  }
0xc2: {  	s0 =	sor.u32 s1, s0  }
0xc3: {  	s0 =	sadd.s32 $0x8F2B, s0  }
0xc4: {  	[sflag:s0] =	ssyncadd.remote.s32 $0x1  }
0xc5: {  	_ =	sfence.sel $0xFFFF  }
0xc6: {  	[dreg:$0x0] =	wrdreg $0xFFFFFFFF;
	(pc) =	sbr.abs _section_cstart, $3  }
0xc7: {  	[dreg:$0x1] =	wrdreg $0xFFFFFFFF  }
0xc8: {  	_ =	task.clear_ibuf [dreg:s8], $0x2FFFF;
	_ =	strace $0x9FFFFFFF  }
0xc9: {  	(tm) =	ssettm $0x7FFFFFFF  }
tec
execute0_lowered:
.L_overlay_start_1:
0x0: {  	(tag) =	ssettag $0x1  }
0x1: {  	s1 =	rddreg [dreg:$0x0]  }
0x2: {  	s0 =	rddreg [dreg:$0x1];
	s2 =	srdreg.scid  }
0x3: {  	s3 =	stileid.u32;
	s15 =	rddreg [dreg:$0x2];
	s4 =	simm.s32 $0x0  }
0x4: {  	s31 =	simm.s32 $0x10600;
	s28 =	simm.s32 $0x3;
	s29 =	simm.s32 $0x4  }
0x5: {  	s30 =	simm.s32 $0x7;
	s2 =	sand.u32 $0x1, s2;
	s3 =	sshll.u32 s3, $0x1  }
0x6: {  	[smem:$0x7FF] =	sst s4;
	s9 =	sadd.s32 $0x800, s1;
	s10 =	sadd.s32 $0xC00, s1  }
0x7: {  	s11 =	sadd.s32 $0x1000, s1;
	s12 =	sadd.s32 $0x1400, s1;
	s13 =	sadd.s32 $0x1800, s1  }
0x8: {  	s14 =	sadd.s32 $0x1C00, s1;
	s23 =	sadd.s32 $0x20, s15;
	s24 =	sadd.s32 $0x40, s15  }
0x9: {  	s17 =	sadd.s32 $0x60, s15;
	_ =	strace $0x80000047;
	[dreg:$0x6] =	wrdreg s23  }
0xa: {  	s3 =	sor.u32 s2, s3;
	s2 =	ssub.s32 $0x2, s2;
	[dreg:$0x7] =	wrdreg s24  }
0xb: {  	s5 =	sshll.u32 s3, $0x7;
	s6 =	sshll.u32 s3, $0x5;
	s19 =	sshll.u32 s3, $0xC  }
0xc: {  	s8 =	sshll.u32 s3, $0x4;
	s20 =	sshrl.u32 s2, $0x1;
	s7 =	sadd.s32 s5, s0  }
0xd: {  	s6 =	sadd.s32 s6, s0;
	s18 =	sadd.s32 s19, s0;
	s0 =	sadd.s32 s8, s0  }
0xe: {  	s2 =	ssub.s32 s2, s20;
	s5 =	sshll.u32 s3, $0x8;
	s8 =	sadd.s32 $0x400, s1  }
0xf: {  	s3 =	simm.s32 $0x0;
	s21 =	sadd.s32 $0x1000, s7;
	s22 =	sadd.s32 $0xC00, s6  }
.Ltmp0:
0x10: {  	s0 =	sadd.s32 $0x22000, s0;
	[dreg:$0x4] =	wrdreg s21;
	(pc) =	sbr.rel .LBB2_1-.Ltmp0, $4  }
0x11: {  	s25 =	sadd.s32 $0x2000, s18;
	s26 =	smax.u32 s2, $0x1;
	[dreg:$0x5] =	wrdreg s22  }
0x12: {  	v0 =	vlaneseq.u32;
	s2 =	simm.s32 $0x9;
	s6 =	simm.s32 $0x1;
	[dreg:$0x8] =	wrdreg s0  }
0x13: {  	v2 =	vshrl.u32 v0, $0x1;
	s7 =	simm.s32 $0x100;
	s18 =	simm.s32 $0x14600;
	[dreg:$0x9] =	wrdreg s25  }
0x14: {  	vm0 =	vmmov $0xffff;
	v1 =	vand.u32 $0x1, v0;
	v2 =	vmul.u32 $0x8, v2;
	[dreg:$0xa] =	wrdreg s26;
	s22 =	simm.s32 $0x400;
	s26 =	simm.s32 $0x2  }
.LBB2_20:
0x15: {  	s0 =	simm.s32 $0x5  }
0x16: {  	_ =	swait.ge [sflag:s0], $0x4000  }
0x17: {  	[sflag:s0] =	ssyncset.done $0x0  }
0x18: {  	s19 =	simm.s32 $0x6;
	[sflag:s0] =	ssyncadd.s32 $0xFFFFC000  }
0x19: {  	_ =	swait.ge [sflag:s19], $0x4000  }
0x1a: {  	[sflag:s19] =	ssyncset.done $0x0  }
0x1b: {  	[sflag:s19] =	ssyncadd.s32 $0xFFFFC000  }
0x1c: {  	_ =	swait.ge [sflag:s30], $0x4000  }
0x1d: {  	[sflag:s30] =	ssyncset.done $0x0  }
0x1e: {  	s20 =	simm.s32 $0x8;
	[sflag:s30] =	ssyncadd.s32 $0xFFFFC000  }
0x1f: {  	_ =	swait.ge [sflag:s20], $0x4000  }
0x20: {  	[sflag:s20] =	ssyncset.done $0x0  }
0x21: {  	[sflag:s20] =	ssyncadd.s32 $0xFFFFC000  }
0x22: {  	s2 =	simm.s32 $0x580;
	s21 =	rddreg [dreg:$0x8];
	[tilespmem:$0x580] =	vst v3  }
0x23: {  	[hbm4b:s21+s4] =	stream.linear.scatter [tilespmem:s2], [sflag:$0x9], $0x80, $0x38;
	[tilespmem:$0x18600] =	vst v63  }
0x24: {  	s2 =	simm.s32 $0x9  }
0x25: {  	_ =	swait.ge [sflag:s2], $0x80  }
0x26: {  	[sflag:s2] =	ssyncset.done $0x0  }
0x27: {  	s3 =	simm.s32 $0x600;
	s23 =	rddreg [dreg:$0x9];
	[sflag:s2] =	ssyncadd.s32 $0xFFFFFF80  }
0x28: {  	[hbm4b:s23+s4] =	stream.linear.scatter [tilespmem:s3], [sflag:$0x9], $0x8000, $0x38;
	[tilespmem:$0x18600] =	vst v63  }
0x29: {  	_ =	swait.ge [sflag:s2], $0x8000  }
0x2a: {  	s24 =	rddreg [dreg:$0xb]  }
0x2b: {  	s25 =	rddreg [dreg:$0xa];
	s3 =	sadd.s32 $0x1, s24  }
0x2c: {  	p0 =	sne.s32 s3, s25  }
.Ltmp1:
0x2d: {  	_ = 	snop;
	(pc) =	sbr.rel @!p0 .LBB2_21-.Ltmp1, $3  }
0x2e: {  	_ =	sdelay $0x1  }
0x2f: {  	[sflag:s2] =	ssyncset.done $0x0  }
0x30: {  	[sflag:s2] =	ssyncadd.s32 $0xFFFF8000  }
.LBB2_1:
0x31: {  	[dreg:$0xb] =	wrdreg s3  }
0x32: {  	s0 =	rddreg [dreg:$0x4]  }
0x33: {  	[tilespmem:s4], [sflag:$0x9] =	stream.linear.gather [hbm4b:s0+s4], $0x400, $0x38;
	[tilespmem:$0x18600] =	vst v63  }
0x34: {  	_ =	swait.ge [sflag:s2], $0x400  }
0x35: {  	[sflag:s2] =	ssyncset.done $0x0  }
0x36: {  	s21 =	rddreg [dreg:$0x5];
	[sflag:s2] =	ssyncadd.s32 $0xFFFFFC00  }
0x37: {  	[tilespmem:s22], [sflag:$0x9] =	stream.linear.gather [hbm4b:s21+s4], $0x100, $0x38;
	[tilespmem:$0x18600] =	vst v63  }
0x38: {  	_ =	swait.ge [sflag:s2], $0x100  }
0x39: {  	[sflag:s2] =	ssyncset.done $0x0  }
0x3a: {  	[sflag:s2] =	ssyncadd.s32 $0xFFFFFF00  }
0x3b: {  	v3 =	vld.msk [tilespmem:$0x0], $0x3;
	_ =	sdelay $0x4  }
0x3c: {  	v4 =	vshll.u32 v3, $0x6  }
0x3d: {  	v3 =	vand.u32 $0x7, v3;
	v4 =	vand.u32 $0xFFFFFE00, v4  }
0x3e: {  	v3 =	vor.u32 v3, v4  }
0x3f: {  	v3 =	vperm.xlane v3, v1;
	_ =	sdelay $0x1  }
0x40: {  	v3 =	vadd.s32 v2, v3;
	_ =	sdelay $0x3  }
0x41: {  	s23 =	simm.s32 $0x8600  }
0x42: {  	[tilespmem:s23], [sflag:$0x1] =	stream.indirect_vreg.gather [hbm4b:s1+s4], $0x80, v3, vm0, $0xb8;
	[tilespmem:$0x18600] =	vst v63  }
0x43: {  	s24 =	simm.s32 $0x8E00  }
0x44: {  	[tilespmem:s24], [sflag:$0x1] =	stream.indirect_vreg.gather [hbm4b:s8+s4], $0x80, v3, vm0, $0xb8;
	[tilespmem:$0x18600] =	vst v63  }
0x45: {  	s25 =	simm.s32 $0x9600  }
0x46: {  	[tilespmem:s25], [sflag:$0x1] =	stream.indirect_vreg.gather [hbm4b:s9+s4], $0x80, v3, vm0, $0xb8;
	[tilespmem:$0x18600] =	vst v63  }
0x47: {  	s2 =	simm.s32 $0x9E00  }
0x48: {  	[tilespmem:s2], [sflag:$0x1] =	stream.indirect_vreg.gather [hbm4b:s10+s4], $0x80, v3, vm0, $0xb8;
	[tilespmem:$0x18600] =	vst v63  }
0x49: {  	s3 =	simm.s32 $0xA600  }
0x4a: {  	[tilespmem:s3], [sflag:$0x1] =	stream.indirect_vreg.gather [hbm4b:s11+s4], $0x80, v3, vm0, $0xb8;
	[tilespmem:$0x18600] =	vst v63  }
0x4b: {  	s15 =	simm.s32 $0xAE00  }
0x4c: {  	[tilespmem:s15], [sflag:$0x1] =	stream.indirect_vreg.gather [hbm4b:s12+s4], $0x80, v3, vm0, $0xb8;
	[tilespmem:$0x18600] =	vst v63  }
0x4d: {  	s16 =	simm.s32 $0xB600  }
0x4e: {  	[tilespmem:s16], [sflag:$0x1] =	stream.indirect_vreg.gather [hbm4b:s13+s4], $0x80, v3, vm0, $0xb8;
	[tilespmem:$0x18600] =	vst v63  }
0x4f: {  	s19 =	simm.s32 $0xBE00  }
0x50: {  	[tilespmem:s19], [sflag:$0x1] =	stream.indirect_vreg.gather [hbm4b:s14+s4], $0x80, v3, vm0, $0xb8;
	[tilespmem:$0x18600] =	vst v63  }
0x51: {  	v3 =	vld.msk [tilespmem:$0x8], $0x3;
	_ =	sdelay $0x4  }
0x52: {  	v4 =	vshll.u32 v3, $0x6  }
0x53: {  	v3 =	vand.u32 $0x7, v3;
	v4 =	vand.u32 $0xFFFFFE00, v4  }
0x54: {  	v3 =	vor.u32 v3, v4  }
0x55: {  	v3 =	vperm.xlane v3, v1;
	_ =	sdelay $0x1  }
0x56: {  	v3 =	vadd.s32 v2, v3;
	_ =	sdelay $0x3  }
0x57: {  	s20 =	simm.s32 $0xC600  }
0x58: {  	[tilespmem:s20], [sflag:$0x2] =	stream.indirect_vreg.gather [hbm4b:s1+s4], $0x80, v3, vm0, $0xb8;
	[tilespmem:$0x18600] =	vst v63  }
0x59: {  	s21 =	simm.s32 $0xCE00  }
0x5a: {  	[tilespmem:s21], [sflag:$0x2] =	stream.indirect_vreg.gather [hbm4b:s8+s4], $0x80, v3, vm0, $0xb8;
	[tilespmem:$0x18600] =	vst v63  }
0x5b: {  	s23 =	simm.s32 $0xD600  }
0x5c: {  	[tilespmem:s23], [sflag:$0x2] =	stream.indirect_vreg.gather [hbm4b:s9+s4], $0x80, v3, vm0, $0xb8;
	[tilespmem:$0x18600] =	vst v63  }
0x5d: {  	s24 =	simm.s32 $0xDE00  }
0x5e: {  	[tilespmem:s24], [sflag:$0x2] =	stream.indirect_vreg.gather [hbm4b:s10+s4], $0x80, v3, vm0, $0xb8;
	[tilespmem:$0x18600] =	vst v63  }
0x5f: {  	s25 =	simm.s32 $0xE600  }
0x60: {  	[tilespmem:s25], [sflag:$0x2] =	stream.indirect_vreg.gather [hbm4b:s11+s4], $0x80, v3, vm0, $0xb8;
	[tilespmem:$0x18600] =	vst v63  }
0x61: {  	s2 =	simm.s32 $0xEE00  }
0x62: {  	[tilespmem:s2], [sflag:$0x2] =	stream.indirect_vreg.gather [hbm4b:s12+s4], $0x80, v3, vm0, $0xb8;
	[tilespmem:$0x18600] =	vst v63  }
0x63: {  	s3 =	simm.s32 $0xF600  }
0x64: {  	[tilespmem:s3], [sflag:$0x2] =	stream.indirect_vreg.gather [hbm4b:s13+s4], $0x80, v3, vm0, $0xb8;
	[tilespmem:$0x18600] =	vst v63  }
0x65: {  	s15 =	simm.s32 $0xFE00  }
0x66: {  	[tilespmem:s15], [sflag:$0x2] =	stream.indirect_vreg.gather [hbm4b:s14+s4], $0x80, v3, vm0, $0xb8;
	[tilespmem:$0x18600] =	vst v63  }
0x67: {  	v3 =	vld.msk [tilespmem:$0x10], $0x3;
	_ =	sdelay $0x4  }
0x68: {  	v4 =	vshll.u32 v3, $0x6  }
0x69: {  	v3 =	vand.u32 $0x7, v3;
	v4 =	vand.u32 $0xFFFFFE00, v4  }
0x6a: {  	v3 =	vor.u32 v3, v4  }
0x6b: {  	v3 =	vperm.xlane v3, v1;
	_ =	sdelay $0x1  }
0x6c: {  	v3 =	vadd.s32 v2, v3;
	_ =	sdelay $0x4  }
0x6d: {  	[tilespmem:s31], [sflag:$0x3] =	stream.indirect_vreg.gather [hbm4b:s1+s4], $0x80, v3, vm0, $0xb8;
	[tilespmem:$0x18600] =	vst v63  }
0x6e: {  	s16 =	simm.s32 $0x10E00  }
0x6f: {  	[tilespmem:s16], [sflag:$0x3] =	stream.indirect_vreg.gather [hbm4b:s8+s4], $0x80, v3, vm0, $0xb8;
	[tilespmem:$0x18600] =	vst v63  }
0x70: {  	s19 =	simm.s32 $0x11600  }
0x71: {  	[tilespmem:s19], [sflag:$0x3] =	stream.indirect_vreg.gather [hbm4b:s9+s4], $0x80, v3, vm0, $0xb8;
	[tilespmem:$0x18600] =	vst v63  }
0x72: {  	s20 =	simm.s32 $0x11E00  }
0x73: {  	[tilespmem:s20], [sflag:$0x3] =	stream.indirect_vreg.gather [hbm4b:s10+s4], $0x80, v3, vm0, $0xb8;
	[tilespmem:$0x18600] =	vst v63  }
0x74: {  	s21 =	simm.s32 $0x12600  }
0x75: {  	[tilespmem:s21], [sflag:$0x3] =	stream.indirect_vreg.gather [hbm4b:s11+s4], $0x80, v3, vm0, $0xb8;
	[tilespmem:$0x18600] =	vst v63  }
0x76: {  	s23 =	simm.s32 $0x12E00  }
0x77: {  	[tilespmem:s23], [sflag:$0x3] =	stream.indirect_vreg.gather [hbm4b:s12+s4], $0x80, v3, vm0, $0xb8;
	[tilespmem:$0x18600] =	vst v63  }
0x78: {  	s24 =	simm.s32 $0x13600  }
0x79: {  	[tilespmem:s24], [sflag:$0x3] =	stream.indirect_vreg.gather [hbm4b:s13+s4], $0x80, v3, vm0, $0xb8;
	[tilespmem:$0x18600] =	vst v63  }
0x7a: {  	s25 =	simm.s32 $0x13E00;
	s19 =	simm.s32 $0x0  }
0x7b: {  	[tilespmem:s25], [sflag:$0x3] =	stream.indirect_vreg.gather [hbm4b:s14+s4], $0x80, v3, vm0, $0xb8;
	v3 =	vimm.f32 $0.0e+00;
	[tilespmem:$0x18600] =	vst v63  }
.LBB2_2:
0x7c: {  	_ =	swait.ge [sflag:s6], $0x4000  }
0x7d: {  	s3 =	sshll.u32 s19, $0x3;
	[sflag:s6] =	ssyncset.done $0x0  }
0x7e: {  	s0 =	sadd.s32 s5, s3;
	[sflag:s6] =	ssyncadd.s32 $0xFFFFC000  }
0x7f: {  	s0 =	sshll.u32 s0, $0xA;
	s2 =	rddreg [dreg:$0x2]  }
0x80: {  	s24 =	simm.s32 $0x8600;
	s25 =	simm.s32 $0x0;
	s0 =	sadd.s32 s2, s0  }
0x81: {  	[hbm4b:s0+s7] =	stream.strided.scatter [tilespmem:s24], [sflag:$0x5], $0x4000, s22, s7, $0x38;
	[tilespmem:$0x18600] =	vst v63  }
0x82: {  	v4 =	vld [tilespmem:s25+$0x8600];
	_ =	sdelay $0x1  }
0x83: {  	v5 =	vld [tilespmem:s25+$0x8610];
	_ =	sdelay $0x1  }
0x84: {  	v6 =	vld [tilespmem:s25+$0x8620]  }
0x85: {  	v4 =	vmul.f32 $1.442695020e+00, v4  }
0x86: {  	v7 =	vld [tilespmem:s25+$0x8630]  }
0x87: {  	v5 =	vmul.f32 $1.442695020e+00, v5;
	(erf) = vpow2.f32 v4  }
0x88: {  	v8 =	vld [tilespmem:s25+$0x8640]  }
0x89: {  	v4 =	vmul.f32 $1.442695020e+00, v6;
	(erf) = vpow2.f32 v5  }
0x8a: {  	v9 =	vld [tilespmem:s25+$0x8650]  }
0x8b: {  	v6 =	vmul.f32 $1.442695020e+00, v7;
	(erf) = vpow2.f32 v4  }
0x8c: {  	v5 =	vld [tilespmem:s25+$0x8660]  }
0x8d: {  	v7 =	vmul.f32 $1.442695020e+00, v8;
	(erf) = vpow2.f32 v6  }
0x8e: {  	v4 =	vld [tilespmem:s25+$0x8670]  }
0x8f: {  	s20 =	simm.s32 $0x800;
	s0 =	simm.s32 $0x100;
	v6 =	vmul.f32 $1.442695020e+00, v9;
	(erf) = vpow2.f32 v7;
	v7 =	vimm.f32 $0.0e+00  }
.LBB2_3:
0x90: {  	p0 =	sne.s32 s20, $0xFC00;
	v8 =	vld [tilespmem:s0+$0x8600];
	v9 =	vpop (erf)  }
0x91: {  	v7 =	vadd.f32 v9, v7;
	v5 =	vmul.f32 $1.442695020e+00, v5;
	(erf) = vpow2.f32 v6  }
0x92: {  	v6 =	vld [tilespmem:s0+$0x8610];
	v9 =	vpop (erf)  }
0x93: {  	v7 =	vadd.f32 v9, v7;
	v4 =	vmul.f32 $1.442695020e+00, v4;
	(erf) = vpow2.f32 v5  }
0x94: {  	v5 =	vld [tilespmem:s0+$0x8620];
	v9 =	vpop (erf)  }
0x95: {  	v8 =	vmul.f32 $1.442695020e+00, v8;
	v7 =	vadd.f32 v9, v7;
	(erf) = vpow2.f32 v4  }
0x96: {  	v4 =	vld [tilespmem:s0+$0x8630];
	v9 =	vpop (erf)  }
0x97: {  	v6 =	vmul.f32 $1.442695020e+00, v6;
	(erf) = vpow2.f32 v8;
	v7 =	vadd.f32 v9, v7  }
0x98: {  	v8 =	vld [tilespmem:s0+$0x8640];
	v9 =	vpop (erf)  }
0x99: {  	v5 =	vmul.f32 $1.442695020e+00, v5;
	(erf) = vpow2.f32 v6;
	v6 =	vadd.f32 v9, v7  }
0x9a: {  	v7 =	vld [tilespmem:s0+$0x8650];
	v9 =	vpop (erf)  }
.Ltmp2:
0x9b: {  	v4 =	vmul.f32 $1.442695020e+00, v4;
	(erf) = vpow2.f32 v5;
	v6 =	vadd.f32 v9, v6;
	(pc) =	sbr.rel @p0 .LBB2_3-.Ltmp2, $4  }
0x9c: {  	v5 =	vld [tilespmem:s0+$0x8660];
	v9 =	vpop (erf)  }
0x9d: {  	v8 =	vmul.f32 $1.442695020e+00, v8;
	(erf) = vpow2.f32 v4;
	v9 =	vadd.f32 v9, v6  }
0x9e: {  	v4 =	vld [tilespmem:s0+$0x8670];
	v10 =	vpop (erf)  }
0x9f: {  	s0 =	sshra.s32 s20, $0x2;
	s20 =	sadd.s32 $0x400, s20;
	v6 =	vmul.f32 $1.442695020e+00, v7;
	(erf) = vpow2.f32 v8;
	v7 =	vadd.f32 v10, v9  }
0xa0: {  	v8 =	vld [tilespmem:s0+$0x8600];
	v9 =	vpop (erf)  }
0xa1: {  	v7 =	vadd.f32 v9, v7;
	v5 =	vmul.f32 $1.442695020e+00, v5;
	(erf) = vpow2.f32 v6  }
0xa2: {  	v6 =	vld [tilespmem:s0+$0x8610];
	v9 =	vpop (erf)  }
0xa3: {  	v7 =	vadd.f32 v9, v7;
	v4 =	vmul.f32 $1.442695020e+00, v4;
	(erf) = vpow2.f32 v5  }
0xa4: {  	v5 =	vld [tilespmem:s0+$0x8620];
	v9 =	vpop (erf)  }
0xa5: {  	v8 =	vmul.f32 $1.442695020e+00, v8;
	v7 =	vadd.f32 v9, v7;
	(erf) = vpow2.f32 v4  }
0xa6: {  	v4 =	vld [tilespmem:s0+$0x8630];
	v9 =	vpop (erf)  }
0xa7: {  	v6 =	vmul.f32 $1.442695020e+00, v6;
	(erf) = vpow2.f32 v8;
	v7 =	vadd.f32 v9, v7;
	v8 =	vld [tilespmem:s0+$0x8640]  }
0xa8: {  	v9 =	vpop (erf)  }
0xa9: {  	v5 =	vmul.f32 $1.442695020e+00, v5;
	(erf) = vpow2.f32 v6;
	v6 =	vadd.f32 v9, v7;
	v7 =	vld [tilespmem:s0+$0x8650]  }
0xaa: {  	v9 =	vpop (erf)  }
0xab: {  	v4 =	vmul.f32 $1.442695020e+00, v4;
	(erf) = vpow2.f32 v5;
	v5 =	vadd.f32 v9, v6;
	v6 =	vld [tilespmem:s0+$0x8660]  }
0xac: {  	v9 =	vpop (erf);
	v8 =	vmul.f32 $1.442695020e+00, v8  }
0xad: {  	(erf) = vpow2.f32 v4;
	v4 =	vadd.f32 v9, v5;
	v5 =	vld [tilespmem:s0+$0x8670]  }
0xae: {  	v9 =	vpop (erf);
	v7 =	vmul.f32 $1.442695020e+00, v7  }
0xaf: {  	(erf) = vpow2.f32 v8;
	v4 =	vadd.f32 v9, v4  }
0xb0: {  	v8 =	vpop (erf);
	v6 =	vmul.f32 $1.442695020e+00, v6  }
0xb1: {  	(erf) = vpow2.f32 v7;
	v4 =	vadd.f32 v8, v4  }
0xb2: {  	v7 =	vpop (erf);
	v5 =	vmul.f32 $1.442695020e+00, v5  }
0xb3: {  	(erf) = vpow2.f32 v6;
	v4 =	vadd.f32 v7, v4  }
0xb4: {  	v6 =	vpop (erf)  }
0xb5: {  	(erf) = vpow2.f32 v5;
	v4 =	vadd.f32 v6, v4  }
0xb6: {  	v5 =	vpop (erf)  }
0xb7: {  	v4 =	vadd.f32 v5, v4  }
0xb8: {  	v5 =	vpop (erf)  }
0xb9: {  	v4 =	vadd.f32 v5, v4  }
0xba: {  	v5 =	vpop (erf)  }
0xbb: {  	v4 =	vadd.f32 v5, v4  }
0xbc: {  	v5 =	vpop (erf)  }
0xbd: {  	v4 =	vadd.f32 v5, v4  }
0xbe: {  	v5 =	vpop (erf)  }
0xbf: {  	s23 =	sshll.u32 s19, $0xA;
	v4 =	vadd.f32 v5, v4  }
0xc0: {  	s0 =	sand.u32 $0x3FFFFC00, s23  }
0xc1: {  	[tilespmem:s0+$0x600] =	vst v4  }
0xc2: {  	v4 =	vld [tilespmem:s3+$0x400];
	_ =	sdelay $0x4  }
0xc3: {  	(v2sf) =	vpush v4, $0x0;
	_ =	sdelay $0x8  }
0xc4: {  	s2 =	simm.s32 $0x0  }
0xc5: {  	v4 =	vld [tilespmem:s2+$0x8680];
	_ =	sdelay $0x1  }
0xc6: {  	v5 =	vld [tilespmem:s2+$0x8690];
	_ =	sdelay $0x1  }
0xc7: {  	v6 =	vld [tilespmem:s2+$0x86A0]  }
0xc8: {  	v4 =	vmul.f32 $1.442695020e+00, v4;
	s0 =	spop (v2sf)  }
0xc9: {  	v7 =	vld [tilespmem:s2+$0x86B0];
	s20 =	sand.u32 $0xF, s0  }
0xca: {  	v5 =	vmul.f32 $1.442695020e+00, v5;
	(erf) = vpow2.f32 v4;
	s21 =	sshra.s32 s0, $0x1F;
	p0 =	slt.s32 s0, $0x1;
	p1 =	sne.s32 s20, $0x0  }
0xcb: {  	v8 =	vld [tilespmem:s2+$0x86C0];
	s24 =	sshrl.u32 s21, $0x1C;
	p0 =	por !p0, !p1  }
0xcc: {  	v6 =	vmul.f32 $1.442695020e+00, v6;
	(erf) = vpow2.f32 v5;
	s21 =	simm.s32 $0x1;
	s20 =	sadd.s32 s24, s0;
	p0 =	por !p0, !p0  }
0xcd: {  	v9 =	vld [tilespmem:s2+$0x86D0];
	s20 =	sshra.s32 s20, $0x4;
	s21 =	simm.s32 @!p0 $0x0  }
0xce: {  	v5 =	vmul.f32 $1.442695020e+00, v7;
	(erf) = vpow2.f32 v6;
	s20 =	ssub.s32 s20, s21  }
0xcf: {  	v6 =	vld [tilespmem:s2+$0x86E0];
	s24 =	sshll.u32 s20, $0x4;
	s20 =	sshll.u32 s20, $0x5  }
0xd0: {  	v10 =	vmul.f32 $1.442695020e+00, v8;
	(erf) = vpow2.f32 v5;
	s25 =	sand.u32 $0x70, s24;
	s20 =	sand.u32 $0xFFFFFF00, s20  }
0xd1: {  	v5 =	vld [tilespmem:s2+$0x86F0];
	s20 =	sor.u32 s25, s20  }
0xd2: {  	v8 =	vimm.f32 $0.0e+00;
	v7 =	vmul.f32 $1.442695020e+00, v9;
	(erf) = vpow2.f32 v10;
	s21 =	simm.s32 $0x800;
	v4 =	vld [tilespmem:s20+$0x8600];
	s20 =	simm.s32 $0x100  }
.LBB2_5:
0xd3: {  	p0 =	sne.s32 s21, $0xFC00;
	v9 =	vld [tilespmem:s20+$0x8680];
	v10 =	vpop (erf)  }
0xd4: {  	v8 =	vadd.f32 v10, v8;
	v6 =	vmul.f32 $1.442695020e+00, v6;
	(erf) = vpow2.f32 v7  }
0xd5: {  	v7 =	vld [tilespmem:s20+$0x8690];
	v10 =	vpop (erf)  }
0xd6: {  	v8 =	vadd.f32 v10, v8;
	v5 =	vmul.f32 $1.442695020e+00, v5;
	(erf) = vpow2.f32 v6  }
0xd7: {  	v6 =	vld [tilespmem:s20+$0x86A0];
	v10 =	vpop (erf)  }
0xd8: {  	v9 =	vmul.f32 $1.442695020e+00, v9;
	v8 =	vadd.f32 v10, v8;
	(erf) = vpow2.f32 v5  }
0xd9: {  	v5 =	vld [tilespmem:s20+$0x86B0];
	v10 =	vpop (erf)  }
0xda: {  	v7 =	vmul.f32 $1.442695020e+00, v7;
	(erf) = vpow2.f32 v9;
	v8 =	vadd.f32 v10, v8  }
0xdb: {  	v9 =	vld [tilespmem:s20+$0x86C0];
	v10 =	vpop (erf)  }
0xdc: {  	v6 =	vmul.f32 $1.442695020e+00, v6;
	(erf) = vpow2.f32 v7;
	v7 =	vadd.f32 v10, v8  }
0xdd: {  	v8 =	vld [tilespmem:s20+$0x86D0];
	v10 =	vpop (erf)  }
.Ltmp3:
0xde: {  	v5 =	vmul.f32 $1.442695020e+00, v5;
	(erf) = vpow2.f32 v6;
	v7 =	vadd.f32 v10, v7;
	(pc) =	sbr.rel @p0 .LBB2_5-.Ltmp3, $4  }
0xdf: {  	v6 =	vld [tilespmem:s20+$0x86E0];
	v10 =	vpop (erf)  }
0xe0: {  	v9 =	vmul.f32 $1.442695020e+00, v9;
	(erf) = vpow2.f32 v5;
	v10 =	vadd.f32 v10, v7  }
0xe1: {  	v5 =	vld [tilespmem:s20+$0x86F0];
	v11 =	vpop (erf)  }
0xe2: {  	s20 =	sshra.s32 s21, $0x2;
	s21 =	sadd.s32 $0x400, s21;
	v7 =	vmul.f32 $1.442695020e+00, v8;
	(erf) = vpow2.f32 v9;
	v8 =	vadd.f32 v11, v10  }
0xe3: {  	v9 =	vld [tilespmem:s20+$0x8680];
	v10 =	vpop (erf)  }
0xe4: {  	v8 =	vadd.f32 v10, v8;
	v6 =	vmul.f32 $1.442695020e+00, v6;
	(erf) = vpow2.f32 v7  }
0xe5: {  	v7 =	vld [tilespmem:s20+$0x8690];
	v52 =	vpop (erf)  }
0xe6: {  	v8 =	vadd.f32 v52, v8;
	v5 =	vmul.f32 $1.442695020e+00, v5;
	(erf) = vpow2.f32 v6  }
0xe7: {  	v6 =	vld [tilespmem:s20+$0x86A0];
	v53 =	vpop (erf)  }
0xe8: {  	v9 =	vmul.f32 $1.442695020e+00, v9;
	v8 =	vadd.f32 v53, v8;
	(erf) = vpow2.f32 v5  }
0xe9: {  	v5 =	vld [tilespmem:s20+$0x86B0];
	v54 =	vpop (erf)  }
0xea: {  	v7 =	vmul.f32 $1.442695020e+00, v7;
	(erf) = vpow2.f32 v9;
	v8 =	vadd.f32 v54, v8  }
0xeb: {  	v55 =	vld [tilespmem:s20+$0x86C0];
	v56 =	vpop (erf)  }
0xec: {  	v6 =	vmul.f32 $1.442695020e+00, v6;
	(erf) = vpow2.f32 v7;
	v7 =	vadd.f32 v56, v8;
	v8 =	vld [tilespmem:s20+$0x86D0]  }
0xed: {  	v57 =	vpop (erf)  }
0xee: {  	v5 =	vmul.f32 $1.442695020e+00, v5;
	(erf) = vpow2.f32 v6;
	v6 =	vadd.f32 v57, v7;
	v7 =	vld [tilespmem:s20+$0x86E0]  }
0xef: {  	v58 =	vpop (erf)  }
0xf0: {  	v9 =	vmul.f32 $1.442695020e+00, v55;
	(erf) = vpow2.f32 v5;
	v5 =	vadd.f32 v58, v6;
	v6 =	vld [tilespmem:s20+$0x86F0]  }
0xf1: {  	v59 =	vpop (erf);
	v8 =	vmul.f32 $1.442695020e+00, v8  }
0xf2: {  	(erf) = vpow2.f32 v9;
	v5 =	vadd.f32 v59, v5  }
0xf3: {  	v60 =	vpop (erf);
	v7 =	vmul.f32 $1.442695020e+00, v7  }
0xf4: {  	(erf) = vpow2.f32 v8;
	v5 =	vadd.f32 v60, v5  }
0xf5: {  	v8 =	vpop (erf);
	v6 =	vmul.f32 $1.442695020e+00, v6  }
0xf6: {  	(erf) = vpow2.f32 v7;
	v5 =	vadd.f32 v8, v5  }
0xf7: {  	v7 =	vpop (erf)  }
0xf8: {  	(erf) = vpow2.f32 v6;
	v5 =	vadd.f32 v7, v5  }
0xf9: {  	v6 =	vpop (erf)  }
0xfa: {  	v5 =	vadd.f32 v6, v5  }
0xfb: {  	v6 =	vpop (erf)  }
0xfc: {  	v5 =	vadd.f32 v6, v5  }
0xfd: {  	v6 =	vpop (erf)  }
0xfe: {  	v5 =	vadd.f32 v6, v5  }
0xff: {  	v6 =	vpop (erf)  }
0x100: {  	v5 =	vadd.f32 v6, v5  }
0x101: {  	s2 =	sshll.u32 s3, $0x7;
	v6 =	vpop (erf)  }
0x102: {  	s2 =	sor.u32 $0x80, s2;
	v5 =	vadd.f32 v6, v5  }
0x103: {  	s2 =	sand.u32 $0x3FFFFF80, s2  }
0x104: {  	[tilespmem:s2+$0x600] =	vst v5  }
0x105: {  	v5 =	vld [tilespmem:s3+$0x401];
	_ =	sdelay $0x4  }
0x106: {  	(v2sf) =	vpush v5, $0x0;
	_ =	sdelay $0xe  }
0x107: {  	s23 =	spop (v2sf)  }
0x108: {  	s16 =	sand.u32 $0xF, s23  }
0x109: {  	s20 =	sshra.s32 s23, $0x1F;
	p0 =	slt.s32 s23, $0x1;
	p1 =	sne.s32 s16, $0x0  }
0x10a: {  	s21 =	sshrl.u32 s20, $0x1C;
	p0 =	por !p0, !p1  }
0x10b: {  	s3 =	simm.s32 $0x1;
	s2 =	sadd.s32 s21, s23;
	p0 =	por !p0, !p0  }
0x10c: {  	s2 =	sshra.s32 s2, $0x4;
	s3 =	simm.s32 @!p0 $0x0  }
0x10d: {  	s2 =	ssub.s32 s2, s3  }
0x10e: {  	s15 =	sshll.u32 s2, $0x4;
	s2 =	sshll.u32 s2, $0x5  }
0x10f: {  	s25 =	sand.u32 $0x70, s15;
	s2 =	sand.u32 $0xFFFFFF00, s2  }
0x110: {  	p0 =	seq.s32 s19, $0x0;
	s2 =	sor.u32 s25, s2  }
0x111: {  	v5 =	vld [tilespmem:s2+$0x8680];
	s2 =	simm.s32 @!p0 $0x8  }
0x112: {  	s20 =	sshllo.u32 s19, $0x2;
	_ =	swait.ge @!p0 [sflag:s2], $0x4000  }
0x113: {  	s16 =	sshll.u32 s20, $0x3;
	[sflag:s2] =	ssyncset.done @!p0 $0x0  }
0x114: {  	s21 =	sand.u32 $0x3FFFFFF8, s16;
	[sflag:s2] =	ssyncadd.s32 @!p0 $0xFFFFC000  }
0x115: {  	v6 =	vld.msk [tilespmem:s21+$0x0], $0x3;
	_ =	sdelay $0x4  }
0x116: {  	v7 =	vshll.u32 v6, $0x6  }
0x117: {  	v6 =	vand.u32 $0x7, v6;
	v7 =	vand.u32 $0xFFFFFE00, v7  }
0x118: {  	v6 =	vor.u32 v6, v7  }
0x119: {  	v6 =	vperm.xlane v6, v1;
	_ =	sdelay $0x1  }
0x11a: {  	v6 =	vadd.s32 v2, v6;
	_ =	sdelay $0x3  }
0x11b: {  	s2 =	simm.s32 $0x0  }
0x11c: {  	[tilespmem:s18], [sflag:$0x4] =	stream.indirect_vreg.gather [hbm4b:s1+s2], $0x80, v6, vm0, $0xb8;
	[tilespmem:$0x18600] =	vst v63  }
0x11d: {  	s25 =	simm.s32 $0x14E00  }
0x11e: {  	[tilespmem:s25], [sflag:$0x4] =	stream.indirect_vreg.gather [hbm4b:s8+s2], $0x80, v6, vm0, $0xb8;
	[tilespmem:$0x18600] =	vst v63  }
0x11f: {  	s16 =	simm.s32 $0x15600  }
0x120: {  	[tilespmem:s16], [sflag:$0x4] =	stream.indirect_vreg.gather [hbm4b:s9+s2], $0x80, v6, vm0, $0xb8;
	[tilespmem:$0x18600] =	vst v63  }
0x121: {  	s21 =	simm.s32 $0x15E00  }
0x122: {  	[tilespmem:s21], [sflag:$0x4] =	stream.indirect_vreg.gather [hbm4b:s10+s2], $0x80, v6, vm0, $0xb8;
	[tilespmem:$0x18600] =	vst v63  }
0x123: {  	s25 =	simm.s32 $0x16600  }
0x124: {  	[tilespmem:s25], [sflag:$0x4] =	stream.indirect_vreg.gather [hbm4b:s11+s2], $0x80, v6, vm0, $0xb8;
	[tilespmem:$0x18600] =	vst v63  }
0x125: {  	s16 =	simm.s32 $0x16E00  }
0x126: {  	[tilespmem:s16], [sflag:$0x4] =	stream.indirect_vreg.gather [hbm4b:s12+s2], $0x80, v6, vm0, $0xb8;
	[tilespmem:$0x18600] =	vst v63  }
0x127: {  	s21 =	simm.s32 $0x17600  }
0x128: {  	[tilespmem:s21], [sflag:$0x4] =	stream.indirect_vreg.gather [hbm4b:s13+s2], $0x80, v6, vm0, $0xb8;
	[tilespmem:$0x18600] =	vst v63  }
0x129: {  	s25 =	simm.s32 $0x17E00;
	s21 =	sshll.u32 s19, $0x2  }
0x12a: {  	[tilespmem:s25], [sflag:$0x4] =	stream.indirect_vreg.gather [hbm4b:s14+s2], $0x80, v6, vm0, $0xb8;
	[tilespmem:$0x18600] =	vst v63  }
0x12b: {  	s25 =	sor.u32 $0x1, s21  }
0x12c: {  	s3 =	sshll.u32 s25, $0x1  }
0x12d: {  	s16 =	sadd.s32 s5, s3  }
0x12e: {  	_ =	swait.ge [sflag:s26], $0x4000;
	s2 =	sshll.u32 s16, $0xA  }
0x12f: {  	[sflag:s26] =	ssyncset.done $0x0;
	s16 =	rddreg [dreg:$0x6];
	s2 =	sand.u32 $0x1FFFE000, s2  }
0x130: {  	[sflag:s26] =	ssyncadd.s32 $0xFFFFC000;
	s2 =	sadd.s32 s2, s16;
	s16 =	simm.s32 $0xC600  }
0x131: {  	[hbm4b:s2+s7] =	stream.strided.scatter [tilespmem:s16], [sflag:$0x6], $0x4000, s22, s7, $0x38;
	[tilespmem:$0x18600] =	vst v63  }
0x132: {  	s16 =	simm.s32 $0x0  }
0x133: {  	v6 =	vld [tilespmem:s16+$0xC600];
	_ =	sdelay $0x1  }
0x134: {  	v7 =	vld [tilespmem:s16+$0xC610]  }
0x135: {  	s0 =	ssub.s32 s0, s24  }
0x136: {  	v61 =	vmov s0;
	v8 =	vld [tilespmem:s16+$0xC620]  }
0x137: {  	vm1 =	veq.s32 v61, v0;
	v6 =	vmul.f32 $1.442695020e+00, v6  }
0x138: {  	v4 =	vnsel vm1, $0x0, v4;
	v62 =	vld [tilespmem:s16+$0xC630]  }
0x139: {  	v3 =	vadd.f32 v4, v3;
	v4 =	vmul.f32 $1.442695020e+00, v7;
	(erf) = vpow2.f32 v6  }
0x13a: {  	s24 =	ssub.s32 s23, s15;
	v63 =	vld [tilespmem:s16+$0xC640]  }
0x13b: {  	v7 =	vmul.f32 $1.442695020e+00, v8;
	v6 =	vmov s24;
	(erf) = vpow2.f32 v4  }
0x13c: {  	v11 =	vld [tilespmem:s16+$0xC650];
	vm1 =	veq.s32 v6, v0  }
0x13d: {  	v4 =	vmul.f32 $1.442695020e+00, v62;
	v5 =	vnsel vm1, $0x0, v5;
	(erf) = vpow2.f32 v7  }
0x13e: {  	v3 =	vadd.f32 v5, v3;
	v5 =	vld [tilespmem:s16+$0xC660]  }
0x13f: {  	v8 =	vmul.f32 $1.442695020e+00, v63;
	(erf) = vpow2.f32 v4  }
0x140: {  	v4 =	vld [tilespmem:s16+$0xC670]  }
0x141: {  	s0 =	simm.s32 $0x100;
	s23 =	simm.s32 $0x800;
	v6 =	vmul.f32 $1.442695020e+00, v11;
	v7 =	vimm.f32 $0.0e+00;
	(erf) = vpow2.f32 v8  }
.LBB2_7:
0x142: {  	p0 =	sne.s32 s23, $0xFC00;
	v8 =	vld [tilespmem:s0+$0xC600];
	v9 =	vpop (erf)  }
0x143: {  	v7 =	vadd.f32 v9, v7;
	v5 =	vmul.f32 $1.442695020e+00, v5;
	(erf) = vpow2.f32 v6  }
0x144: {  	v6 =	vld [tilespmem:s0+$0xC610];
	v9 =	vpop (erf)  }
0x145: {  	v7 =	vadd.f32 v9, v7;
	v4 =	vmul.f32 $1.442695020e+00, v4;
	(erf) = vpow2.f32 v5  }
0x146: {  	v5 =	vld [tilespmem:s0+$0xC620];
	v9 =	vpop (erf)  }
0x147: {  	v8 =	vmul.f32 $1.442695020e+00, v8;
	v7 =	vadd.f32 v9, v7;
	(erf) = vpow2.f32 v4  }
0x148: {  	v4 =	vld [tilespmem:s0+$0xC630];
	v9 =	vpop (erf)  }
0x149: {  	v6 =	vmul.f32 $1.442695020e+00, v6;
	(erf) = vpow2.f32 v8;
	v7 =	vadd.f32 v9, v7  }
0x14a: {  	v8 =	vld [tilespmem:s0+$0xC640];
	v9 =	vpop (erf)  }
0x14b: {  	v5 =	vmul.f32 $1.442695020e+00, v5;
	(erf) = vpow2.f32 v6;
	v6 =	vadd.f32 v9, v7  }
0x14c: {  	v7 =	vld [tilespmem:s0+$0xC650];
	v9 =	vpop (erf)  }
.Ltmp4:
0x14d: {  	v4 =	vmul.f32 $1.442695020e+00, v4;
	(erf) = vpow2.f32 v5;
	v6 =	vadd.f32 v9, v6;
	(pc) =	sbr.rel @p0 .LBB2_7-.Ltmp4, $4  }
0x14e: {  	v5 =	vld [tilespmem:s0+$0xC660];
	v9 =	vpop (erf)  }
0x14f: {  	v8 =	vmul.f32 $1.442695020e+00, v8;
	(erf) = vpow2.f32 v4;
	v9 =	vadd.f32 v9, v6  }
0x150: {  	v4 =	vld [tilespmem:s0+$0xC670];
	v10 =	vpop (erf)  }
0x151: {  	s0 =	sshra.s32 s23, $0x2;
	s23 =	sadd.s32 $0x400, s23;
	v6 =	vmul.f32 $1.442695020e+00, v7;
	(erf) = vpow2.f32 v8;
	v7 =	vadd.f32 v10, v9  }
0x152: {  	v8 =	vld [tilespmem:s0+$0xC600];
	v9 =	vpop (erf)  }
0x153: {  	v7 =	vadd.f32 v9, v7;
	v5 =	vmul.f32 $1.442695020e+00, v5;
	(erf) = vpow2.f32 v6  }
0x154: {  	v6 =	vld [tilespmem:s0+$0xC610];
	v9 =	vpop (erf)  }
0x155: {  	v7 =	vadd.f32 v9, v7;
	v4 =	vmul.f32 $1.442695020e+00, v4;
	(erf) = vpow2.f32 v5  }
0x156: {  	v5 =	vld [tilespmem:s0+$0xC620];
	v9 =	vpop (erf)  }
0x157: {  	v8 =	vmul.f32 $1.442695020e+00, v8;
	v7 =	vadd.f32 v9, v7;
	(erf) = vpow2.f32 v4  }
0x158: {  	v4 =	vld [tilespmem:s0+$0xC630];
	v9 =	vpop (erf)  }
0x159: {  	v6 =	vmul.f32 $1.442695020e+00, v6;
	(erf) = vpow2.f32 v8;
	v7 =	vadd.f32 v9, v7;
	v8 =	vld [tilespmem:s0+$0xC640]  }
0x15a: {  	v9 =	vpop (erf)  }
0x15b: {  	v5 =	vmul.f32 $1.442695020e+00, v5;
	(erf) = vpow2.f32 v6;
	v6 =	vadd.f32 v9, v7;
	v7 =	vld [tilespmem:s0+$0xC650]  }
0x15c: {  	v9 =	vpop (erf)  }
0x15d: {  	v4 =	vmul.f32 $1.442695020e+00, v4;
	(erf) = vpow2.f32 v5;
	v5 =	vadd.f32 v9, v6;
	v6 =	vld [tilespmem:s0+$0xC660]  }
0x15e: {  	v9 =	vpop (erf);
	v8 =	vmul.f32 $1.442695020e+00, v8  }
0x15f: {  	(erf) = vpow2.f32 v4;
	v4 =	vadd.f32 v9, v5;
	v5 =	vld [tilespmem:s0+$0xC670]  }
0x160: {  	v9 =	vpop (erf);
	v7 =	vmul.f32 $1.442695020e+00, v7  }
0x161: {  	(erf) = vpow2.f32 v8;
	v4 =	vadd.f32 v9, v4  }
0x162: {  	v8 =	vpop (erf);
	v6 =	vmul.f32 $1.442695020e+00, v6  }
0x163: {  	(erf) = vpow2.f32 v7;
	v4 =	vadd.f32 v8, v4  }
0x164: {  	v7 =	vpop (erf);
	v5 =	vmul.f32 $1.442695020e+00, v5  }
0x165: {  	(erf) = vpow2.f32 v6;
	v4 =	vadd.f32 v7, v4  }
0x166: {  	v6 =	vpop (erf)  }
0x167: {  	(erf) = vpow2.f32 v5;
	v4 =	vadd.f32 v6, v4  }
0x168: {  	v5 =	vpop (erf)  }
0x169: {  	v4 =	vadd.f32 v5, v4  }
0x16a: {  	v5 =	vpop (erf)  }
0x16b: {  	v4 =	vadd.f32 v5, v4  }
0x16c: {  	v5 =	vpop (erf)  }
0x16d: {  	v4 =	vadd.f32 v5, v4  }
0x16e: {  	v5 =	vpop (erf)  }
0x16f: {  	v4 =	vadd.f32 v5, v4  }
0x170: {  	v5 =	vpop (erf)  }
0x171: {  	s23 =	sshll.u32 s25, $0x8;
	v4 =	vadd.f32 v5, v4  }
0x172: {  	s0 =	sand.u32 $0x3FFFFF00, s23  }
0x173: {  	[tilespmem:s0+$0x600] =	vst v4  }
0x174: {  	v4 =	vld [tilespmem:s3+$0x400];
	_ =	sdelay $0x4  }
0x175: {  	(v2sf) =	vpush v4, $0x0;
	_ =	sdelay $0x8  }
0x176: {  	s2 =	simm.s32 $0x0  }
0x177: {  	v4 =	vld [tilespmem:s2+$0xC680];
	_ =	sdelay $0x1  }
0x178: {  	v5 =	vld [tilespmem:s2+$0xC690];
	_ =	sdelay $0x1  }
0x179: {  	v6 =	vld [tilespmem:s2+$0xC6A0]  }
0x17a: {  	v4 =	vmul.f32 $1.442695020e+00, v4;
	s0 =	spop (v2sf)  }
0x17b: {  	v7 =	vld [tilespmem:s2+$0xC6B0];
	s15 =	sand.u32 $0xF, s0  }
0x17c: {  	v5 =	vmul.f32 $1.442695020e+00, v5;
	(erf) = vpow2.f32 v4;
	s23 =	sshra.s32 s0, $0x1F;
	p0 =	slt.s32 s0, $0x1;
	p1 =	sne.s32 s15, $0x0  }
0x17d: {  	v8 =	vld [tilespmem:s2+$0xC6C0];
	s24 =	sshrl.u32 s23, $0x1C;
	p0 =	por !p0, !p1  }
0x17e: {  	v6 =	vmul.f32 $1.442695020e+00, v6;
	(erf) = vpow2.f32 v5;
	s23 =	simm.s32 $0x1;
	s15 =	sadd.s32 s24, s0;
	p0 =	por !p0, !p0  }
0x17f: {  	v9 =	vld [tilespmem:s2+$0xC6D0];
	s15 =	sshra.s32 s15, $0x4;
	s23 =	simm.s32 @!p0 $0x0  }
0x180: {  	v5 =	vmul.f32 $1.442695020e+00, v7;
	(erf) = vpow2.f32 v6;
	s15 =	ssub.s32 s15, s23  }
0x181: {  	v6 =	vld [tilespmem:s2+$0xC6E0];
	s24 =	sshll.u32 s15, $0x4;
	s15 =	sshll.u32 s15, $0x5  }
0x182: {  	v10 =	vmul.f32 $1.442695020e+00, v8;
	(erf) = vpow2.f32 v5;
	s25 =	sand.u32 $0x70, s24;
	s15 =	sand.u32 $0xFFFFFF00, s15  }
0x183: {  	v5 =	vld [tilespmem:s2+$0xC6F0];
	s15 =	sor.u32 s25, s15  }
0x184: {  	v8 =	vimm.f32 $0.0e+00;
	v7 =	vmul.f32 $1.442695020e+00, v9;
	(erf) = vpow2.f32 v10;
	s23 =	simm.s32 $0x800;
	s25 =	simm.s32 $0x100;
	v4 =	vld [tilespmem:s15+$0xC600]  }
.LBB2_9:
0x185: {  	p0 =	sne.s32 s23, $0xFC00;
	v9 =	vld [tilespmem:s25+$0xC680];
	v10 =	vpop (erf)  }
0x186: {  	v8 =	vadd.f32 v10, v8;
	v6 =	vmul.f32 $1.442695020e+00, v6;
	(erf) = vpow2.f32 v7  }
0x187: {  	v7 =	vld [tilespmem:s25+$0xC690];
	v10 =	vpop (erf)  }
0x188: {  	v8 =	vadd.f32 v10, v8;
	v5 =	vmul.f32 $1.442695020e+00, v5;
	(erf) = vpow2.f32 v6  }
0x189: {  	v6 =	vld [tilespmem:s25+$0xC6A0];
	v10 =	vpop (erf)  }
0x18a: {  	v9 =	vmul.f32 $1.442695020e+00, v9;
	v8 =	vadd.f32 v10, v8;
	(erf) = vpow2.f32 v5  }
0x18b: {  	v5 =	vld [tilespmem:s25+$0xC6B0];
	v10 =	vpop (erf)  }
0x18c: {  	v7 =	vmul.f32 $1.442695020e+00, v7;
	(erf) = vpow2.f32 v9;
	v8 =	vadd.f32 v10, v8  }
0x18d: {  	v9 =	vld [tilespmem:s25+$0xC6C0];
	v10 =	vpop (erf)  }
0x18e: {  	v6 =	vmul.f32 $1.442695020e+00, v6;
	(erf) = vpow2.f32 v7;
	v7 =	vadd.f32 v10, v8  }
0x18f: {  	v8 =	vld [tilespmem:s25+$0xC6D0];
	v10 =	vpop (erf)  }
.Ltmp5:
0x190: {  	v5 =	vmul.f32 $1.442695020e+00, v5;
	(erf) = vpow2.f32 v6;
	v7 =	vadd.f32 v10, v7;
	(pc) =	sbr.rel @p0 .LBB2_9-.Ltmp5, $4  }
0x191: {  	v6 =	vld [tilespmem:s25+$0xC6E0];
	v10 =	vpop (erf)  }
0x192: {  	v9 =	vmul.f32 $1.442695020e+00, v9;
	(erf) = vpow2.f32 v5;
	v10 =	vadd.f32 v10, v7  }
0x193: {  	v5 =	vld [tilespmem:s25+$0xC6F0];
	v11 =	vpop (erf)  }
0x194: {  	s25 =	sshra.s32 s23, $0x2;
	s23 =	sadd.s32 $0x400, s23;
	v7 =	vmul.f32 $1.442695020e+00, v8;
	(erf) = vpow2.f32 v9;
	v8 =	vadd.f32 v11, v10  }
0x195: {  	v9 =	vld [tilespmem:s25+$0xC680];
	v10 =	vpop (erf)  }
0x196: {  	v8 =	vadd.f32 v10, v8;
	v6 =	vmul.f32 $1.442695020e+00, v6;
	(erf) = vpow2.f32 v7  }
0x197: {  	v7 =	vld [tilespmem:s25+$0xC690];
	v52 =	vpop (erf)  }
0x198: {  	v8 =	vadd.f32 v52, v8;
	v5 =	vmul.f32 $1.442695020e+00, v5;
	(erf) = vpow2.f32 v6  }
0x199: {  	v6 =	vld [tilespmem:s25+$0xC6A0];
	v53 =	vpop (erf)  }
0x19a: {  	v9 =	vmul.f32 $1.442695020e+00, v9;
	v8 =	vadd.f32 v53, v8;
	(erf) = vpow2.f32 v5  }
0x19b: {  	v5 =	vld [tilespmem:s25+$0xC6B0];
	v54 =	vpop (erf)  }
0x19c: {  	v7 =	vmul.f32 $1.442695020e+00, v7;
	(erf) = vpow2.f32 v9;
	v8 =	vadd.f32 v54, v8  }
0x19d: {  	v55 =	vld [tilespmem:s25+$0xC6C0];
	v56 =	vpop (erf)  }
0x19e: {  	v6 =	vmul.f32 $1.442695020e+00, v6;
	(erf) = vpow2.f32 v7;
	v7 =	vadd.f32 v56, v8;
	v8 =	vld [tilespmem:s25+$0xC6D0]  }
0x19f: {  	v57 =	vpop (erf)  }
0x1a0: {  	v5 =	vmul.f32 $1.442695020e+00, v5;
	(erf) = vpow2.f32 v6;
	v6 =	vadd.f32 v57, v7;
	v7 =	vld [tilespmem:s25+$0xC6E0]  }
0x1a1: {  	v58 =	vpop (erf)  }
0x1a2: {  	v9 =	vmul.f32 $1.442695020e+00, v55;
	(erf) = vpow2.f32 v5;
	v5 =	vadd.f32 v58, v6;
	v6 =	vld [tilespmem:s25+$0xC6F0]  }
0x1a3: {  	v59 =	vpop (erf);
	v8 =	vmul.f32 $1.442695020e+00, v8  }
0x1a4: {  	(erf) = vpow2.f32 v9;
	v5 =	vadd.f32 v59, v5  }
0x1a5: {  	v60 =	vpop (erf);
	v7 =	vmul.f32 $1.442695020e+00, v7  }
0x1a6: {  	(erf) = vpow2.f32 v8;
	v5 =	vadd.f32 v60, v5  }
0x1a7: {  	v8 =	vpop (erf);
	v6 =	vmul.f32 $1.442695020e+00, v6  }
0x1a8: {  	(erf) = vpow2.f32 v7;
	v5 =	vadd.f32 v8, v5  }
0x1a9: {  	v7 =	vpop (erf)  }
0x1aa: {  	(erf) = vpow2.f32 v6;
	v5 =	vadd.f32 v7, v5  }
0x1ab: {  	v6 =	vpop (erf)  }
0x1ac: {  	v5 =	vadd.f32 v6, v5  }
0x1ad: {  	v6 =	vpop (erf)  }
0x1ae: {  	v5 =	vadd.f32 v6, v5  }
0x1af: {  	v6 =	vpop (erf)  }
0x1b0: {  	v5 =	vadd.f32 v6, v5  }
0x1b1: {  	v6 =	vpop (erf)  }
0x1b2: {  	v5 =	vadd.f32 v6, v5  }
0x1b3: {  	s2 =	sshll.u32 s3, $0x7;
	v6 =	vpop (erf)  }
0x1b4: {  	s2 =	sor.u32 $0x80, s2;
	v5 =	vadd.f32 v6, v5  }
0x1b5: {  	s2 =	sand.u32 $0x3FFFFF80, s2  }
0x1b6: {  	[tilespmem:s2+$0x600] =	vst v5  }
0x1b7: {  	v5 =	vld [tilespmem:s3+$0x401];
	_ =	sdelay $0x4  }
0x1b8: {  	(v2sf) =	vpush v5, $0x0;
	_ =	sdelay $0xe  }
0x1b9: {  	s23 =	spop (v2sf)  }
0x1ba: {  	s16 =	sand.u32 $0xF, s23  }
0x1bb: {  	s25 =	sshra.s32 s23, $0x1F;
	p0 =	slt.s32 s23, $0x1;
	p1 =	sne.s32 s16, $0x0  }
0x1bc: {  	s15 =	sshrl.u32 s25, $0x1C;
	p0 =	por !p0, !p1  }
0x1bd: {  	s3 =	simm.s32 $0x1;
	s2 =	sadd.s32 s15, s23;
	p0 =	por !p0, !p0  }
0x1be: {  	s2 =	sshra.s32 s2, $0x4;
	s3 =	simm.s32 @!p0 $0x0  }
0x1bf: {  	s3 =	ssub.s32 s2, s3  }
0x1c0: {  	s2 =	sshll.u32 s3, $0x4;
	s3 =	sshll.u32 s3, $0x5  }
0x1c1: {  	s15 =	sand.u32 $0x70, s2;
	s3 =	sand.u32 $0xFFFFFF00, s3  }
0x1c2: {  	p0 =	seq.s32 s19, $0x1F;
	s3 =	sor.u32 s15, s3  }
0x1c3: {  	v5 =	vld [tilespmem:s3+$0xC680];
	s3 =	simm.s32 @!p0 $0x5  }
0x1c4: {  	_ =	swait.ge @!p0 [sflag:s3], $0x4000  }
0x1c5: {  	s15 =	sshll.u32 @!p0 s19, $0x5;
	[sflag:s3] =	ssyncset.done @!p0 $0x0  }
0x1c6: {  	[sflag:s3] =	ssyncadd.s32 @!p0 $0xFFFFC000;
	s3 =	sand.u32 @!p0 $0x3FFFFFE0, s15  }
0x1c7: {  	v6 =	vld.msk @!p0 [tilespmem:s3+$0x20], $0x3;
	_ =	sdelay $0x4  }
0x1c8: {  	v7 =	vshll.u32 @!p0 v6, $0x6  }
0x1c9: {  	v8 =	vlaneseq.u32 @!p0;
	v6 =	vand.u32 @!p0 $0x7, v6;
	v7 =	vand.u32 @!p0 $0xFFFFFE00, v7  }
0x1ca: {  	v6 =	vor.u32 @!p0 v6, v7;
	v7 =	vand.u32 @!p0 $0x1, v8;
	v8 =	vshrl.u32 @!p0 v8, $0x1  }
0x1cb: {  	v6 =	vperm.xlane @!p0 v6, v7;
	v7 =	vmul.u32 @!p0 $0x8, v8;
	_ =	sdelay $0x1  }
0x1cc: {  	v6 =	vadd.s32 @!p0 v7, v6;
	_ =	sdelay $0x3  }
0x1cd: {  	vm1 =	vmmov @!p0 $0xffff;
	s25 =	simm.s32 @!p0 $0x8600;
	s15 =	simm.s32 @!p0 $0x0  }
0x1ce: {  	[tilespmem:s25], [sflag:$0x1] =	stream.indirect_vreg.gather @!p0 [hbm4b:s1+s15], $0x80, v6, vm1, $0xb8;
	[tilespmem:$0x18600] =	vst v63  }
0x1cf: {  	s25 =	simm.s32 @!p0 $0x8E00  }
0x1d0: {  	[tilespmem:s25], [sflag:$0x1] =	stream.indirect_vreg.gather @!p0 [hbm4b:s8+s15], $0x80, v6, vm1, $0xb8;
	[tilespmem:$0x18600] =	vst v63  }
0x1d1: {  	s25 =	simm.s32 @!p0 $0x9600  }
0x1d2: {  	[tilespmem:s25], [sflag:$0x1] =	stream.indirect_vreg.gather @!p0 [hbm4b:s9+s15], $0x80, v6, vm1, $0xb8;
	[tilespmem:$0x18600] =	vst v63  }
0x1d3: {  	s25 =	simm.s32 @!p0 $0x9E00  }
0x1d4: {  	[tilespmem:s25], [sflag:$0x1] =	stream.indirect_vreg.gather @!p0 [hbm4b:s10+s15], $0x80, v6, vm1, $0xb8;
	[tilespmem:$0x18600] =	vst v63  }
0x1d5: {  	s25 =	simm.s32 @!p0 $0xA600  }
0x1d6: {  	[tilespmem:s25], [sflag:$0x1] =	stream.indirect_vreg.gather @!p0 [hbm4b:s11+s15], $0x80, v6, vm1, $0xb8;
	[tilespmem:$0x18600] =	vst v63  }
0x1d7: {  	s25 =	simm.s32 @!p0 $0xAE00  }
0x1d8: {  	[tilespmem:s25], [sflag:$0x1] =	stream.indirect_vreg.gather @!p0 [hbm4b:s12+s15], $0x80, v6, vm1, $0xb8;
	[tilespmem:$0x18600] =	vst v63  }
0x1d9: {  	s25 =	simm.s32 @!p0 $0xB600  }
0x1da: {  	[tilespmem:s25], [sflag:$0x1] =	stream.indirect_vreg.gather @!p0 [hbm4b:s13+s15], $0x80, v6, vm1, $0xb8;
	[tilespmem:$0x18600] =	vst v63  }
0x1db: {  	s25 =	simm.s32 @!p0 $0xBE00  }
0x1dc: {  	[tilespmem:s25], [sflag:$0x1] =	stream.indirect_vreg.gather @!p0 [hbm4b:s14+s15], $0x80, v6, vm1, $0xb8;
	[tilespmem:$0x18600] =	vst v63  }
0x1dd: {  	s25 =	sor.u32 $0x2, s21  }
0x1de: {  	s21 =	sshll.u32 s25, $0x1  }
0x1df: {  	s16 =	sadd.s32 s5, s21  }
0x1e0: {  	_ =	swait.ge [sflag:s28], $0x4000;
	s15 =	sshll.u32 s16, $0xA  }
0x1e1: {  	[sflag:s28] =	ssyncset.done $0x0;
	s16 =	rddreg [dreg:$0x7];
	s15 =	sand.u32 $0x1FFFE000, s15  }
0x1e2: {  	[sflag:s28] =	ssyncadd.s32 $0xFFFFC000;
	s15 =	sadd.s32 s15, s16;
	s16 =	simm.s32 $0x0  }
0x1e3: {  	[hbm4b:s15+s7] =	stream.strided.scatter [tilespmem:s31], [sflag:$0x7], $0x4000, s22, s7, $0x38;
	[tilespmem:$0x18600] =	vst v63  }
0x1e4: {  	v6 =	vld [tilespmem:s16+$0x10600];
	_ =	sdelay $0x1  }
0x1e5: {  	v7 =	vld [tilespmem:s16+$0x10610]  }
0x1e6: {  	s0 =	ssub.s32 s0, s24  }
0x1e7: {  	v61 =	vmov s0;
	v8 =	vld [tilespmem:s16+$0x10620]  }
0x1e8: {  	vm2 =	veq.s32 v61, v0;
	v6 =	vmul.f32 $1.442695020e+00, v6  }
0x1e9: {  	v4 =	vnsel vm2, $0x0, v4;
	v62 =	vld [tilespmem:s16+$0x10630]  }
0x1ea: {  	v3 =	vadd.f32 v4, v3;
	v4 =	vmul.f32 $1.442695020e+00, v7;
	(erf) = vpow2.f32 v6  }
0x1eb: {  	s24 =	ssub.s32 s23, s2;
	v63 =	vld [tilespmem:s16+$0x10640]  }
0x1ec: {  	v7 =	vmul.f32 $1.442695020e+00, v8;
	v6 =	vmov s24;
	(erf) = vpow2.f32 v4  }
0x1ed: {  	v11 =	vld [tilespmem:s16+$0x10650];
	vm2 =	veq.s32 v6, v0  }
0x1ee: {  	v4 =	vmul.f32 $1.442695020e+00, v62;
	v5 =	vnsel vm2, $0x0, v5;
	(erf) = vpow2.f32 v7  }
0x1ef: {  	v3 =	vadd.f32 v5, v3;
	v5 =	vld [tilespmem:s16+$0x10660]  }
0x1f0: {  	v8 =	vmul.f32 $1.442695020e+00, v63;
	(erf) = vpow2.f32 v4  }
0x1f1: {  	v4 =	vld [tilespmem:s16+$0x10670]  }
0x1f2: {  	s0 =	simm.s32 $0x100;
	s23 =	simm.s32 $0x800;
	v6 =	vmul.f32 $1.442695020e+00, v11;
	v7 =	vimm.f32 $0.0e+00;
	(erf) = vpow2.f32 v8  }
.LBB2_11:
0x1f3: {  	p1 =	sne.s32 s23, $0xFC00;
	v8 =	vld [tilespmem:s0+$0x10600];
	v9 =	vpop (erf)  }
0x1f4: {  	v7 =	vadd.f32 v9, v7;
	v5 =	vmul.f32 $1.442695020e+00, v5;
	(erf) = vpow2.f32 v6  }
0x1f5: {  	v6 =	vld [tilespmem:s0+$0x10610];
	v9 =	vpop (erf)  }
0x1f6: {  	v7 =	vadd.f32 v9, v7;
	v4 =	vmul.f32 $1.442695020e+00, v4;
	(erf) = vpow2.f32 v5  }
0x1f7: {  	v5 =	vld [tilespmem:s0+$0x10620];
	v9 =	vpop (erf)  }
0x1f8: {  	v8 =	vmul.f32 $1.442695020e+00, v8;
	v7 =	vadd.f32 v9, v7;
	(erf) = vpow2.f32 v4  }
0x1f9: {  	v4 =	vld [tilespmem:s0+$0x10630];
	v9 =	vpop (erf)  }
0x1fa: {  	v6 =	vmul.f32 $1.442695020e+00, v6;
	(erf) = vpow2.f32 v8;
	v7 =	vadd.f32 v9, v7  }
0x1fb: {  	v8 =	vld [tilespmem:s0+$0x10640];
	v9 =	vpop (erf)  }
0x1fc: {  	v5 =	vmul.f32 $1.442695020e+00, v5;
	(erf) = vpow2.f32 v6;
	v6 =	vadd.f32 v9, v7  }
0x1fd: {  	v7 =	vld [tilespmem:s0+$0x10650];
	v9 =	vpop (erf)  }
.Ltmp6:
0x1fe: {  	v4 =	vmul.f32 $1.442695020e+00, v4;
	(erf) = vpow2.f32 v5;
	v6 =	vadd.f32 v9, v6;
	(pc) =	sbr.rel @p1 .LBB2_11-.Ltmp6, $4  }
0x1ff: {  	v5 =	vld [tilespmem:s0+$0x10660];
	v9 =	vpop (erf)  }
0x200: {  	v8 =	vmul.f32 $1.442695020e+00, v8;
	(erf) = vpow2.f32 v4;
	v9 =	vadd.f32 v9, v6  }
0x201: {  	v4 =	vld [tilespmem:s0+$0x10670];
	v10 =	vpop (erf)  }
0x202: {  	s0 =	sshra.s32 s23, $0x2;
	s23 =	sadd.s32 $0x400, s23;
	v6 =	vmul.f32 $1.442695020e+00, v7;
	(erf) = vpow2.f32 v8;
	v7 =	vadd.f32 v10, v9  }
0x203: {  	v8 =	vld [tilespmem:s0+$0x10600];
	v9 =	vpop (erf)  }
0x204: {  	v7 =	vadd.f32 v9, v7;
	v5 =	vmul.f32 $1.442695020e+00, v5;
	(erf) = vpow2.f32 v6  }
0x205: {  	v6 =	vld [tilespmem:s0+$0x10610];
	v9 =	vpop (erf)  }
0x206: {  	v7 =	vadd.f32 v9, v7;
	v4 =	vmul.f32 $1.442695020e+00, v4;
	(erf) = vpow2.f32 v5  }
0x207: {  	v5 =	vld [tilespmem:s0+$0x10620];
	v9 =	vpop (erf)  }
0x208: {  	v8 =	vmul.f32 $1.442695020e+00, v8;
	v7 =	vadd.f32 v9, v7;
	(erf) = vpow2.f32 v4  }
0x209: {  	v4 =	vld [tilespmem:s0+$0x10630];
	v9 =	vpop (erf)  }
0x20a: {  	v6 =	vmul.f32 $1.442695020e+00, v6;
	(erf) = vpow2.f32 v8;
	v7 =	vadd.f32 v9, v7;
	v8 =	vld [tilespmem:s0+$0x10640]  }
0x20b: {  	v9 =	vpop (erf)  }
0x20c: {  	v5 =	vmul.f32 $1.442695020e+00, v5;
	(erf) = vpow2.f32 v6;
	v6 =	vadd.f32 v9, v7;
	v7 =	vld [tilespmem:s0+$0x10650]  }
0x20d: {  	v9 =	vpop (erf)  }
0x20e: {  	v4 =	vmul.f32 $1.442695020e+00, v4;
	(erf) = vpow2.f32 v5;
	v5 =	vadd.f32 v9, v6;
	v6 =	vld [tilespmem:s0+$0x10660]  }
0x20f: {  	v9 =	vpop (erf);
	v8 =	vmul.f32 $1.442695020e+00, v8  }
0x210: {  	(erf) = vpow2.f32 v4;
	v4 =	vadd.f32 v9, v5;
	v5 =	vld [tilespmem:s0+$0x10670]  }
0x211: {  	v9 =	vpop (erf);
	v7 =	vmul.f32 $1.442695020e+00, v7  }
0x212: {  	(erf) = vpow2.f32 v8;
	v4 =	vadd.f32 v9, v4  }
0x213: {  	v8 =	vpop (erf);
	v6 =	vmul.f32 $1.442695020e+00, v6  }
0x214: {  	(erf) = vpow2.f32 v7;
	v4 =	vadd.f32 v8, v4  }
0x215: {  	v7 =	vpop (erf);
	v5 =	vmul.f32 $1.442695020e+00, v5  }
0x216: {  	(erf) = vpow2.f32 v6;
	v4 =	vadd.f32 v7, v4  }
0x217: {  	v6 =	vpop (erf)  }
0x218: {  	(erf) = vpow2.f32 v5;
	v4 =	vadd.f32 v6, v4  }
0x219: {  	v5 =	vpop (erf)  }
0x21a: {  	v4 =	vadd.f32 v5, v4  }
0x21b: {  	v5 =	vpop (erf)  }
0x21c: {  	v4 =	vadd.f32 v5, v4  }
0x21d: {  	v5 =	vpop (erf)  }
0x21e: {  	v4 =	vadd.f32 v5, v4  }
0x21f: {  	v5 =	vpop (erf)  }
0x220: {  	v4 =	vadd.f32 v5, v4  }
0x221: {  	v5 =	vpop (erf)  }
0x222: {  	s23 =	sshll.u32 s25, $0x8;
	v4 =	vadd.f32 v5, v4  }
0x223: {  	s0 =	sand.u32 $0x3FFFFF00, s23  }
0x224: {  	[tilespmem:s0+$0x600] =	vst v4  }
0x225: {  	v4 =	vld [tilespmem:s21+$0x400];
	_ =	sdelay $0x4  }
0x226: {  	(v2sf) =	vpush v4, $0x0;
	_ =	sdelay $0x8  }
0x227: {  	s2 =	simm.s32 $0x0  }
0x228: {  	v4 =	vld [tilespmem:s2+$0x10680];
	_ =	sdelay $0x1  }
0x229: {  	v5 =	vld [tilespmem:s2+$0x10690];
	_ =	sdelay $0x1  }
0x22a: {  	v6 =	vld [tilespmem:s2+$0x106A0]  }
0x22b: {  	v4 =	vmul.f32 $1.442695020e+00, v4;
	s0 =	spop (v2sf)  }
0x22c: {  	v7 =	vld [tilespmem:s2+$0x106B0];
	s15 =	sand.u32 $0xF, s0  }
0x22d: {  	v5 =	vmul.f32 $1.442695020e+00, v5;
	(erf) = vpow2.f32 v4;
	s23 =	sshra.s32 s0, $0x1F;
	p1 =	slt.s32 s0, $0x1;
	p2 =	sne.s32 s15, $0x0  }
0x22e: {  	v8 =	vld [tilespmem:s2+$0x106C0];
	s24 =	sshrl.u32 s23, $0x1C;
	p1 =	por !p1, !p2  }
0x22f: {  	v6 =	vmul.f32 $1.442695020e+00, v6;
	(erf) = vpow2.f32 v5;
	s23 =	simm.s32 $0x1;
	s15 =	sadd.s32 s24, s0;
	p1 =	por !p1, !p1  }
0x230: {  	v9 =	vld [tilespmem:s2+$0x106D0];
	s15 =	sshra.s32 s15, $0x4;
	s23 =	simm.s32 @!p1 $0x0  }
0x231: {  	v5 =	vmul.f32 $1.442695020e+00, v7;
	(erf) = vpow2.f32 v6;
	s15 =	ssub.s32 s15, s23  }
0x232: {  	v6 =	vld [tilespmem:s2+$0x106E0];
	s24 =	sshll.u32 s15, $0x4;
	s15 =	sshll.u32 s15, $0x5  }
0x233: {  	v10 =	vmul.f32 $1.442695020e+00, v8;
	(erf) = vpow2.f32 v5;
	s25 =	sand.u32 $0x70, s24;
	s15 =	sand.u32 $0xFFFFFF00, s15  }
0x234: {  	v5 =	vld [tilespmem:s2+$0x106F0];
	s15 =	sor.u32 s25, s15  }
0x235: {  	v8 =	vimm.f32 $0.0e+00;
	v7 =	vmul.f32 $1.442695020e+00, v9;
	(erf) = vpow2.f32 v10;
	s23 =	simm.s32 $0x800;
	s25 =	simm.s32 $0x100;
	v4 =	vld [tilespmem:s15+$0x10600]  }
.LBB2_13:
0x236: {  	p1 =	sne.s32 s23, $0xFC00;
	v9 =	vld [tilespmem:s25+$0x10680];
	v10 =	vpop (erf)  }
0x237: {  	v8 =	vadd.f32 v10, v8;
	v6 =	vmul.f32 $1.442695020e+00, v6;
	(erf) = vpow2.f32 v7  }
0x238: {  	v7 =	vld [tilespmem:s25+$0x10690];
	v10 =	vpop (erf)  }
0x239: {  	v8 =	vadd.f32 v10, v8;
	v5 =	vmul.f32 $1.442695020e+00, v5;
	(erf) = vpow2.f32 v6  }
0x23a: {  	v6 =	vld [tilespmem:s25+$0x106A0];
	v10 =	vpop (erf)  }
0x23b: {  	v9 =	vmul.f32 $1.442695020e+00, v9;
	v8 =	vadd.f32 v10, v8;
	(erf) = vpow2.f32 v5  }
0x23c: {  	v5 =	vld [tilespmem:s25+$0x106B0];
	v10 =	vpop (erf)  }
0x23d: {  	v7 =	vmul.f32 $1.442695020e+00, v7;
	(erf) = vpow2.f32 v9;
	v8 =	vadd.f32 v10, v8  }
0x23e: {  	v9 =	vld [tilespmem:s25+$0x106C0];
	v10 =	vpop (erf)  }
0x23f: {  	v6 =	vmul.f32 $1.442695020e+00, v6;
	(erf) = vpow2.f32 v7;
	v7 =	vadd.f32 v10, v8  }
0x240: {  	v8 =	vld [tilespmem:s25+$0x106D0];
	v10 =	vpop (erf)  }
.Ltmp7:
0x241: {  	v5 =	vmul.f32 $1.442695020e+00, v5;
	(erf) = vpow2.f32 v6;
	v7 =	vadd.f32 v10, v7;
	(pc) =	sbr.rel @p1 .LBB2_13-.Ltmp7, $4  }
0x242: {  	v6 =	vld [tilespmem:s25+$0x106E0];
	v10 =	vpop (erf)  }
0x243: {  	v9 =	vmul.f32 $1.442695020e+00, v9;
	(erf) = vpow2.f32 v5;
	v10 =	vadd.f32 v10, v7  }
0x244: {  	v5 =	vld [tilespmem:s25+$0x106F0];
	v11 =	vpop (erf)  }
0x245: {  	s25 =	sshra.s32 s23, $0x2;
	s23 =	sadd.s32 $0x400, s23;
	v7 =	vmul.f32 $1.442695020e+00, v8;
	(erf) = vpow2.f32 v9;
	v8 =	vadd.f32 v11, v10  }
0x246: {  	v9 =	vld [tilespmem:s25+$0x10680];
	v10 =	vpop (erf)  }
0x247: {  	v8 =	vadd.f32 v10, v8;
	v6 =	vmul.f32 $1.442695020e+00, v6;
	(erf) = vpow2.f32 v7  }
0x248: {  	v7 =	vld [tilespmem:s25+$0x10690];
	v52 =	vpop (erf)  }
0x249: {  	v8 =	vadd.f32 v52, v8;
	v5 =	vmul.f32 $1.442695020e+00, v5;
	(erf) = vpow2.f32 v6  }
0x24a: {  	v6 =	vld [tilespmem:s25+$0x106A0];
	v53 =	vpop (erf)  }
0x24b: {  	v9 =	vmul.f32 $1.442695020e+00, v9;
	v8 =	vadd.f32 v53, v8;
	(erf) = vpow2.f32 v5  }
0x24c: {  	v5 =	vld [tilespmem:s25+$0x106B0];
	v54 =	vpop (erf)  }
0x24d: {  	v7 =	vmul.f32 $1.442695020e+00, v7;
	(erf) = vpow2.f32 v9;
	v8 =	vadd.f32 v54, v8  }
0x24e: {  	v55 =	vld [tilespmem:s25+$0x106C0];
	v56 =	vpop (erf)  }
0x24f: {  	v6 =	vmul.f32 $1.442695020e+00, v6;
	(erf) = vpow2.f32 v7;
	v7 =	vadd.f32 v56, v8;
	v8 =	vld [tilespmem:s25+$0x106D0]  }
0x250: {  	v57 =	vpop (erf)  }
0x251: {  	v5 =	vmul.f32 $1.442695020e+00, v5;
	(erf) = vpow2.f32 v6;
	v6 =	vadd.f32 v57, v7;
	v7 =	vld [tilespmem:s25+$0x106E0]  }
0x252: {  	v58 =	vpop (erf)  }
0x253: {  	v9 =	vmul.f32 $1.442695020e+00, v55;
	(erf) = vpow2.f32 v5;
	v5 =	vadd.f32 v58, v6;
	v6 =	vld [tilespmem:s25+$0x106F0]  }
0x254: {  	v59 =	vpop (erf);
	v8 =	vmul.f32 $1.442695020e+00, v8  }
0x255: {  	(erf) = vpow2.f32 v9;
	v5 =	vadd.f32 v59, v5  }
0x256: {  	v60 =	vpop (erf);
	v7 =	vmul.f32 $1.442695020e+00, v7  }
0x257: {  	(erf) = vpow2.f32 v8;
	v5 =	vadd.f32 v60, v5  }
0x258: {  	v8 =	vpop (erf);
	v6 =	vmul.f32 $1.442695020e+00, v6  }
0x259: {  	(erf) = vpow2.f32 v7;
	v5 =	vadd.f32 v8, v5  }
0x25a: {  	v7 =	vpop (erf)  }
0x25b: {  	(erf) = vpow2.f32 v6;
	v5 =	vadd.f32 v7, v5  }
0x25c: {  	v6 =	vpop (erf)  }
0x25d: {  	v5 =	vadd.f32 v6, v5  }
0x25e: {  	v6 =	vpop (erf)  }
0x25f: {  	v5 =	vadd.f32 v6, v5  }
0x260: {  	v6 =	vpop (erf)  }
0x261: {  	v5 =	vadd.f32 v6, v5  }
0x262: {  	v6 =	vpop (erf)  }
0x263: {  	v5 =	vadd.f32 v6, v5  }
0x264: {  	s2 =	sshll.u32 s21, $0x7;
	v6 =	vpop (erf)  }
0x265: {  	s2 =	sor.u32 $0x80, s2;
	v5 =	vadd.f32 v6, v5  }
0x266: {  	s2 =	sand.u32 $0x3FFFFF80, s2  }
0x267: {  	[tilespmem:s2+$0x600] =	vst v5  }
0x268: {  	v5 =	vld [tilespmem:s21+$0x401];
	_ =	sdelay $0x4  }
0x269: {  	(v2sf) =	vpush v5, $0x0;
	_ =	sdelay $0xe  }
0x26a: {  	s21 =	spop (v2sf)  }
0x26b: {  	s25 =	sand.u32 $0xF, s21  }
0x26c: {  	s15 =	sshra.s32 s21, $0x1F;
	p1 =	slt.s32 s21, $0x1;
	p2 =	sne.s32 s25, $0x0  }
0x26d: {  	s15 =	sshrl.u32 s15, $0x1C;
	p1 =	por !p1, !p2  }
0x26e: {  	s2 =	sadd.s32 s15, s21;
	s15 =	simm.s32 $0x1;
	p1 =	por !p1, !p1  }
0x26f: {  	s2 =	sshra.s32 s2, $0x4;
	s15 =	simm.s32 @!p1 $0x0  }
0x270: {  	s2 =	ssub.s32 s2, s15  }
0x271: {  	s15 =	sshll.u32 s2, $0x4;
	s2 =	sshll.u32 s2, $0x5  }
0x272: {  	s23 =	sand.u32 $0x70, s15;
	s2 =	sand.u32 $0xFFFFFF00, s2  }
0x273: {  	s2 =	sor.u32 s23, s2  }
0x274: {  	v5 =	vld [tilespmem:s2+$0x10680];
	s2 =	simm.s32 @!p0 $0x6  }
0x275: {  	_ =	swait.ge @!p0 [sflag:s2], $0x4000  }
0x276: {  	[sflag:s2] =	ssyncset.done @!p0 $0x0  }
0x277: {  	[sflag:s2] =	ssyncadd.s32 @!p0 $0xFFFFC000  }
0x278: {  	v6 =	vld.msk @!p0 [tilespmem:s3+$0x28], $0x3;
	_ =	sdelay $0x4  }
0x279: {  	v7 =	vshll.u32 @!p0 v6, $0x6  }
0x27a: {  	v8 =	vlaneseq.u32 @!p0;
	v6 =	vand.u32 @!p0 $0x7, v6;
	v7 =	vand.u32 @!p0 $0xFFFFFE00, v7  }
0x27b: {  	v6 =	vor.u32 @!p0 v6, v7;
	v7 =	vand.u32 @!p0 $0x1, v8;
	v8 =	vshrl.u32 @!p0 v8, $0x1  }
0x27c: {  	v6 =	vperm.xlane @!p0 v6, v7;
	v7 =	vmul.u32 @!p0 $0x8, v8;
	_ =	sdelay $0x1  }
0x27d: {  	v6 =	vadd.s32 @!p0 v7, v6;
	_ =	sdelay $0x3  }
0x27e: {  	s2 =	simm.s32 @!p0 $0x0;
	s3 =	simm.s32 @!p0 $0xC600  }
0x27f: {  	[tilespmem:s3], [sflag:$0x2] =	stream.indirect_vreg.gather @!p0 [hbm4b:s1+s2], $0x80, v6, vm1, $0xb8;
	[tilespmem:$0x18600] =	vst v63  }
0x280: {  	s3 =	simm.s32 @!p0 $0xCE00  }
0x281: {  	[tilespmem:s3], [sflag:$0x2] =	stream.indirect_vreg.gather @!p0 [hbm4b:s8+s2], $0x80, v6, vm1, $0xb8;
	[tilespmem:$0x18600] =	vst v63  }
0x282: {  	s3 =	simm.s32 @!p0 $0xD600  }
0x283: {  	[tilespmem:s3], [sflag:$0x2] =	stream.indirect_vreg.gather @!p0 [hbm4b:s9+s2], $0x80, v6, vm1, $0xb8;
	[tilespmem:$0x18600] =	vst v63  }
0x284: {  	s3 =	simm.s32 @!p0 $0xDE00  }
0x285: {  	[tilespmem:s3], [sflag:$0x2] =	stream.indirect_vreg.gather @!p0 [hbm4b:s10+s2], $0x80, v6, vm1, $0xb8;
	[tilespmem:$0x18600] =	vst v63  }
0x286: {  	s3 =	simm.s32 @!p0 $0xE600  }
0x287: {  	[tilespmem:s3], [sflag:$0x2] =	stream.indirect_vreg.gather @!p0 [hbm4b:s11+s2], $0x80, v6, vm1, $0xb8;
	[tilespmem:$0x18600] =	vst v63  }
0x288: {  	s3 =	simm.s32 @!p0 $0xEE00  }
0x289: {  	[tilespmem:s3], [sflag:$0x2] =	stream.indirect_vreg.gather @!p0 [hbm4b:s12+s2], $0x80, v6, vm1, $0xb8;
	[tilespmem:$0x18600] =	vst v63  }
0x28a: {  	s3 =	simm.s32 @!p0 $0xF600  }
0x28b: {  	[tilespmem:s3], [sflag:$0x2] =	stream.indirect_vreg.gather @!p0 [hbm4b:s13+s2], $0x80, v6, vm1, $0xb8;
	[tilespmem:$0x18600] =	vst v63  }
0x28c: {  	s3 =	simm.s32 @!p0 $0xFE00  }
0x28d: {  	[tilespmem:s3], [sflag:$0x2] =	stream.indirect_vreg.gather @!p0 [hbm4b:s14+s2], $0x80, v6, vm1, $0xb8;
	[tilespmem:$0x18600] =	vst v63  }
0x28e: {  	s3 =	sshll.u32 s20, $0x1  }
0x28f: {  	s16 =	sadd.s32 s5, s3  }
0x290: {  	_ =	swait.ge [sflag:s29], $0x4000;
	s2 =	sshll.u32 s16, $0xA  }
0x291: {  	[sflag:s29] =	ssyncset.done $0x0;
	s2 =	sand.u32 $0x1FFFE000, s2  }
0x292: {  	s23 =	simm.s32 $0x0;
	[sflag:s29] =	ssyncadd.s32 $0xFFFFC000;
	s2 =	sadd.s32 s2, s17  }
0x293: {  	[hbm4b:s2+s7] =	stream.strided.scatter [tilespmem:s18], [sflag:$0x8], $0x4000, s22, s7, $0x38;
	[tilespmem:$0x18600] =	vst v63  }
0x294: {  	v6 =	vld [tilespmem:s23+$0x14600];
	_ =	sdelay $0x1  }
0x295: {  	v7 =	vld [tilespmem:s23+$0x14610]  }
0x296: {  	s0 =	ssub.s32 s0, s24  }
0x297: {  	v61 =	vmov s0;
	v8 =	vld [tilespmem:s23+$0x14620]  }
0x298: {  	vm1 =	veq.s32 v61, v0;
	v6 =	vmul.f32 $1.442695020e+00, v6  }
0x299: {  	v4 =	vnsel vm1, $0x0, v4;
	v62 =	vld [tilespmem:s23+$0x14630]  }
0x29a: {  	v3 =	vadd.f32 v4, v3;
	v4 =	vmul.f32 $1.442695020e+00, v7;
	(erf) = vpow2.f32 v6  }
0x29b: {  	s25 =	ssub.s32 s21, s15;
	v63 =	vld [tilespmem:s23+$0x14640]  }
0x29c: {  	v7 =	vmul.f32 $1.442695020e+00, v8;
	v6 =	vmov s25;
	(erf) = vpow2.f32 v4  }
0x29d: {  	v11 =	vld [tilespmem:s23+$0x14650];
	vm1 =	veq.s32 v6, v0  }
0x29e: {  	v4 =	vmul.f32 $1.442695020e+00, v62;
	v5 =	vnsel vm1, $0x0, v5;
	(erf) = vpow2.f32 v7  }
0x29f: {  	v3 =	vadd.f32 v5, v3;
	v5 =	vld [tilespmem:s23+$0x14660]  }
0x2a0: {  	v8 =	vmul.f32 $1.442695020e+00, v63;
	(erf) = vpow2.f32 v4  }
0x2a1: {  	v4 =	vld [tilespmem:s23+$0x14670]  }
0x2a2: {  	s0 =	simm.s32 $0x100;
	s21 =	simm.s32 $0x800;
	v6 =	vmul.f32 $1.442695020e+00, v11;
	v7 =	vimm.f32 $0.0e+00;
	(erf) = vpow2.f32 v8  }
.LBB2_15:
0x2a3: {  	p1 =	sne.s32 s21, $0xFC00;
	v8 =	vld [tilespmem:s0+$0x14600];
	v9 =	vpop (erf)  }
0x2a4: {  	v7 =	vadd.f32 v9, v7;
	v5 =	vmul.f32 $1.442695020e+00, v5;
	(erf) = vpow2.f32 v6  }
0x2a5: {  	v6 =	vld [tilespmem:s0+$0x14610];
	v9 =	vpop (erf)  }
0x2a6: {  	v7 =	vadd.f32 v9, v7;
	v4 =	vmul.f32 $1.442695020e+00, v4;
	(erf) = vpow2.f32 v5  }
0x2a7: {  	v5 =	vld [tilespmem:s0+$0x14620];
	v9 =	vpop (erf)  }
0x2a8: {  	v8 =	vmul.f32 $1.442695020e+00, v8;
	v7 =	vadd.f32 v9, v7;
	(erf) = vpow2.f32 v4  }
0x2a9: {  	v4 =	vld [tilespmem:s0+$0x14630];
	v9 =	vpop (erf)  }
0x2aa: {  	v6 =	vmul.f32 $1.442695020e+00, v6;
	(erf) = vpow2.f32 v8;
	v7 =	vadd.f32 v9, v7  }
0x2ab: {  	v8 =	vld [tilespmem:s0+$0x14640];
	v9 =	vpop (erf)  }
0x2ac: {  	v5 =	vmul.f32 $1.442695020e+00, v5;
	(erf) = vpow2.f32 v6;
	v6 =	vadd.f32 v9, v7  }
0x2ad: {  	v7 =	vld [tilespmem:s0+$0x14650];
	v9 =	vpop (erf)  }
.Ltmp8:
0x2ae: {  	v4 =	vmul.f32 $1.442695020e+00, v4;
	(erf) = vpow2.f32 v5;
	v6 =	vadd.f32 v9, v6;
	(pc) =	sbr.rel @p1 .LBB2_15-.Ltmp8, $4  }
0x2af: {  	v5 =	vld [tilespmem:s0+$0x14660];
	v9 =	vpop (erf)  }
0x2b0: {  	v8 =	vmul.f32 $1.442695020e+00, v8;
	(erf) = vpow2.f32 v4;
	v9 =	vadd.f32 v9, v6  }
0x2b1: {  	v4 =	vld [tilespmem:s0+$0x14670];
	v10 =	vpop (erf)  }
0x2b2: {  	s0 =	sshra.s32 s21, $0x2;
	s21 =	sadd.s32 $0x400, s21;
	v6 =	vmul.f32 $1.442695020e+00, v7;
	(erf) = vpow2.f32 v8;
	v7 =	vadd.f32 v10, v9  }
0x2b3: {  	v8 =	vld [tilespmem:s0+$0x14600];
	v9 =	vpop (erf)  }
0x2b4: {  	v7 =	vadd.f32 v9, v7;
	v5 =	vmul.f32 $1.442695020e+00, v5;
	(erf) = vpow2.f32 v6  }
0x2b5: {  	v6 =	vld [tilespmem:s0+$0x14610];
	v9 =	vpop (erf)  }
0x2b6: {  	v7 =	vadd.f32 v9, v7;
	v4 =	vmul.f32 $1.442695020e+00, v4;
	(erf) = vpow2.f32 v5  }
0x2b7: {  	v5 =	vld [tilespmem:s0+$0x14620];
	v9 =	vpop (erf)  }
0x2b8: {  	v8 =	vmul.f32 $1.442695020e+00, v8;
	v7 =	vadd.f32 v9, v7;
	(erf) = vpow2.f32 v4  }
0x2b9: {  	v4 =	vld [tilespmem:s0+$0x14630];
	v9 =	vpop (erf)  }
0x2ba: {  	v6 =	vmul.f32 $1.442695020e+00, v6;
	(erf) = vpow2.f32 v8;
	v7 =	vadd.f32 v9, v7;
	v8 =	vld [tilespmem:s0+$0x14640]  }
0x2bb: {  	v9 =	vpop (erf)  }
0x2bc: {  	v5 =	vmul.f32 $1.442695020e+00, v5;
	(erf) = vpow2.f32 v6;
	v6 =	vadd.f32 v9, v7;
	v7 =	vld [tilespmem:s0+$0x14650]  }
0x2bd: {  	v9 =	vpop (erf)  }
0x2be: {  	v4 =	vmul.f32 $1.442695020e+00, v4;
	(erf) = vpow2.f32 v5;
	v5 =	vadd.f32 v9, v6;
	v6 =	vld [tilespmem:s0+$0x14660]  }
0x2bf: {  	v9 =	vpop (erf);
	v8 =	vmul.f32 $1.442695020e+00, v8  }
0x2c0: {  	(erf) = vpow2.f32 v4;
	v4 =	vadd.f32 v9, v5;
	v5 =	vld [tilespmem:s0+$0x14670]  }
0x2c1: {  	v9 =	vpop (erf);
	v7 =	vmul.f32 $1.442695020e+00, v7  }
0x2c2: {  	(erf) = vpow2.f32 v8;
	v4 =	vadd.f32 v9, v4  }
0x2c3: {  	v8 =	vpop (erf);
	v6 =	vmul.f32 $1.442695020e+00, v6  }
0x2c4: {  	(erf) = vpow2.f32 v7;
	v4 =	vadd.f32 v8, v4  }
0x2c5: {  	v7 =	vpop (erf);
	v5 =	vmul.f32 $1.442695020e+00, v5  }
0x2c6: {  	(erf) = vpow2.f32 v6;
	v4 =	vadd.f32 v7, v4  }
0x2c7: {  	v6 =	vpop (erf)  }
0x2c8: {  	(erf) = vpow2.f32 v5;
	v4 =	vadd.f32 v6, v4  }
0x2c9: {  	v5 =	vpop (erf)  }
0x2ca: {  	v4 =	vadd.f32 v5, v4  }
0x2cb: {  	v5 =	vpop (erf)  }
0x2cc: {  	v4 =	vadd.f32 v5, v4  }
0x2cd: {  	v5 =	vpop (erf)  }
0x2ce: {  	v4 =	vadd.f32 v5, v4  }
0x2cf: {  	v5 =	vpop (erf)  }
0x2d0: {  	v4 =	vadd.f32 v5, v4  }
0x2d1: {  	v5 =	vpop (erf)  }
0x2d2: {  	s24 =	sshll.u32 s20, $0x8;
	v4 =	vadd.f32 v5, v4  }
0x2d3: {  	s20 =	sand.u32 $0x3FFFFF00, s24  }
0x2d4: {  	[tilespmem:s20+$0x600] =	vst v4  }
0x2d5: {  	v4 =	vld [tilespmem:s3+$0x400];
	_ =	sdelay $0x4  }
0x2d6: {  	(v2sf) =	vpush v4, $0x0;
	_ =	sdelay $0x8  }
0x2d7: {  	s2 =	simm.s32 $0x0  }
0x2d8: {  	v4 =	vld [tilespmem:s2+$0x14680];
	_ =	sdelay $0x1  }
0x2d9: {  	v5 =	vld [tilespmem:s2+$0x14690];
	_ =	sdelay $0x1  }
0x2da: {  	v6 =	vld [tilespmem:s2+$0x146A0]  }
0x2db: {  	v4 =	vmul.f32 $1.442695020e+00, v4;
	s0 =	spop (v2sf)  }
0x2dc: {  	v7 =	vld [tilespmem:s2+$0x146B0];
	s15 =	sand.u32 $0xF, s0  }
0x2dd: {  	v5 =	vmul.f32 $1.442695020e+00, v5;
	(erf) = vpow2.f32 v4;
	s21 =	sshra.s32 s0, $0x1F;
	p1 =	slt.s32 s0, $0x1;
	p2 =	sne.s32 s15, $0x0  }
0x2de: {  	v8 =	vld [tilespmem:s2+$0x146C0];
	s25 =	sshrl.u32 s21, $0x1C;
	p1 =	por !p1, !p2  }
0x2df: {  	v6 =	vmul.f32 $1.442695020e+00, v6;
	(erf) = vpow2.f32 v5;
	s21 =	simm.s32 $0x1;
	s15 =	sadd.s32 s25, s0;
	p1 =	por !p1, !p1  }
0x2e0: {  	v9 =	vld [tilespmem:s2+$0x146D0];
	s15 =	sshra.s32 s15, $0x4;
	s21 =	simm.s32 @!p1 $0x0  }
0x2e1: {  	v5 =	vmul.f32 $1.442695020e+00, v7;
	(erf) = vpow2.f32 v6;
	s15 =	ssub.s32 s15, s21  }
0x2e2: {  	v6 =	vld [tilespmem:s2+$0x146E0];
	s21 =	sshll.u32 s15, $0x4;
	s15 =	sshll.u32 s15, $0x5  }
0x2e3: {  	v10 =	vmul.f32 $1.442695020e+00, v8;
	(erf) = vpow2.f32 v5;
	s23 =	sand.u32 $0x70, s21;
	s15 =	sand.u32 $0xFFFFFF00, s15  }
0x2e4: {  	v5 =	vld [tilespmem:s2+$0x146F0];
	s15 =	sor.u32 s23, s15  }
0x2e5: {  	s24 =	simm.s32 $0x100;
	v8 =	vimm.f32 $0.0e+00;
	v7 =	vmul.f32 $1.442695020e+00, v9;
	(erf) = vpow2.f32 v10;
	s23 =	simm.s32 $0x800;
	v4 =	vld [tilespmem:s15+$0x14600]  }
.LBB2_17:
0x2e6: {  	p1 =	sne.s32 s23, $0xFC00;
	v9 =	vld [tilespmem:s24+$0x14680];
	v10 =	vpop (erf)  }
0x2e7: {  	v8 =	vadd.f32 v10, v8;
	v6 =	vmul.f32 $1.442695020e+00, v6;
	(erf) = vpow2.f32 v7  }
0x2e8: {  	v7 =	vld [tilespmem:s24+$0x14690];
	v10 =	vpop (erf)  }
0x2e9: {  	v8 =	vadd.f32 v10, v8;
	v5 =	vmul.f32 $1.442695020e+00, v5;
	(erf) = vpow2.f32 v6  }
0x2ea: {  	v6 =	vld [tilespmem:s24+$0x146A0];
	v10 =	vpop (erf)  }
0x2eb: {  	v9 =	vmul.f32 $1.442695020e+00, v9;
	v8 =	vadd.f32 v10, v8;
	(erf) = vpow2.f32 v5  }
0x2ec: {  	v5 =	vld [tilespmem:s24+$0x146B0];
	v10 =	vpop (erf)  }
0x2ed: {  	v7 =	vmul.f32 $1.442695020e+00, v7;
	(erf) = vpow2.f32 v9;
	v8 =	vadd.f32 v10, v8  }
0x2ee: {  	v9 =	vld [tilespmem:s24+$0x146C0];
	v10 =	vpop (erf)  }
0x2ef: {  	v6 =	vmul.f32 $1.442695020e+00, v6;
	(erf) = vpow2.f32 v7;
	v7 =	vadd.f32 v10, v8  }
0x2f0: {  	v8 =	vld [tilespmem:s24+$0x146D0];
	v10 =	vpop (erf)  }
.Ltmp9:
0x2f1: {  	v5 =	vmul.f32 $1.442695020e+00, v5;
	(erf) = vpow2.f32 v6;
	v7 =	vadd.f32 v10, v7;
	(pc) =	sbr.rel @p1 .LBB2_17-.Ltmp9, $4  }
0x2f2: {  	v6 =	vld [tilespmem:s24+$0x146E0];
	v10 =	vpop (erf)  }
0x2f3: {  	v9 =	vmul.f32 $1.442695020e+00, v9;
	(erf) = vpow2.f32 v5;
	v10 =	vadd.f32 v10, v7  }
0x2f4: {  	v5 =	vld [tilespmem:s24+$0x146F0];
	v11 =	vpop (erf)  }
0x2f5: {  	s24 =	sshra.s32 s23, $0x2;
	s23 =	sadd.s32 $0x400, s23;
	v7 =	vmul.f32 $1.442695020e+00, v8;
	(erf) = vpow2.f32 v9;
	v8 =	vadd.f32 v11, v10  }
0x2f6: {  	v9 =	vld [tilespmem:s24+$0x14680];
	v10 =	vpop (erf)  }
0x2f7: {  	v8 =	vadd.f32 v10, v8;
	v6 =	vmul.f32 $1.442695020e+00, v6;
	(erf) = vpow2.f32 v7  }
0x2f8: {  	v39 =	vld [tilespmem:s24+$0x14690];
	v40 =	vpop (erf)  }
0x2f9: {  	v8 =	vadd.f32 v40, v8;
	v5 =	vmul.f32 $1.442695020e+00, v5;
	(erf) = vpow2.f32 v6  }
0x2fa: {  	v41 =	vld [tilespmem:s24+$0x146A0];
	v42 =	vpop (erf)  }
0x2fb: {  	v9 =	vmul.f32 $1.442695020e+00, v9;
	v8 =	vadd.f32 v42, v8;
	(erf) = vpow2.f32 v5  }
0x2fc: {  	v5 =	vld [tilespmem:s24+$0x146B0];
	v43 =	vpop (erf)  }
0x2fd: {  	v7 =	vmul.f32 $1.442695020e+00, v39;
	(erf) = vpow2.f32 v9;
	v8 =	vadd.f32 v43, v8  }
0x2fe: {  	v44 =	vld [tilespmem:s24+$0x146C0];
	v45 =	vpop (erf)  }
0x2ff: {  	v6 =	vmul.f32 $1.442695020e+00, v41;
	(erf) = vpow2.f32 v7;
	v46 =	vadd.f32 v45, v8  }
0x300: {  	v47 =	vld [tilespmem:s24+$0x146D0];
	v48 =	vpop (erf)  }
0x301: {  	v5 =	vmul.f32 $1.442695020e+00, v5;
	(erf) = vpow2.f32 v6;
	v49 =	vadd.f32 v48, v46  }
0x302: {  	v50 =	vld [tilespmem:s24+$0x146E0];
	v51 =	vpop (erf)  }
0x303: {  	v9 =	vmul.f32 $1.442695020e+00, v44;
	(erf) = vpow2.f32 v5;
	v5 =	vadd.f32 v51, v49  }
0x304: {  	v52 =	vld [tilespmem:s24+$0x146F0];
	v53 =	vpop (erf)  }
0x305: {  	v8 =	vmul.f32 $1.442695020e+00, v47;
	(erf) = vpow2.f32 v9;
	v5 =	vadd.f32 v53, v5  }
0x306: {  	v54 =	vpop (erf)  }
0x307: {  	v7 =	vmul.f32 $1.442695020e+00, v50;
	(erf) = vpow2.f32 v8;
	v5 =	vadd.f32 v54, v5  }
0x308: {  	v55 =	vpop (erf)  }
0x309: {  	v6 =	vmul.f32 $1.442695020e+00, v52;
	(erf) = vpow2.f32 v7;
	v5 =	vadd.f32 v55, v5  }
0x30a: {  	v56 =	vpop (erf)  }
0x30b: {  	(erf) = vpow2.f32 v6;
	v5 =	vadd.f32 v56, v5  }
0x30c: {  	v57 =	vpop (erf)  }
0x30d: {  	v5 =	vadd.f32 v57, v5  }
0x30e: {  	v58 =	vpop (erf)  }
0x30f: {  	v5 =	vadd.f32 v58, v5  }
0x310: {  	v59 =	vpop (erf)  }
0x311: {  	v5 =	vadd.f32 v59, v5  }
0x312: {  	v60 =	vpop (erf)  }
0x313: {  	v5 =	vadd.f32 v60, v5  }
0x314: {  	v61 =	vpop (erf)  }
0x315: {  	v5 =	vadd.f32 v61, v5;
	_ =	sdelay $0x1  }
0x316: {  	[tilespmem:s20+$0x680] =	vst v5  }
0x317: {  	v5 =	vld [tilespmem:s3+$0x401];
	_ =	sdelay $0x4  }
0x318: {  	(v2sf) =	vpush v5, $0x0;
	_ =	sdelay $0xe  }
0x319: {  	s2 =	spop (v2sf)  }
0x31a: {  	s20 =	sand.u32 $0xF, s2  }
0x31b: {  	s15 =	sshra.s32 s2, $0x1F;
	p1 =	slt.s32 s2, $0x1;
	p2 =	sne.s32 s20, $0x0  }
0x31c: {  	s23 =	sshrl.u32 s15, $0x1C;
	p1 =	por !p1, !p2  }
0x31d: {  	s15 =	simm.s32 $0x1;
	s3 =	sadd.s32 s23, s2;
	p1 =	por !p1, !p1  }
0x31e: {  	s3 =	sshra.s32 s3, $0x4;
	s15 =	simm.s32 @!p1 $0x0  }
0x31f: {  	s3 =	ssub.s32 s3, s15  }
0x320: {  	s15 =	sshll.u32 s3, $0x4;
	s3 =	sshll.u32 s3, $0x5  }
0x321: {  	s24 =	sand.u32 $0x70, s15;
	s3 =	sand.u32 $0xFFFFFF00, s3  }
0x322: {  	s3 =	sor.u32 s24, s3  }
0x323: {  	s0 =	ssub.s32 s0, s21;
	v5 =	vld [tilespmem:s3+$0x14680]  }
0x324: {  	v62 =	vmov s0  }
.Ltmp10:
0x325: {  	vm1 =	veq.s32 v62, v0;
	s25 =	ssub.s32 s2, s15;
	(pc) =	sbr.rel @p0 .LBB2_20-.Ltmp10, $4  }
0x326: {  	v4 =	vnsel vm1, $0x0, v4;
	v63 =	vmov s25  }
0x327: {  	v3 =	vadd.f32 v4, v3;
	vm1 =	veq.s32 v63, v0  }
0x328: {  	v4 =	vnsel vm1, $0x0, v5  }
0x329: {  	v3 =	vadd.f32 v4, v3  }
0x32a: {  	_ =	swait.ge [sflag:s30], $0x4000  }
0x32b: {  	s0 =	sshll.u32 s19, $0x5;
	[sflag:s30] =	ssyncset.done $0x0  }
0x32c: {  	s0 =	sand.u32 $0x3FFFFFE0, s0;
	[sflag:s30] =	ssyncadd.s32 $0xFFFFC000  }
0x32d: {  	v4 =	vld.msk [tilespmem:s0+$0x30], $0x3;
	_ =	sdelay $0x4  }
0x32e: {  	v5 =	vshll.u32 v4, $0x6  }
0x32f: {  	v4 =	vand.u32 $0x7, v4;
	v5 =	vand.u32 $0xFFFFFE00, v5  }
0x330: {  	v4 =	vor.u32 v4, v5  }
0x331: {  	v4 =	vperm.xlane v4, v1;
	_ =	sdelay $0x1  }
0x332: {  	v4 =	vadd.s32 v2, v4;
	_ =	sdelay $0x4  }
0x333: {  	[tilespmem:s31], [sflag:$0x3] =	stream.indirect_vreg.gather [hbm4b:s1+s4], $0x80, v4, vm0, $0xb8;
	[tilespmem:$0x18600] =	vst v63  }
0x334: {  	s15 =	simm.s32 $0x10E00  }
0x335: {  	[tilespmem:s15], [sflag:$0x3] =	stream.indirect_vreg.gather [hbm4b:s8+s4], $0x80, v4, vm0, $0xb8;
	[tilespmem:$0x18600] =	vst v63  }
0x336: {  	s16 =	simm.s32 $0x11600  }
0x337: {  	[tilespmem:s16], [sflag:$0x3] =	stream.indirect_vreg.gather [hbm4b:s9+s4], $0x80, v4, vm0, $0xb8;
	[tilespmem:$0x18600] =	vst v63  }
0x338: {  	s20 =	simm.s32 $0x11E00  }
0x339: {  	[tilespmem:s20], [sflag:$0x3] =	stream.indirect_vreg.gather [hbm4b:s10+s4], $0x80, v4, vm0, $0xb8;
	[tilespmem:$0x18600] =	vst v63  }
0x33a: {  	s21 =	simm.s32 $0x12600  }
0x33b: {  	[tilespmem:s21], [sflag:$0x3] =	stream.indirect_vreg.gather [hbm4b:s11+s4], $0x80, v4, vm0, $0xb8;
	[tilespmem:$0x18600] =	vst v63  }
0x33c: {  	s23 =	simm.s32 $0x12E00  }
0x33d: {  	[tilespmem:s23], [sflag:$0x3] =	stream.indirect_vreg.gather [hbm4b:s12+s4], $0x80, v4, vm0, $0xb8;
	[tilespmem:$0x18600] =	vst v63  }
.Ltmp11:
0x33e: {  	_ = 	snop;
	(pc) =	sbr.rel .LBB2_2-.Ltmp11, $4  }
0x33f: {  	s24 =	simm.s32 $0x13600  }
0x340: {  	[tilespmem:s24], [sflag:$0x3] =	stream.indirect_vreg.gather [hbm4b:s13+s4], $0x80, v4, vm0, $0xb8;
	[tilespmem:$0x18600] =	vst v63  }
0x341: {  	s25 =	simm.s32 $0x13E00;
	s19 =	sadd.s32 $0x1, s19  }
0x342: {  	[tilespmem:s25], [sflag:$0x3] =	stream.indirect_vreg.gather [hbm4b:s14+s4], $0x80, v4, vm0, $0xb8;
	[tilespmem:$0x18600] =	vst v63  }
.LBB2_21:
0x343: {  	_ =	sfence.sel $0x180000  }
0x344: {  	[bflag:$0x0] =	sbarrier.arrive $0xFFFF  }
0x345: {  	_ =	strace $0x90000047  }
0x346: {  	s0 =	stileid.u32;
	[bflag:$0x2] =	sbarrier.arrive $0xFFFF  }
0x347: {  	p0 =	sne.s32 s0, $0x0;
	s0 =	rddreg [dreg:$0x3]  }
0x348: {  	s0 =	sadd.s32 @!p0 $0x100000, s0  }
0x349: {  	[sflag:s0] =	ssyncadd.tile.s32 @!p0 $0x1;
	_ =	shalt  }
.Lfunc_end2:
_tile_overlayer_lowered:
.L_overlay_start_2:
0x34a: {  	(tag) =	ssettag $0x2  }
0x34b: {  	s0 =	rddreg [dreg:$0x0];
	s2 =	stileid.u32  }
0x34c: {  	s1 =	rddreg [dreg:$0x1];
	p0 =	sne.s32 s2, $0x0  }
0x34d: {  	s3 =	rddreg [dreg:$0x2];
	[bflag:$0x3] =	sbarrier.arrive $0xFFFF;
	s2 =	simm.s32 @!p0 $0x1C09  }
0x34e: {  	[timem:s3], [sflag:s2] =	dma.local @!p0 [hbm:s0], s1  }
0x34f: {  	s0 =	simm.s32 @!p0 $0x9  }
0x350: {  	_ =	swait.ge @!p0 [sflag:s0], s1  }
0x351: {  	s1 =	ssub.s32 @!p0 $0x0, s1;
	[sflag:s0] =	ssyncset.done @!p0 $0x0  }
0x352: {  	[sflag:s0] =	ssyncadd.s32 @!p0 s1  }
0x353: {  	[bflag:$0x3] =	sbarrier.arrive $0xFFFF  }
0x354: {  	_ =	shalt  }

</sc_bundles>
